<compile_context>
chip_gen: v7x
topology: tpu7x:2x2x1
jax: 0.10.2.dev20260603
libtpu: 0.0.44.dev20260713+nightly
codegen_flags: <defaults>
</compile_context>

<pallas_src>
import jax
import jax.numpy as jnp
from jax import lax
from jax.experimental import pallas as pl
from jax.experimental.pallas import tpu as pltpu
from jax.experimental.pallas import tpu_sc as plsc

N = 10000
E = 320000
D = 128

NC = 2
NS = 16
NW = NC * NS
EPW = E // NW
C = 80
G = EPW // C
S = 4
NSUP = (G - 1) // S
NPAD = 10112
RPT = NPAD // NS
LPR = D // 16


def _sc_edge_body(idx_hbm, x_hbm, ef_hbm, out_hbm,
                  idq0, big0, big1, xv0, xv1, mv0, mv1,
                  sq0, sbig0, sbig1, sef0, sef1, sx0, sx1, ssc0, ssc1,
                  agg_sh):
    big = (big0, big1)
    xv = (xv0, xv1)
    mv = (mv0, mv1)
    sbig = (sbig0, sbig1)
    sef = (sef0, sef1)
    sx = (sx0, sx1)
    ssc = (ssc0, ssc1)

    c = lax.axis_index("c")
    s = lax.axis_index("s")
    wid = c * NS + s
    ibase = wid * EPW

    @plsc.parallel_loop(0, C, 1, unroll=4)
    def _(r):
        for j in range(LPR):
            mv0[r, pl.ds(j * 16, 16)] = jnp.zeros((16,), jnp.float32)

    zbase = s * RPT
    for t in range(RPT // C):
        pltpu.sync_copy(mv0, agg_sh.at[pl.ds(zbase + t * C, C)])
    rem = RPT % C
    if rem:
        pltpu.sync_copy(mv0.at[pl.ds(0, rem)],
                        agg_sh.at[pl.ds(zbase + (RPT // C) * C, rem)])

    plsc.subcore_barrier()

    def start_big(j, B):
        ebase = pl.multiple_of(ibase + (1 + S * j) * C, 8)
        pltpu.async_copy(idx_hbm.at[:, pl.ds(ebase, S * C)], big[B], sbig[B])

    def wait_big(B):
        pltpu.make_async_copy(
            idx_hbm.at[:, pl.ds(0, S * C)], big[B], sbig[B]).wait()

    def start_in(gofs, j, b, sidx_ref):
        ebase = pl.multiple_of(ibase + (1 + S * j + gofs - 1) * C, 8)
        pltpu.async_copy(x_hbm.at[sidx_ref], xv[b], sx[b])
        pltpu.async_copy(ef_hbm.at[pl.ds(ebase, C)], mv[b], sef[b])

    def wait_in(b):
        pltpu.make_async_copy(ef_hbm.at[pl.ds(0, C)], mv[b], sef[b]).wait()
        pltpu.make_async_copy(x_hbm.at[idq0.at[0]], xv[b], sx[b]).wait()

    def compute(b):
        @plsc.parallel_loop(0, C, 1, unroll=4)
        def _(r):
            for j in range(LPR):
                sl = pl.ds(j * 16, 16)
                mv[b][r, sl] = jnp.maximum(mv[b][r, sl] + xv[b][r, sl], 0.0)

    def start_scatter(b, didx_ref):
        pltpu.async_copy(mv[b], agg_sh.at[didx_ref], ssc[b], add=True)

    def wait_scatter(b):
        pltpu.make_async_copy(mv[b], agg_sh.at[idq0.at[1]], ssc[b]).wait()

    pltpu.async_copy(idx_hbm.at[:, pl.ds(pl.multiple_of(ibase, 8), C)],
                     idq0, sq0)
    start_big(0, 0)
    pltpu.make_async_copy(idx_hbm.at[:, pl.ds(0, C)], idq0, sq0).wait()
    pltpu.async_copy(ef_hbm.at[pl.ds(pl.multiple_of(ibase, 8), C)],
                     mv[0], sef[0])
    pltpu.async_copy(x_hbm.at[idq0.at[0]], xv[0], sx[0])

    wait_big(0)
    start_in(1, 0, 1, big[0].at[0, pl.ds(0, C)])
    wait_in(0)
    compute(0)
    start_scatter(0, idq0.at[1])

    def super_chunk(j, carry):
        B = j % 2

        for k in range(S):
            b = (1 + k) % 2
            wait_scatter(b ^ 1)
            if k < S - 1:
                guard0 = j % 2 == 0
                guard1 = j % 2 == 1
            else:
                guard0 = (j % 2 == 0) & (j < NSUP - 1)
                guard1 = (j % 2 == 1) & (j < NSUP - 1)

            @pl.when(guard0)
            def _():
                if k == S - 1:
                    wait_big(1)
                    start_in(k + 2, j, b ^ 1, big[1].at[0, pl.ds(0, C)])
                else:
                    start_in(k + 2, j, b ^ 1,
                             big[0].at[0, pl.ds((k + 1) * C, C)])

            @pl.when(guard1)
            def _():
                if k == S - 1:
                    wait_big(0)
                    start_in(k + 2, j, b ^ 1, big[0].at[0, pl.ds(0, C)])
                else:
                    start_in(k + 2, j, b ^ 1,
                             big[1].at[0, pl.ds((k + 1) * C, C)])
            wait_in(b)
            compute(b)
            @pl.when(j % 2 == 0)
            def _():
                start_scatter(b, big[0].at[1, pl.ds(k * C, C)])

            @pl.when(j % 2 == 1)
            def _():
                start_scatter(b, big[1].at[1, pl.ds(k * C, C)])
            if k == 1:
                @pl.when(j < NSUP - 1)
                def _():
                    @pl.when(j % 2 == 0)
                    def _():
                        start_big(j + 1, 1)

                    @pl.when(j % 2 == 1)
                    def _():
                        start_big(j + 1, 0)
        return carry

    lax.fori_loop(0, NSUP, super_chunk, 0)

    wait_scatter(0)

    plsc.subcore_barrier()

    rbase = s * RPT
    pltpu.sync_copy(agg_sh.at[pl.ds(rbase, RPT)],
                    out_hbm.at[c, pl.ds(rbase, RPT)])


@jax.jit
def _sc_edge_phase(idx2, x, ef):
    mesh = plsc.VectorSubcoreMesh(core_axis_name="c", subcore_axis_name="s")
    k = pl.kernel(
        _sc_edge_body,
        out_type=jax.ShapeDtypeStruct((NC, NPAD, D), jnp.float32),
        mesh=mesh,
        compiler_params=pltpu.CompilerParams(use_tc_tiling_on_sc=False),
        scratch_types=[
            pltpu.VMEM((2, C), jnp.int32),
            pltpu.VMEM((2, S * C), jnp.int32),
            pltpu.VMEM((2, S * C), jnp.int32),
            pltpu.VMEM((C, D), jnp.float32),
            pltpu.VMEM((C, D), jnp.float32),
            pltpu.VMEM((C, D), jnp.float32),
            pltpu.VMEM((C, D), jnp.float32),
            pltpu.SemaphoreType.DMA,
            pltpu.SemaphoreType.DMA,
            pltpu.SemaphoreType.DMA,
            pltpu.SemaphoreType.DMA,
            pltpu.SemaphoreType.DMA,
            pltpu.SemaphoreType.DMA,
            pltpu.SemaphoreType.DMA,
            pltpu.SemaphoreType.DMA,
            pltpu.SemaphoreType.DMA,
            pltpu.VMEM_SHARED((NPAD, D), jnp.float32),
        ],
    )
    return k(idx2, x, ef)


def _mlp_body(x_ref, p_ref, w1_ref, b1_ref, w2_ref, b2_ref, o_ref):
    h = x_ref[...] + p_ref[0] + p_ref[1]
    h = jnp.maximum(
        jnp.dot(h, w1_ref[...], preferred_element_type=jnp.float32) + b1_ref[...],
        0.0)
    o_ref[...] = (
        jnp.dot(h, w2_ref[...], preferred_element_type=jnp.float32) + b2_ref[...])


BR = 2000


@jax.jit
def _mlp_phase(x, p, W1, b1, W2, b2):
    grid = (N // BR,)
    return pl.pallas_call(
        _mlp_body,
        grid=grid,
        in_specs=[
            pl.BlockSpec((BR, D), lambda i: (i, 0)),
            pl.BlockSpec((NC, BR, D), lambda i: (0, i, 0)),
            pl.BlockSpec((D, D), lambda i: (0, 0)),
            pl.BlockSpec((1, D), lambda i: (0, 0)),
            pl.BlockSpec((D, D), lambda i: (0, 0)),
            pl.BlockSpec((1, D), lambda i: (0, 0)),
        ],
        out_specs=pl.BlockSpec((BR, D), lambda i: (i, 0)),
        out_shape=jax.ShapeDtypeStruct((N, D), jnp.float32),
    )(x, p, W1, b1.reshape(1, D), W2, b2.reshape(1, D))


def kernel(x, edge_index, identifiers, degrees, edge_features, W1, b1, W2, b2):
    p = _sc_edge_phase(edge_index, x, edge_features)
    return _mlp_phase(x, p, W1, b1, W2, b2)

# --- scband reference (transcript-rebuilt; emitter-appended) ---
"""Pipeline reference for scband-mpnn-edge-sparse-ogb-61005715472600 (READ-ONLY COPY).

The authoritative reference and input builder live on the scoring server;
editing this copy changes nothing except your own understanding.
"""

import jax, jax.numpy as jnp
import numpy as np

N = 10000
E = 320000
D = 128

def setup_inputs(seed: int = 0) -> dict:
    key = jax.random.key(seed)
    ks = jax.random.split(key, 8)
    x = jax.random.normal(ks[0], (N, D), dtype=jnp.float32)
    edge_index = jax.random.randint(ks[1], (2, E), 0, N, dtype=jnp.int32)
    identifiers = jax.random.randint(ks[2], (N,), 0, N, dtype=jnp.int32)
    degrees = jax.random.uniform(ks[3], (N,), dtype=jnp.float32)
    edge_features = jax.random.normal(ks[4], (E, D), dtype=jnp.float32)
    W1 = jax.random.normal(ks[5], (D, D), dtype=jnp.float32) * 0.05
    b1 = jnp.zeros((D,), dtype=jnp.float32)
    W2 = jax.random.normal(ks[6], (D, D), dtype=jnp.float32) * 0.05
    b2 = jnp.zeros((D,), dtype=jnp.float32)
    return {"x": x, "edge_index": edge_index, "identifiers": identifiers,
            "degrees": degrees, "edge_features": edge_features,
            "W1": W1, "b1": b1, "W2": W2, "b2": b2}

def reference(x, edge_index, identifiers, degrees, edge_features, W1, b1, W2, b2):
    # flow='source_to_target' => select=1, aggr_dim=0:
    # messages come from x[edge_index[0]] (source, x_j) and are summed into
    # nodes indexed by edge_index[1] (sparse.sum over dim 0 leaves the column index).
    eps = 0.0  # buffer, train_eps=False
    src = edge_index[0]
    dst = edge_index[1]
    # message: relu(x_j + edge_features), msg_kind='ogb'
    msgs = jax.nn.relu(jnp.take(x, src, axis=0) + edge_features)
    # aggr='add': scatter-add into destination nodes
    agg = jax.ops.segment_sum(msgs, dst, num_segments=x.shape[0])
    h = (1.0 + eps) * x + agg
    # update_fn: 2-layer MLP (bn=False, activation='relu')
    h = jax.nn.relu(h @ W1 + b1)
    out = h @ W2 + b2
    return out

if __name__ == "__main__":
    import jax
    _d = setup_inputs()
    print(jax.jit(kernel)(*tuple(_d.values())))

</pallas_src>

<mosaic_0001>
#map = affine_map<(d0, d1) -> (0, 0)>
#map1 = affine_map<(d0, d1) -> (0, 0, 0)>
module attributes {stable_mosaic.version = 14 : i64} {
  func.func @_sc_edge_body(%arg0: i32, %arg1: i32, %arg2: memref<2x320000xi32, #tpu.memory_space<hbm>>, %arg3: memref<10000x128xf32, #tpu.memory_space<hbm>>, %arg4: memref<320000x128xf32, #tpu.memory_space<hbm>>, %arg5: memref<2x10112x128xf32, #tpu.memory_space<hbm>>, %arg6: memref<2x80xi32, #tpu.memory_space<vmem>>, %arg7: memref<2x320xi32, #tpu.memory_space<vmem>>, %arg8: memref<2x320xi32, #tpu.memory_space<vmem>>, %arg9: memref<80x128xf32, #tpu.memory_space<vmem>>, %arg10: memref<80x128xf32, #tpu.memory_space<vmem>>, %arg11: memref<80x128xf32, #tpu.memory_space<vmem>>, %arg12: memref<80x128xf32, #tpu.memory_space<vmem>>, %arg13: memref<!tpu.dma_semaphore, #tpu.memory_space<semaphore_mem>>, %arg14: memref<!tpu.dma_semaphore, #tpu.memory_space<semaphore_mem>>, %arg15: memref<!tpu.dma_semaphore, #tpu.memory_space<semaphore_mem>>, %arg16: memref<!tpu.dma_semaphore, #tpu.memory_space<semaphore_mem>>, %arg17: memref<!tpu.dma_semaphore, #tpu.memory_space<semaphore_mem>>, %arg18: memref<!tpu.dma_semaphore, #tpu.memory_space<semaphore_mem>>, %arg19: memref<!tpu.dma_semaphore, #tpu.memory_space<semaphore_mem>>, %arg20: memref<!tpu.dma_semaphore, #tpu.memory_space<semaphore_mem>>, %arg21: memref<!tpu.dma_semaphore, #tpu.memory_space<semaphore_mem>>, %arg22: memref<10112x128xf32, #tpu.memory_space<vmem_shared>>) attributes {dimension_semantics = [#tpu.dimension_semantics<core_parallel>, #tpu.dimension_semantics<subcore_parallel>], iteration_bounds = array<i64: 2, 16>, scalar_prefetch = 0 : i64, scratch_operands = 17 : i64, tpu.core_type = #tpu.core_type<sc_vector_subcore>, window_params = [{transform_indices = #map}, {transform_indices = #map}, {transform_indices = #map}, {transform_indices = #map1}]} {
    %mul3A = arith.constant 16 : i32
    %mul3A_0 = arith.muli %arg0, %mul3A : i32
    %add3A = arith.addi %mul3A_0, %arg1 : i32
    %mul3A_1 = arith.constant 10000 : i32
    %mul3A_2 = arith.muli %add3A, %mul3A_1 : i32
    %parallel_loop3A = arith.constant 0 : i32
    %parallel_loop3A_3 = arith.constant 80 : i32
    %parallel_loop3A_4 = arith.constant 1 : i32
    scf.for %parallel_loop3A_108 = %parallel_loop3A to %parallel_loop3A_3 step %parallel_loop3A_4  : i32 {
      %parallel_loop3A_109 = arith.constant 0.000000e+00 : f32
      %parallel_loop3A_110 = vector.broadcast %parallel_loop3A_109 : f32 to vector<16xf32>
      %parallel_loop3A_111 = arith.index_cast %parallel_loop3A_108 : i32 to index
      %parallel_loop3A_112 = arith.constant 0 : index
      %parallel_loop3A_113 = tpu.vector_load %arg11[%parallel_loop3A_111, %parallel_loop3A_112] {strides = array<i32>} : memref<80x128xf32, #tpu.memory_space<vmem>>, vector<1x16xf32>,
      %parallel_loop3A_114 = vector.shape_cast %parallel_loop3A_113 : vector<1x16xf32> to vector<16xf32>
      %parallel_loop3A_115 = vector.shape_cast %parallel_loop3A_110 : vector<16xf32> to vector<1x16xf32>
      tpu.vector_store %arg11[%parallel_loop3A_111, %parallel_loop3A_112], %parallel_loop3A_115 {strides = array<i32>} : memref<80x128xf32, #tpu.memory_space<vmem>>, vector<1x16xf32>,
      %parallel_loop3A_116 = arith.constant 0.000000e+00 : f32
      %parallel_loop3A_117 = vector.broadcast %parallel_loop3A_116 : f32 to vector<16xf32>
      %parallel_loop3A_118 = arith.index_cast %parallel_loop3A_108 : i32 to index
      %parallel_loop3A_119 = arith.constant 16 : index
      %parallel_loop3A_120 = tpu.vector_load %arg11[%parallel_loop3A_118, %parallel_loop3A_119] {strides = array<i32>} : memref<80x128xf32, #tpu.memory_space<vmem>>, vector<1x16xf32>,
      %parallel_loop3A_121 = vector.shape_cast %parallel_loop3A_120 : vector<1x16xf32> to vector<16xf32>
      %parallel_loop3A_122 = vector.shape_cast %parallel_loop3A_117 : vector<16xf32> to vector<1x16xf32>
      tpu.vector_store %arg11[%parallel_loop3A_118, %parallel_loop3A_119], %parallel_loop3A_122 {strides = array<i32>} : memref<80x128xf32, #tpu.memory_space<vmem>>, vector<1x16xf32>,
      %parallel_loop3A_123 = arith.constant 0.000000e+00 : f32
      %parallel_loop3A_124 = vector.broadcast %parallel_loop3A_123 : f32 to vector<16xf32>
      %parallel_loop3A_125 = arith.index_cast %parallel_loop3A_108 : i32 to index
      %parallel_loop3A_126 = arith.constant 32 : index
      %parallel_loop3A_127 = tpu.vector_load %arg11[%parallel_loop3A_125, %parallel_loop3A_126] {strides = array<i32>} : memref<80x128xf32, #tpu.memory_space<vmem>>, vector<1x16xf32>,
      %parallel_loop3A_128 = vector.shape_cast %parallel_loop3A_127 : vector<1x16xf32> to vector<16xf32>
      %parallel_loop3A_129 = vector.shape_cast %parallel_loop3A_124 : vector<16xf32> to vector<1x16xf32>
      tpu.vector_store %arg11[%parallel_loop3A_125, %parallel_loop3A_126], %parallel_loop3A_129 {strides = array<i32>} : memref<80x128xf32, #tpu.memory_space<vmem>>, vector<1x16xf32>,
      %parallel_loop3A_130 = arith.constant 0.000000e+00 : f32
      %parallel_loop3A_131 = vector.broadcast %parallel_loop3A_130 : f32 to vector<16xf32>
      %parallel_loop3A_132 = arith.index_cast %parallel_loop3A_108 : i32 to index
      %parallel_loop3A_133 = arith.constant 48 : index
      %parallel_loop3A_134 = tpu.vector_load %arg11[%parallel_loop3A_132, %parallel_loop3A_133] {strides = array<i32>} : memref<80x128xf32, #tpu.memory_space<vmem>>, vector<1x16xf32>,
      %parallel_loop3A_135 = vector.shape_cast %parallel_loop3A_134 : vector<1x16xf32> to vector<16xf32>
      %parallel_loop3A_136 = vector.shape_cast %parallel_loop3A_131 : vector<16xf32> to vector<1x16xf32>
      tpu.vector_store %arg11[%parallel_loop3A_132, %parallel_loop3A_133], %parallel_loop3A_136 {strides = array<i32>} : memref<80x128xf32, #tpu.memory_space<vmem>>, vector<1x16xf32>,
      %parallel_loop3A_137 = arith.constant 0.000000e+00 : f32
      %parallel_loop3A_138 = vector.broadcast %parallel_loop3A_137 : f32 to vector<16xf32>
      %parallel_loop3A_139 = arith.index_cast %parallel_loop3A_108 : i32 to index
      %parallel_loop3A_140 = arith.constant 64 : index
      %parallel_loop3A_141 = tpu.vector_load %arg11[%parallel_loop3A_139, %parallel_loop3A_140] {strides = array<i32>} : memref<80x128xf32, #tpu.memory_space<vmem>>, vector<1x16xf32>,
      %parallel_loop3A_142 = vector.shape_cast %parallel_loop3A_141 : vector<1x16xf32> to vector<16xf32>
      %parallel_loop3A_143 = vector.shape_cast %parallel_loop3A_138 : vector<16xf32> to vector<1x16xf32>
      tpu.vector_store %arg11[%parallel_loop3A_139, %parallel_loop3A_140], %parallel_loop3A_143 {strides = array<i32>} : memref<80x128xf32, #tpu.memory_space<vmem>>, vector<1x16xf32>,
      %parallel_loop3A_144 = arith.constant 0.000000e+00 : f32
      %parallel_loop3A_145 = vector.broadcast %parallel_loop3A_144 : f32 to vector<16xf32>
      %parallel_loop3A_146 = arith.index_cast %parallel_loop3A_108 : i32 to index
      %parallel_loop3A_147 = arith.constant 80 : index
      %parallel_loop3A_148 = tpu.vector_load %arg11[%parallel_loop3A_146, %parallel_loop3A_147] {strides = array<i32>} : memref<80x128xf32, #tpu.memory_space<vmem>>, vector<1x16xf32>,
      %parallel_loop3A_149 = vector.shape_cast %parallel_loop3A_148 : vector<1x16xf32> to vector<16xf32>
      %parallel_loop3A_150 = vector.shape_cast %parallel_loop3A_145 : vector<16xf32> to vector<1x16xf32>
      tpu.vector_store %arg11[%parallel_loop3A_146, %parallel_loop3A_147], %parallel_loop3A_150 {strides = array<i32>} : memref<80x128xf32, #tpu.memory_space<vmem>>, vector<1x16xf32>,
      %parallel_loop3A_151 = arith.constant 0.000000e+00 : f32
      %parallel_loop3A_152 = vector.broadcast %parallel_loop3A_151 : f32 to vector<16xf32>
      %parallel_loop3A_153 = arith.index_cast %parallel_loop3A_108 : i32 to index
      %parallel_loop3A_154 = arith.constant 96 : index
      %parallel_loop3A_155 = tpu.vector_load %arg11[%parallel_loop3A_153, %parallel_loop3A_154] {strides = array<i32>} : memref<80x128xf32, #tpu.memory_space<vmem>>, vector<1x16xf32>,
      %parallel_loop3A_156 = vector.shape_cast %parallel_loop3A_155 : vector<1x16xf32> to vector<16xf32>
      %parallel_loop3A_157 = vector.shape_cast %parallel_loop3A_152 : vector<16xf32> to vector<1x16xf32>
      tpu.vector_store %arg11[%parallel_loop3A_153, %parallel_loop3A_154], %parallel_loop3A_157 {strides = array<i32>} : memref<80x128xf32, #tpu.memory_space<vmem>>, vector<1x16xf32>,
      %parallel_loop3A_158 = arith.constant 0.000000e+00 : f32
      %parallel_loop3A_159 = vector.broadcast %parallel_loop3A_158 : f32 to vector<16xf32>
      %parallel_loop3A_160 = arith.index_cast %parallel_loop3A_108 : i32 to index
      %parallel_loop3A_161 = arith.constant 112 : index
      %parallel_loop3A_162 = tpu.vector_load %arg11[%parallel_loop3A_160, %parallel_loop3A_161] {strides = array<i32>} : memref<80x128xf32, #tpu.memory_space<vmem>>, vector<1x16xf32>,
      %parallel_loop3A_163 = vector.shape_cast %parallel_loop3A_162 : vector<1x16xf32> to vector<16xf32>
      %parallel_loop3A_164 = vector.shape_cast %parallel_loop3A_159 : vector<16xf32> to vector<1x16xf32>
      tpu.vector_store %arg11[%parallel_loop3A_160, %parallel_loop3A_161], %parallel_loop3A_164 {strides = array<i32>} : memref<80x128xf32, #tpu.memory_space<vmem>>, vector<1x16xf32>,
    } {sc.loop_unroll_factor = 4 : i64, sc.parallel_access}
    %mul3A_5 = arith.constant 632 : i32
    %mul3A_6 = arith.muli %arg1, %mul3A_5 : i32
    %add3A_7 = arith.constant 0 : i32
    %add3A_8 = arith.addi %mul3A_6, %add3A_7 : i32
    "tpu.region"() ({
      %run_scoped3A = tpu.sem_alloc : memref<!tpu.dma_semaphore, #tpu.memory_space<semaphore_mem>>
      %dma_start3A_108 = arith.constant 0 : i32
      %dma_start3A_109 = tpu.memref_slice %arg22[%add3A_8, %dma_start3A_108] : memref<10112x128xf32, #tpu.memory_space<vmem_shared>> -> memref<80x128xf32, #tpu.memory_space<vmem_shared>>
      %dma_start3A_110 = arith.constant 0 : i32
      %dma_start3A_111 = tpu.memref_slice %arg22[%add3A_8, %dma_start3A_110] : memref<10112x128xf32, #tpu.memory_space<vmem_shared>> -> memref<80x128xf32, #tpu.memory_space<vmem_shared>>
      tpu.enqueue_dma source(%arg11 : memref<80x128xf32, #tpu.memory_space<vmem>>) target(%dma_start3A_111 : memref<80x128xf32, #tpu.memory_space<vmem_shared>>) target_semaphore(%run_scoped3A : memref<!tpu.dma_semaphore, #tpu.memory_space<semaphore_mem>>)
      %dma_wait3A_112 = arith.constant 0 : i32
      %dma_wait3A_113 = tpu.memref_slice %arg22[%add3A_8, %dma_wait3A_112] : memref<10112x128xf32, #tpu.memory_space<vmem_shared>> -> memref<80x128xf32, #tpu.memory_space<vmem_shared>>
      %dma_wait3A_114 = arith.constant 0 : i32
      %dma_wait3A_115 = tpu.memref_slice %arg22[%add3A_8, %dma_wait3A_114] : memref<10112x128xf32, #tpu.memory_space<vmem_shared>> -> memref<80x128xf32, #tpu.memory_space<vmem_shared>>
      tpu.wait_dma2 semaphore(%run_scoped3A : memref<!tpu.dma_semaphore, #tpu.memory_space<semaphore_mem>>) src(%arg11 : memref<80x128xf32, #tpu.memory_space<vmem>>) dst(%dma_wait3A_115 : memref<80x128xf32, #tpu.memory_space<vmem_shared>>)
      tpu.yield
    }) : () -> ()
    %add3A_9 = arith.constant 80 : i32
    %add3A_10 = arith.addi %mul3A_6, %add3A_9 : i32
    "tpu.region"() ({
      %run_scoped3A = tpu.sem_alloc : memref<!tpu.dma_semaphore, #tpu.memory_space<semaphore_mem>>
      %dma_start3A_108 = arith.constant 0 : i32
      %dma_start3A_109 = tpu.memref_slice %arg22[%add3A_10, %dma_start3A_108] : memref<10112x128xf32, #tpu.memory_space<vmem_shared>> -> memref<80x128xf32, #tpu.memory_space<vmem_shared>>
      %dma_start3A_110 = arith.constant 0 : i32
      %dma_start3A_111 = tpu.memref_slice %arg22[%add3A_10, %dma_start3A_110] : memref<10112x128xf32, #tpu.memory_space<vmem_shared>> -> memref<80x128xf32, #tpu.memory_space<vmem_shared>>
      tpu.enqueue_dma source(%arg11 : memref<80x128xf32, #tpu.memory_space<vmem>>) target(%dma_start3A_111 : memref<80x128xf32, #tpu.memory_space<vmem_shared>>) target_semaphore(%run_scoped3A : memref<!tpu.dma_semaphore, #tpu.memory_space<semaphore_mem>>)
      %dma_wait3A_112 = arith.constant 0 : i32
      %dma_wait3A_113 = tpu.memref_slice %arg22[%add3A_10, %dma_wait3A_112] : memref<10112x128xf32, #tpu.memory_space<vmem_shared>> -> memref<80x128xf32, #tpu.memory_space<vmem_shared>>
      %dma_wait3A_114 = arith.constant 0 : i32
      %dma_wait3A_115 = tpu.memref_slice %arg22[%add3A_10, %dma_wait3A_114] : memref<10112x128xf32, #tpu.memory_space<vmem_shared>> -> memref<80x128xf32, #tpu.memory_space<vmem_shared>>
      tpu.wait_dma2 semaphore(%run_scoped3A : memref<!tpu.dma_semaphore, #tpu.memory_space<semaphore_mem>>) src(%arg11 : memref<80x128xf32, #tpu.memory_space<vmem>>) dst(%dma_wait3A_115 : memref<80x128xf32, #tpu.memory_space<vmem_shared>>)
      tpu.yield
    }) : () -> ()
    %add3A_11 = arith.constant 160 : i32
    %add3A_12 = arith.addi %mul3A_6, %add3A_11 : i32
    "tpu.region"() ({
      %run_scoped3A = tpu.sem_alloc : memref<!tpu.dma_semaphore, #tpu.memory_space<semaphore_mem>>
      %dma_start3A_108 = arith.constant 0 : i32
      %dma_start3A_109 = tpu.memref_slice %arg22[%add3A_12, %dma_start3A_108] : memref<10112x128xf32, #tpu.memory_space<vmem_shared>> -> memref<80x128xf32, #tpu.memory_space<vmem_shared>>
      %dma_start3A_110 = arith.constant 0 : i32
      %dma_start3A_111 = tpu.memref_slice %arg22[%add3A_12, %dma_start3A_110] : memref<10112x128xf32, #tpu.memory_space<vmem_shared>> -> memref<80x128xf32, #tpu.memory_space<vmem_shared>>
      tpu.enqueue_dma source(%arg11 : memref<80x128xf32, #tpu.memory_space<vmem>>) target(%dma_start3A_111 : memref<80x128xf32, #tpu.memory_space<vmem_shared>>) target_semaphore(%run_scoped3A : memref<!tpu.dma_semaphore, #tpu.memory_space<semaphore_mem>>)
      %dma_wait3A_112 = arith.constant 0 : i32
      %dma_wait3A_113 = tpu.memref_slice %arg22[%add3A_12, %dma_wait3A_112] : memref<10112x128xf32, #tpu.memory_space<vmem_shared>> -> memref<80x128xf32, #tpu.memory_space<vmem_shared>>
      %dma_wait3A_114 = arith.constant 0 : i32
      %dma_wait3A_115 = tpu.memref_slice %arg22[%add3A_12, %dma_wait3A_114] : memref<10112x128xf32, #tpu.memory_space<vmem_shared>> -> memref<80x128xf32, #tpu.memory_space<vmem_shared>>
      tpu.wait_dma2 semaphore(%run_scoped3A : memref<!tpu.dma_semaphore, #tpu.memory_space<semaphore_mem>>) src(%arg11 : memref<80x128xf32, #tpu.memory_space<vmem>>) dst(%dma_wait3A_115 : memref<80x128xf32, #tpu.memory_space<vmem_shared>>)
      tpu.yield
    }) : () -> ()
    %add3A_13 = arith.constant 240 : i32
    %add3A_14 = arith.addi %mul3A_6, %add3A_13 : i32
    "tpu.region"() ({
      %run_scoped3A = tpu.sem_alloc : memref<!tpu.dma_semaphore, #tpu.memory_space<semaphore_mem>>
      %dma_start3A_108 = arith.constant 0 : i32
      %dma_start3A_109 = tpu.memref_slice %arg22[%add3A_14, %dma_start3A_108] : memref<10112x128xf32, #tpu.memory_space<vmem_shared>> -> memref<80x128xf32, #tpu.memory_space<vmem_shared>>
      %dma_start3A_110 = arith.constant 0 : i32
      %dma_start3A_111 = tpu.memref_slice %arg22[%add3A_14, %dma_start3A_110] : memref<10112x128xf32, #tpu.memory_space<vmem_shared>> -> memref<80x128xf32, #tpu.memory_space<vmem_shared>>
      tpu.enqueue_dma source(%arg11 : memref<80x128xf32, #tpu.memory_space<vmem>>) target(%dma_start3A_111 : memref<80x128xf32, #tpu.memory_space<vmem_shared>>) target_semaphore(%run_scoped3A : memref<!tpu.dma_semaphore, #tpu.memory_space<semaphore_mem>>)
      %dma_wait3A_112 = arith.constant 0 : i32
      %dma_wait3A_113 = tpu.memref_slice %arg22[%add3A_14, %dma_wait3A_112] : memref<10112x128xf32, #tpu.memory_space<vmem_shared>> -> memref<80x128xf32, #tpu.memory_space<vmem_shared>>
      %dma_wait3A_114 = arith.constant 0 : i32
      %dma_wait3A_115 = tpu.memref_slice %arg22[%add3A_14, %dma_wait3A_114] : memref<10112x128xf32, #tpu.memory_space<vmem_shared>> -> memref<80x128xf32, #tpu.memory_space<vmem_shared>>
      tpu.wait_dma2 semaphore(%run_scoped3A : memref<!tpu.dma_semaphore, #tpu.memory_space<semaphore_mem>>) src(%arg11 : memref<80x128xf32, #tpu.memory_space<vmem>>) dst(%dma_wait3A_115 : memref<80x128xf32, #tpu.memory_space<vmem_shared>>)
      tpu.yield
    }) : () -> ()
    %add3A_15 = arith.constant 320 : i32
    %add3A_16 = arith.addi %mul3A_6, %add3A_15 : i32
    "tpu.region"() ({
      %run_scoped3A = tpu.sem_alloc : memref<!tpu.dma_semaphore, #tpu.memory_space<semaphore_mem>>
      %dma_start3A_108 = arith.constant 0 : i32
      %dma_start3A_109 = tpu.memref_slice %arg22[%add3A_16, %dma_start3A_108] : memref<10112x128xf32, #tpu.memory_space<vmem_shared>> -> memref<80x128xf32, #tpu.memory_space<vmem_shared>>
      %dma_start3A_110 = arith.constant 0 : i32
      %dma_start3A_111 = tpu.memref_slice %arg22[%add3A_16, %dma_start3A_110] : memref<10112x128xf32, #tpu.memory_space<vmem_shared>> -> memref<80x128xf32, #tpu.memory_space<vmem_shared>>
      tpu.enqueue_dma source(%arg11 : memref<80x128xf32, #tpu.memory_space<vmem>>) target(%dma_start3A_111 : memref<80x128xf32, #tpu.memory_space<vmem_shared>>) target_semaphore(%run_scoped3A : memref<!tpu.dma_semaphore, #tpu.memory_space<semaphore_mem>>)
      %dma_wait3A_112 = arith.constant 0 : i32
      %dma_wait3A_113 = tpu.memref_slice %arg22[%add3A_16, %dma_wait3A_112] : memref<10112x128xf32, #tpu.memory_space<vmem_shared>> -> memref<80x128xf32, #tpu.memory_space<vmem_shared>>
      %dma_wait3A_114 = arith.constant 0 : i32
      %dma_wait3A_115 = tpu.memref_slice %arg22[%add3A_16, %dma_wait3A_114] : memref<10112x128xf32, #tpu.memory_space<vmem_shared>> -> memref<80x128xf32, #tpu.memory_space<vmem_shared>>
      tpu.wait_dma2 semaphore(%run_scoped3A : memref<!tpu.dma_semaphore, #tpu.memory_space<semaphore_mem>>) src(%arg11 : memref<80x128xf32, #tpu.memory_space<vmem>>) dst(%dma_wait3A_115 : memref<80x128xf32, #tpu.memory_space<vmem_shared>>)
      tpu.yield
    }) : () -> ()
    %add3A_17 = arith.constant 400 : i32
    %add3A_18 = arith.addi %mul3A_6, %add3A_17 : i32
    "tpu.region"() ({
      %run_scoped3A = tpu.sem_alloc : memref<!tpu.dma_semaphore, #tpu.memory_space<semaphore_mem>>
      %dma_start3A_108 = arith.constant 0 : i32
      %dma_start3A_109 = tpu.memref_slice %arg22[%add3A_18, %dma_start3A_108] : memref<10112x128xf32, #tpu.memory_space<vmem_shared>> -> memref<80x128xf32, #tpu.memory_space<vmem_shared>>
      %dma_start3A_110 = arith.constant 0 : i32
      %dma_start3A_111 = tpu.memref_slice %arg22[%add3A_18, %dma_start3A_110] : memref<10112x128xf32, #tpu.memory_space<vmem_shared>> -> memref<80x128xf32, #tpu.memory_space<vmem_shared>>
      tpu.enqueue_dma source(%arg11 : memref<80x128xf32, #tpu.memory_space<vmem>>) target(%dma_start3A_111 : memref<80x128xf32, #tpu.memory_space<vmem_shared>>) target_semaphore(%run_scoped3A : memref<!tpu.dma_semaphore, #tpu.memory_space<semaphore_mem>>)
      %dma_wait3A_112 = arith.constant 0 : i32
      %dma_wait3A_113 = tpu.memref_slice %arg22[%add3A_18, %dma_wait3A_112] : memref<10112x128xf32, #tpu.memory_space<vmem_shared>> -> memref<80x128xf32, #tpu.memory_space<vmem_shared>>
      %dma_wait3A_114 = arith.constant 0 : i32
      %dma_wait3A_115 = tpu.memref_slice %arg22[%add3A_18, %dma_wait3A_114] : memref<10112x128xf32, #tpu.memory_space<vmem_shared>> -> memref<80x128xf32, #tpu.memory_space<vmem_shared>>
      tpu.wait_dma2 semaphore(%run_scoped3A : memref<!tpu.dma_semaphore, #tpu.memory_space<semaphore_mem>>) src(%arg11 : memref<80x128xf32, #tpu.memory_space<vmem>>) dst(%dma_wait3A_115 : memref<80x128xf32, #tpu.memory_space<vmem_shared>>)
      tpu.yield
    }) : () -> ()
    %add3A_19 = arith.constant 480 : i32
    %add3A_20 = arith.addi %mul3A_6, %add3A_19 : i32
    "tpu.region"() ({
      %run_scoped3A = tpu.sem_alloc : memref<!tpu.dma_semaphore, #tpu.memory_space<semaphore_mem>>
      %dma_start3A_108 = arith.constant 0 : i32
      %dma_start3A_109 = tpu.memref_slice %arg22[%add3A_20, %dma_start3A_108] : memref<10112x128xf32, #tpu.memory_space<vmem_shared>> -> memref<80x128xf32, #tpu.memory_space<vmem_shared>>
      %dma_start3A_110 = arith.constant 0 : i32
      %dma_start3A_111 = tpu.memref_slice %arg22[%add3A_20, %dma_start3A_110] : memref<10112x128xf32, #tpu.memory_space<vmem_shared>> -> memref<80x128xf32, #tpu.memory_space<vmem_shared>>
      tpu.enqueue_dma source(%arg11 : memref<80x128xf32, #tpu.memory_space<vmem>>) target(%dma_start3A_111 : memref<80x128xf32, #tpu.memory_space<vmem_shared>>) target_semaphore(%run_scoped3A : memref<!tpu.dma_semaphore, #tpu.memory_space<semaphore_mem>>)
      %dma_wait3A_112 = arith.constant 0 : i32
      %dma_wait3A_113 = tpu.memref_slice %arg22[%add3A_20, %dma_wait3A_112] : memref<10112x128xf32, #tpu.memory_space<vmem_shared>> -> memref<80x128xf32, #tpu.memory_space<vmem_shared>>
      %dma_wait3A_114 = arith.constant 0 : i32
      %dma_wait3A_115 = tpu.memref_slice %arg22[%add3A_20, %dma_wait3A_114] : memref<10112x128xf32, #tpu.memory_space<vmem_shared>> -> memref<80x128xf32, #tpu.memory_space<vmem_shared>>
      tpu.wait_dma2 semaphore(%run_scoped3A : memref<!tpu.dma_semaphore, #tpu.memory_space<semaphore_mem>>) src(%arg11 : memref<80x128xf32, #tpu.memory_space<vmem>>) dst(%dma_wait3A_115 : memref<80x128xf32, #tpu.memory_space<vmem_shared>>)
      tpu.yield
    }) : () -> ()
    %add3A_21 = arith.constant 560 : i32
    %add3A_22 = arith.addi %mul3A_6, %add3A_21 : i32
    "tpu.region"() ({
      %run_scoped3A = tpu.sem_alloc : memref<!tpu.dma_semaphore, #tpu.memory_space<semaphore_mem>>
      %dma_start3A_108 = arith.constant 0 : i32
      %dma_start3A_109 = arith.constant 0 : i32
      %dma_start3A_110 = tpu.memref_slice %arg11[%dma_start3A_108, %dma_start3A_109] : memref<80x128xf32, #tpu.memory_space<vmem>> -> memref<72x128xf32, #tpu.memory_space<vmem>>
      %dma_start3A_111 = arith.constant 0 : i32
      %dma_start3A_112 = tpu.memref_slice %arg22[%add3A_22, %dma_start3A_111] : memref<10112x128xf32, #tpu.memory_space<vmem_shared>> -> memref<72x128xf32, #tpu.memory_space<vmem_shared>>
      %dma_start3A_113 = arith.constant 0 : i32
      %dma_start3A_114 = tpu.memref_slice %arg22[%add3A_22, %dma_start3A_113] : memref<10112x128xf32, #tpu.memory_space<vmem_shared>> -> memref<72x128xf32, #tpu.memory_space<vmem_shared>>
      %dma_start3A_115 = arith.constant 0 : i32
      %dma_start3A_116 = arith.constant 0 : i32
      %dma_start3A_117 = tpu.memref_slice %arg11[%dma_start3A_115, %dma_start3A_116] : memref<80x128xf32, #tpu.memory_space<vmem>> -> memref<72x128xf32, #tpu.memory_space<vmem>>
      tpu.enqueue_dma source(%dma_start3A_117 : memref<72x128xf32, #tpu.memory_space<vmem>>) target(%dma_start3A_114 : memref<72x128xf32, #tpu.memory_space<vmem_shared>>) target_semaphore(%run_scoped3A : memref<!tpu.dma_semaphore, #tpu.memory_space<semaphore_mem>>)
      %dma_wait3A_118 = arith.constant 0 : i32
      %dma_wait3A_119 = arith.constant 0 : i32
      %dma_wait3A_120 = tpu.memref_slice %arg11[%dma_wait3A_118, %dma_wait3A_119] : memref<80x128xf32, #tpu.memory_space<vmem>> -> memref<72x128xf32, #tpu.memory_space<vmem>>
      %dma_wait3A_121 = arith.constant 0 : i32
      %dma_wait3A_122 = tpu.memref_slice %arg22[%add3A_22, %dma_wait3A_121] : memref<10112x128xf32, #tpu.memory_space<vmem_shared>> -> memref<72x128xf32, #tpu.memory_space<vmem_shared>>
      %dma_wait3A_123 = arith.constant 0 : i32
      %dma_wait3A_124 = tpu.memref_slice %arg22[%add3A_22, %dma_wait3A_123] : memref<10112x128xf32, #tpu.memory_space<vmem_shared>> -> memref<72x128xf32, #tpu.memory_space<vmem_shared>>
      %dma_wait3A_125 = arith.constant 0 : i32
      %dma_wait3A_126 = arith.constant 0 : i32
      %dma_wait3A_127 = tpu.memref_slice %arg11[%dma_wait3A_125, %dma_wait3A_126] : memref<80x128xf32, #tpu.memory_space<vmem>> -> memref<72x128xf32, #tpu.memory_space<vmem>>
      tpu.wait_dma2 semaphore(%run_scoped3A : memref<!tpu.dma_semaphore, #tpu.memory_space<semaphore_mem>>) src(%dma_wait3A_127 : memref<72x128xf32, #tpu.memory_space<vmem>>) dst(%dma_wait3A_124 : memref<72x128xf32, #tpu.memory_space<vmem_shared>>)
      tpu.yield
    }) : () -> ()
    %barrier3A = arith.constant 0 : index
    tpu.barrier barrier_id(%barrier3A)
    %multiple_of3A = tpu.assume_multiple %mul3A_2, 8 : i32
    %dma_start3A = arith.constant 0 : i32
    %dma_start3A_23 = tpu.memref_slice %arg2[%dma_start3A, %multiple_of3A] : memref<2x320000xi32, #tpu.memory_space<hbm>> -> memref<2x80xi32, #tpu.memory_space<hbm>>
    %dma_start3A_24 = arith.constant 0 : i32
    %dma_start3A_25 = tpu.memref_slice %arg2[%dma_start3A_24, %multiple_of3A] : memref<2x320000xi32, #tpu.memory_space<hbm>> -> memref<2x80xi32, #tpu.memory_space<hbm>>
    tpu.enqueue_dma source(%dma_start3A_25 : memref<2x80xi32, #tpu.memory_space<hbm>>) target(%arg6 : memref<2x80xi32, #tpu.memory_space<vmem>>) target_semaphore(%arg13 : memref<!tpu.dma_semaphore, #tpu.memory_space<semaphore_mem>>)
    %add3A_26 = arith.constant 80 : i32
    %add3A_27 = arith.addi %mul3A_2, %add3A_26 : i32
    %multiple_of3A_28 = tpu.assume_multiple %add3A_27, 8 : i32
    %dma_start3A_29 = arith.constant 0 : i32
    %dma_start3A_30 = tpu.memref_slice %arg2[%dma_start3A_29, %multiple_of3A_28] : memref<2x320000xi32, #tpu.memory_space<hbm>> -> memref<2x320xi32, #tpu.memory_space<hbm>>
    %dma_start3A_31 = arith.constant 0 : i32
    %dma_start3A_32 = tpu.memref_slice %arg2[%dma_start3A_31, %multiple_of3A_28] : memref<2x320000xi32, #tpu.memory_space<hbm>> -> memref<2x320xi32, #tpu.memory_space<hbm>>
    tpu.enqueue_dma source(%dma_start3A_32 : memref<2x320xi32, #tpu.memory_space<hbm>>) target(%arg7 : memref<2x320xi32, #tpu.memory_space<vmem>>) target_semaphore(%arg14 : memref<!tpu.dma_semaphore, #tpu.memory_space<semaphore_mem>>)
    %dma_wait3A = arith.constant 0 : i32
    %dma_wait3A_33 = arith.constant 0 : i32
    %dma_wait3A_34 = tpu.memref_slice %arg2[%dma_wait3A, %dma_wait3A_33] : memref<2x320000xi32, #tpu.memory_space<hbm>> -> memref<2x80xi32, #tpu.memory_space<hbm>>
    %dma_wait3A_35 = arith.constant 0 : i32
    %dma_wait3A_36 = arith.constant 0 : i32
    %dma_wait3A_37 = tpu.memref_slice %arg2[%dma_wait3A_35, %dma_wait3A_36] : memref<2x320000xi32, #tpu.memory_space<hbm>> -> memref<2x80xi32, #tpu.memory_space<hbm>>
    tpu.wait_dma2 semaphore(%arg13 : memref<!tpu.dma_semaphore, #tpu.memory_space<semaphore_mem>>) src(%dma_wait3A_37 : memref<2x80xi32, #tpu.memory_space<hbm>>) dst(%arg6 : memref<2x80xi32, #tpu.memory_space<vmem>>)
    %multiple_of3A_38 = tpu.assume_multiple %mul3A_2, 8 : i32
    %dma_start3A_39 = arith.constant 0 : i32
    %dma_start3A_40 = tpu.memref_slice %arg4[%multiple_of3A_38, %dma_start3A_39] : memref<320000x128xf32, #tpu.memory_space<hbm>> -> memref<80x128xf32, #tpu.memory_space<hbm>>
    %dma_start3A_41 = arith.constant 0 : i32
    %dma_start3A_42 = tpu.memref_slice %arg4[%multiple_of3A_38, %dma_start3A_41] : memref<320000x128xf32, #tpu.memory_space<hbm>> -> memref<80x128xf32, #tpu.memory_space<hbm>>
    tpu.enqueue_dma source(%dma_start3A_42 : memref<80x128xf32, #tpu.memory_space<hbm>>) target(%arg11 : memref<80x128xf32, #tpu.memory_space<vmem>>) target_semaphore(%arg16 : memref<!tpu.dma_semaphore, #tpu.memory_space<semaphore_mem>>)
    %dma_start3A_43 = arith.constant 0 : i32
    %dma_start3A_44 = arith.constant 0 : i32
    %dma_start3A_45 = tpu.memref_slice %arg6[%dma_start3A_43, %dma_start3A_44] : memref<2x80xi32, #tpu.memory_space<vmem>> -> memref<1x80xi32, #tpu.memory_space<vmem>>
    %dma_start3A_46 = tpu.memref_squeeze %dma_start3A_45 : memref<1x80xi32, #tpu.memory_space<vmem>> -> memref<80xi32, #tpu.memory_space<vmem>>
    %dma_start3A_47 = arith.constant 0 : i32
    %dma_start3A_48 = arith.constant 0 : i32
    %dma_start3A_49 = tpu.memref_slice %arg3[%dma_start3A_47, %dma_start3A_48] : memref<10000x128xf32, #tpu.memory_space<hbm>> -> memref<10000x128xf32, #tpu.memory_space<hbm>>
    tpu.enqueue_indirect_dma source(%dma_start3A_49 : memref<10000x128xf32, #tpu.memory_space<hbm>>) target(%arg9 : memref<80x128xf32, #tpu.memory_space<vmem>>) offsets(%dma_start3A_46 : memref<80xi32, #tpu.memory_space<vmem>>) semaphore(%arg18 : memref<!tpu.dma_semaphore, #tpu.memory_space<semaphore_mem>>)
    %dma_wait3A_50 = arith.constant 0 : i32
    %dma_wait3A_51 = arith.constant 0 : i32
    %dma_wait3A_52 = tpu.memref_slice %arg2[%dma_wait3A_50, %dma_wait3A_51] : memref<2x320000xi32, #tpu.memory_space<hbm>> -> memref<2x320xi32, #tpu.memory_space<hbm>>
    %dma_wait3A_53 = arith.constant 0 : i32
    %dma_wait3A_54 = arith.constant 0 : i32
    %dma_wait3A_55 = tpu.memref_slice %arg2[%dma_wait3A_53, %dma_wait3A_54] : memref<2x320000xi32, #tpu.memory_space<hbm>> -> memref<2x320xi32, #tpu.memory_space<hbm>>
    tpu.wait_dma2 semaphore(%arg14 : memref<!tpu.dma_semaphore, #tpu.memory_space<semaphore_mem>>) src(%dma_wait3A_55 : memref<2x320xi32, #tpu.memory_space<hbm>>) dst(%arg7 : memref<2x320xi32, #tpu.memory_space<vmem>>)
    %add3A_56 = arith.constant 80 : i32
    %add3A_57 = arith.addi %mul3A_2, %add3A_56 : i32
    %multiple_of3A_58 = tpu.assume_multiple %add3A_57, 8 : i32
    %dma_start3A_59 = arith.constant 0 : i32
    %dma_start3A_60 = arith.constant 0 : i32
    %dma_start3A_61 = tpu.memref_slice %arg7[%dma_start3A_59, %dma_start3A_60] : memref<2x320xi32, #tpu.memory_space<vmem>> -> memref<1x80xi32, #tpu.memory_space<vmem>>
    %dma_start3A_62 = tpu.memref_squeeze %dma_start3A_61 : memref<1x80xi32, #tpu.memory_space<vmem>> -> memref<80xi32, #tpu.memory_space<vmem>>
    %dma_start3A_63 = arith.constant 0 : i32
    %dma_start3A_64 = arith.constant 0 : i32
    %dma_start3A_65 = tpu.memref_slice %arg3[%dma_start3A_63, %dma_start3A_64] : memref<10000x128xf32, #tpu.memory_space<hbm>> -> memref<10000x128xf32, #tpu.memory_space<hbm>>
    tpu.enqueue_indirect_dma source(%dma_start3A_65 : memref<10000x128xf32, #tpu.memory_space<hbm>>) target(%arg10 : memref<80x128xf32, #tpu.memory_space<vmem>>) offsets(%dma_start3A_62 : memref<80xi32, #tpu.memory_space<vmem>>) semaphore(%arg19 : memref<!tpu.dma_semaphore, #tpu.memory_space<semaphore_mem>>)
    %dma_start3A_66 = arith.constant 0 : i32
    %dma_start3A_67 = tpu.memref_slice %arg4[%multiple_of3A_58, %dma_start3A_66] : memref<320000x128xf32, #tpu.memory_space<hbm>> -> memref<80x128xf32, #tpu.memory_space<hbm>>
    %dma_start3A_68 = arith.constant 0 : i32
    %dma_start3A_69 = tpu.memref_slice %arg4[%multiple_of3A_58, %dma_start3A_68] : memref<320000x128xf32, #tpu.memory_space<hbm>> -> memref<80x128xf32, #tpu.memory_space<hbm>>
    tpu.enqueue_dma source(%dma_start3A_69 : memref<80x128xf32, #tpu.memory_space<hbm>>) target(%arg12 : memref<80x128xf32, #tpu.memory_space<vmem>>) target_semaphore(%arg17 : memref<!tpu.dma_semaphore, #tpu.memory_space<semaphore_mem>>)
    %dma_wait3A_70 = arith.constant 0 : i32
    %dma_wait3A_71 = arith.constant 0 : i32
    %dma_wait3A_72 = tpu.memref_slice %arg4[%dma_wait3A_70, %dma_wait3A_71] : memref<320000x128xf32, #tpu.memory_space<hbm>> -> memref<80x128xf32, #tpu.memory_space<hbm>>
    %dma_wait3A_73 = arith.constant 0 : i32
    %dma_wait3A_74 = arith.constant 0 : i32
    %dma_wait3A_75 = tpu.memref_slice %arg4[%dma_wait3A_73, %dma_wait3A_74] : memref<320000x128xf32, #tpu.memory_space<hbm>> -> memref<80x128xf32, #tpu.memory_space<hbm>>
    tpu.wait_dma2 semaphore(%arg16 : memref<!tpu.dma_semaphore, #tpu.memory_space<semaphore_mem>>) src(%dma_wait3A_75 : memref<80x128xf32, #tpu.memory_space<hbm>>) dst(%arg11 : memref<80x128xf32, #tpu.memory_space<vmem>>)
    %dma_wait3A_76 = arith.constant 0 : i32
    %dma_wait3A_77 = arith.constant 0 : i32
    %dma_wait3A_78 = tpu.memref_slice %arg6[%dma_wait3A_76, %dma_wait3A_77] : memref<2x80xi32, #tpu.memory_space<vmem>> -> memref<1x80xi32, #tpu.memory_space<vmem>>
    %dma_wait3A_79 = tpu.memref_squeeze %dma_wait3A_78 : memref<1x80xi32, #tpu.memory_space<vmem>> -> memref<80xi32, #tpu.memory_space<vmem>>
    %dma_wait3A_80 = arith.constant 0 : i32
    %dma_wait3A_81 = arith.constant 0 : i32
    %dma_wait3A_82 = tpu.memref_slice %arg3[%dma_wait3A_80, %dma_wait3A_81] : memref<10000x128xf32, #tpu.memory_space<hbm>> -> memref<10000x128xf32, #tpu.memory_space<hbm>>
    tpu.wait_indirect_dma semaphore(%arg18 : memref<!tpu.dma_semaphore, #tpu.memory_space<semaphore_mem>>) src(%dma_wait3A_82 : memref<10000x128xf32, #tpu.memory_space<hbm>>) dst(%arg9 : memref<80x128xf32, #tpu.memory_space<vmem>>)
    %parallel_loop3A_83 = arith.constant 0 : i32
    %parallel_loop3A_84 = arith.constant 80 : i32
    %parallel_loop3A_85 = arith.constant 1 : i32
    scf.for %parallel_loop3A_108 = %parallel_loop3A_83 to %parallel_loop3A_84 step %parallel_loop3A_85  : i32 {
      %parallel_loop3A_109 = arith.index_cast %parallel_loop3A_108 : i32 to index
      %parallel_loop3A_110 = arith.constant 0 : index
      %parallel_loop3A_111 = tpu.vector_load %arg11[%parallel_loop3A_109, %parallel_loop3A_110] {strides = array<i32>} : memref<80x128xf32, #tpu.memory_space<vmem>>, vector<1x16xf32>,
      %parallel_loop3A_112 = vector.shape_cast %parallel_loop3A_111 : vector<1x16xf32> to vector<16xf32>
      %parallel_loop3A_113 = arith.index_cast %parallel_loop3A_108 : i32 to index
      %parallel_loop3A_114 = arith.constant 0 : index
      %parallel_loop3A_115 = tpu.vector_load %arg9[%parallel_loop3A_113, %parallel_loop3A_114] {strides = array<i32>} : memref<80x128xf32, #tpu.memory_space<vmem>>, vector<1x16xf32>,
      %parallel_loop3A_116 = vector.shape_cast %parallel_loop3A_115 : vector<1x16xf32> to vector<16xf32>
      %parallel_loop3A_117 = arith.addf %parallel_loop3A_112, %parallel_loop3A_116 : vector<16xf32>
      %parallel_loop3A_118 = arith.constant 0.000000e+00 : f32
      %parallel_loop3A_119 = vector.broadcast %parallel_loop3A_118 : f32 to vector<16xf32>
      %parallel_loop3A_120 = arith.maximumf %parallel_loop3A_117, %parallel_loop3A_119 : vector<16xf32>
      %parallel_loop3A_121 = arith.index_cast %parallel_loop3A_108 : i32 to index
      %parallel_loop3A_122 = arith.constant 0 : index
      %parallel_loop3A_123 = tpu.vector_load %arg11[%parallel_loop3A_121, %parallel_loop3A_122] {strides = array<i32>} : memref<80x128xf32, #tpu.memory_space<vmem>>, vector<1x16xf32>,
      %parallel_loop3A_124 = vector.shape_cast %parallel_loop3A_123 : vector<1x16xf32> to vector<16xf32>
      %parallel_loop3A_125 = vector.shape_cast %parallel_loop3A_120 : vector<16xf32> to vector<1x16xf32>
      tpu.vector_store %arg11[%parallel_loop3A_121, %parallel_loop3A_122], %parallel_loop3A_125 {strides = array<i32>} : memref<80x128xf32, #tpu.memory_space<vmem>>, vector<1x16xf32>,
      %parallel_loop3A_126 = arith.index_cast %parallel_loop3A_108 : i32 to index
      %parallel_loop3A_127 = arith.constant 16 : index
      %parallel_loop3A_128 = tpu.vector_load %arg11[%parallel_loop3A_126, %parallel_loop3A_127] {strides = array<i32>} : memref<80x128xf32, #tpu.memory_space<vmem>>, vector<1x16xf32>,
      %parallel_loop3A_129 = vector.shape_cast %parallel_loop3A_128 : vector<1x16xf32> to vector<16xf32>
      %parallel_loop3A_130 = arith.index_cast %parallel_loop3A_108 : i32 to index
      %parallel_loop3A_131 = arith.constant 16 : index
      %parallel_loop3A_132 = tpu.vector_load %arg9[%parallel_loop3A_130, %parallel_loop3A_131] {strides = array<i32>} : memref<80x128xf32, #tpu.memory_space<vmem>>, vector<1x16xf32>,
      %parallel_loop3A_133 = vector.shape_cast %parallel_loop3A_132 : vector<1x16xf32> to vector<16xf32>
      %parallel_loop3A_134 = arith.addf %parallel_loop3A_129, %parallel_loop3A_133 : vector<16xf32>
      %parallel_loop3A_135 = arith.constant 0.000000e+00 : f32
      %parallel_loop3A_136 = vector.broadcast %parallel_loop3A_135 : f32 to vector<16xf32>
      %parallel_loop3A_137 = arith.maximumf %parallel_loop3A_134, %parallel_loop3A_136 : vector<16xf32>
      %parallel_loop3A_138 = arith.index_cast %parallel_loop3A_108 : i32 to index
      %parallel_loop3A_139 = arith.constant 16 : index
      %parallel_loop3A_140 = tpu.vector_load %arg11[%parallel_loop3A_138, %parallel_loop3A_139] {strides = array<i32>} : memref<80x128xf32, #tpu.memory_space<vmem>>, vector<1x16xf32>,
      %parallel_loop3A_141 = vector.shape_cast %parallel_loop3A_140 : vector<1x16xf32> to vector<16xf32>
      %parallel_loop3A_142 = vector.shape_cast %parallel_loop3A_137 : vector<16xf32> to vector<1x16xf32>
      tpu.vector_store %arg11[%parallel_loop3A_138, %parallel_loop3A_139], %parallel_loop3A_142 {strides = array<i32>} : memref<80x128xf32, #tpu.memory_space<vmem>>, vector<1x16xf32>,
      %parallel_loop3A_143 = arith.index_cast %parallel_loop3A_108 : i32 to index
      %parallel_loop3A_144 = arith.constant 32 : index
      %parallel_loop3A_145 = tpu.vector_load %arg11[%parallel_loop3A_143, %parallel_loop3A_144] {strides = array<i32>} : memref<80x128xf32, #tpu.memory_space<vmem>>, vector<1x16xf32>,
      %parallel_loop3A_146 = vector.shape_cast %parallel_loop3A_145 : vector<1x16xf32> to vector<16xf32>
      %parallel_loop3A_147 = arith.index_cast %parallel_loop3A_108 : i32 to index
      %parallel_loop3A_148 = arith.constant 32 : index
      %parallel_loop3A_149 = tpu.vector_load %arg9[%parallel_loop3A_147, %parallel_loop3A_148] {strides = array<i32>} : memref<80x128xf32, #tpu.memory_space<vmem>>, vector<1x16xf32>,
      %parallel_loop3A_150 = vector.shape_cast %parallel_loop3A_149 : vector<1x16xf32> to vector<16xf32>
      %parallel_loop3A_151 = arith.addf %parallel_loop3A_146, %parallel_loop3A_150 : vector<16xf32>
      %parallel_loop3A_152 = arith.constant 0.000000e+00 : f32
      %parallel_loop3A_153 = vector.broadcast %parallel_loop3A_152 : f32 to vector<16xf32>
      %parallel_loop3A_154 = arith.maximumf %parallel_loop3A_151, %parallel_loop3A_153 : vector<16xf32>
      %parallel_loop3A_155 = arith.index_cast %parallel_loop3A_108 : i32 to index
      %parallel_loop3A_156 = arith.constant 32 : index
      %parallel_loop3A_157 = tpu.vector_load %arg11[%parallel_loop3A_155, %parallel_loop3A_156] {strides = array<i32>} : memref<80x128xf32, #tpu.memory_space<vmem>>, vector<1x16xf32>,
      %parallel_loop3A_158 = vector.shape_cast %parallel_loop3A_157 : vector<1x16xf32> to vector<16xf32>
      %parallel_loop3A_159 = vector.shape_cast %parallel_loop3A_154 : vector<16xf32> to vector<1x16xf32>
      tpu.vector_store %arg11[%parallel_loop3A_155, %parallel_loop3A_156], %parallel_loop3A_159 {strides = array<i32>} : memref<80x128xf32, #tpu.memory_space<vmem>>, vector<1x16xf32>,
      %parallel_loop3A_160 = arith.index_cast %parallel_loop3A_108 : i32 to index
      %parallel_loop3A_161 = arith.constant 48 : index
      %parallel_loop3A_162 = tpu.vector_load %arg11[%parallel_loop3A_160, %parallel_loop3A_161] {strides = array<i32>} : memref<80x128xf32, #tpu.memory_space<vmem>>, vector<1x16xf32>,
      %parallel_loop3A_163 = vector.shape_cast %parallel_loop3A_162 : vector<1x16xf32> to vector<16xf32>
      %parallel_loop3A_164 = arith.index_cast %parallel_loop3A_108 : i32 to index
      %parallel_loop3A_165 = arith.constant 48 : index
      %parallel_loop3A_166 = tpu.vector_load %arg9[%parallel_loop3A_164, %parallel_loop3A_165] {strides = array<i32>} : memref<80x128xf32, #tpu.memory_space<vmem>>, vector<1x16xf32>,
      %parallel_loop3A_167 = vector.shape_cast %parallel_loop3A_166 : vector<1x16xf32> to vector<16xf32>
      %parallel_loop3A_168 = arith.addf %parallel_loop3A_163, %parallel_loop3A_167 : vector<16xf32>
      %parallel_loop3A_169 = arith.constant 0.000000e+00 : f32
      %parallel_loop3A_170 = vector.broadcast %parallel_loop3A_169 : f32 to vector<16xf32>
      %parallel_loop3A_171 = arith.maximumf %parallel_loop3A_168, %parallel_loop3A_170 : vector<16xf32>
      %parallel_loop3A_172 = arith.index_cast %parallel_loop3A_108 : i32 to index
      %parallel_loop3A_173 = arith.constant 48 : index
      %parallel_loop3A_174 = tpu.vector_load %arg11[%parallel_loop3A_172, %parallel_loop3A_173] {strides = array<i32>} : memref<80x128xf32, #tpu.memory_space<vmem>>, vector<1x16xf32>,
      %parallel_loop3A_175 = vector.shape_cast %parallel_loop3A_174 : vector<1x16xf32> to vector<16xf32>
      %parallel_loop3A_176 = vector.shape_cast %parallel_loop3A_171 : vector<16xf32> to vector<1x16xf32>
      tpu.vector_store %arg11[%parallel_loop3A_172, %parallel_loop3A_173], %parallel_loop3A_176 {strides = array<i32>} : memref<80x128xf32, #tpu.memory_space<vmem>>, vector<1x16xf32>,
      %parallel_loop3A_177 = arith.index_cast %parallel_loop3A_108 : i32 to index
      %parallel_loop3A_178 = arith.constant 64 : index
      %parallel_loop3A_179 = tpu.vector_load %arg11[%parallel_loop3A_177, %parallel_loop3A_178] {strides = array<i32>} : memref<80x128xf32, #tpu.memory_space<vmem>>, vector<1x16xf32>,
      %parallel_loop3A_180 = vector.shape_cast %parallel_loop3A_179 : vector<1x16xf32> to vector<16xf32>
      %parallel_loop3A_181 = arith.index_cast %parallel_loop3A_108 : i32 to index
      %parallel_loop3A_182 = arith.constant 64 : index
      %parallel_loop3A_183 = tpu.vector_load %arg9[%parallel_loop3A_181, %parallel_loop3A_182] {strides = array<i32>} : memref<80x128xf32, #tpu.memory_space<vmem>>, vector<1x16xf32>,
      %parallel_loop3A_184 = vector.shape_cast %parallel_loop3A_183 : vector<1x16xf32> to vector<16xf32>
      %parallel_loop3A_185 = arith.addf %parallel_loop3A_180, %parallel_loop3A_184 : vector<16xf32>
      %parallel_loop3A_186 = arith.constant 0.000000e+00 : f32
      %parallel_loop3A_187 = vector.broadcast %parallel_loop3A_186 : f32 to vector<16xf32>
      %parallel_loop3A_188 = arith.maximumf %parallel_loop3A_185, %parallel_loop3A_187 : vector<16xf32>
      %parallel_loop3A_189 = arith.index_cast %parallel_loop3A_108 : i32 to index
      %parallel_loop3A_190 = arith.constant 64 : index
      %parallel_loop3A_191 = tpu.vector_load %arg11[%parallel_loop3A_189, %parallel_loop3A_190] {strides = array<i32>} : memref<80x128xf32, #tpu.memory_space<vmem>>, vector<1x16xf32>,
      %parallel_loop3A_192 = vector.shape_cast %parallel_loop3A_191 : vector<1x16xf32> to vector<16xf32>
      %parallel_loop3A_193 = vector.shape_cast %parallel_loop3A_188 : vector<16xf32> to vector<1x16xf32>
      tpu.vector_store %arg11[%parallel_loop3A_189, %parallel_loop3A_190], %parallel_loop3A_193 {strides = array<i32>} : memref<80x128xf32, #tpu.memory_space<vmem>>, vector<1x16xf32>,
      %parallel_loop3A_194 = arith.index_cast %parallel_loop3A_108 : i32 to index
      %parallel_loop3A_195 = arith.constant 80 : index
      %parallel_loop3A_196 = tpu.vector_load %arg11[%parallel_loop3A_194, %parallel_loop3A_195] {strides = array<i32>} : memref<80x128xf32, #tpu.memory_space<vmem>>, vector<1x16xf32>,
      %parallel_loop3A_197 = vector.shape_cast %parallel_loop3A_196 : vector<1x16xf32> to vector<16xf32>
      %parallel_loop3A_198 = arith.index_cast %parallel_loop3A_108 : i32 to index
      %parallel_loop3A_199 = arith.constant 80 : index
      %parallel_loop3A_200 = tpu.vector_load %arg9[%parallel_loop3A_198, %parallel_loop3A_199] {strides = array<i32>} : memref<80x128xf32, #tpu.memory_space<vmem>>, vector<1x16xf32>,
      %parallel_loop3A_201 = vector.shape_cast %parallel_loop3A_200 : vector<1x16xf32> to vector<16xf32>
      %parallel_loop3A_202 = arith.addf %parallel_loop3A_197, %parallel_loop3A_201 : vector<16xf32>
      %parallel_loop3A_203 = arith.constant 0.000000e+00 : f32
      %parallel_loop3A_204 = vector.broadcast %parallel_loop3A_203 : f32 to vector<16xf32>
      %parallel_loop3A_205 = arith.maximumf %parallel_loop3A_202, %parallel_loop3A_204 : vector<16xf32>
      %parallel_loop3A_206 = arith.index_cast %parallel_loop3A_108 : i32 to index
      %parallel_loop3A_207 = arith.constant 80 : index
      %parallel_loop3A_208 = tpu.vector_load %arg11[%parallel_loop3A_206, %parallel_loop3A_207] {strides = array<i32>} : memref<80x128xf32, #tpu.memory_space<vmem>>, vector<1x16xf32>,
      %parallel_loop3A_209 = vector.shape_cast %parallel_loop3A_208 : vector<1x16xf32> to vector<16xf32>
      %parallel_loop3A_210 = vector.shape_cast %parallel_loop3A_205 : vector<16xf32> to vector<1x16xf32>
      tpu.vector_store %arg11[%parallel_loop3A_206, %parallel_loop3A_207], %parallel_loop3A_210 {strides = array<i32>} : memref<80x128xf32, #tpu.memory_space<vmem>>, vector<1x16xf32>,
      %parallel_loop3A_211 = arith.index_cast %parallel_loop3A_108 : i32 to index
      %parallel_loop3A_212 = arith.constant 96 : index
      %parallel_loop3A_213 = tpu.vector_load %arg11[%parallel_loop3A_211, %parallel_loop3A_212] {strides = array<i32>} : memref<80x128xf32, #tpu.memory_space<vmem>>, vector<1x16xf32>,
      %parallel_loop3A_214 = vector.shape_cast %parallel_loop3A_213 : vector<1x16xf32> to vector<16xf32>
      %parallel_loop3A_215 = arith.index_cast %parallel_loop3A_108 : i32 to index
      %parallel_loop3A_216 = arith.constant 96 : index
      %parallel_loop3A_217 = tpu.vector_load %arg9[%parallel_loop3A_215, %parallel_loop3A_216] {strides = array<i32>} : memref<80x128xf32, #tpu.memory_space<vmem>>, vector<1x16xf32>,
      %parallel_loop3A_218 = vector.shape_cast %parallel_loop3A_217 : vector<1x16xf32> to vector<16xf32>
      %parallel_loop3A_219 = arith.addf %parallel_loop3A_214, %parallel_loop3A_218 : vector<16xf32>
      %parallel_loop3A_220 = arith.constant 0.000000e+00 : f32
      %parallel_loop3A_221 = vector.broadcast %parallel_loop3A_220 : f32 to vector<16xf32>
      %parallel_loop3A_222 = arith.maximumf %parallel_loop3A_219, %parallel_loop3A_221 : vector<16xf32>
      %parallel_loop3A_223 = arith.index_cast %parallel_loop3A_108 : i32 to index
      %parallel_loop3A_224 = arith.constant 96 : index
      %parallel_loop3A_225 = tpu.vector_load %arg11[%parallel_loop3A_223, %parallel_loop3A_224] {strides = array<i32>} : memref<80x128xf32, #tpu.memory_space<vmem>>, vector<1x16xf32>,
      %parallel_loop3A_226 = vector.shape_cast %parallel_loop3A_225 : vector<1x16xf32> to vector<16xf32>
      %parallel_loop3A_227 = vector.shape_cast %parallel_loop3A_222 : vector<16xf32> to vector<1x16xf32>
      tpu.vector_store %arg11[%parallel_loop3A_223, %parallel_loop3A_224], %parallel_loop3A_227 {strides = array<i32>} : memref<80x128xf32, #tpu.memory_space<vmem>>, vector<1x16xf32>,
      %parallel_loop3A_228 = arith.index_cast %parallel_loop3A_108 : i32 to index
      %parallel_loop3A_229 = arith.constant 112 : index
      %parallel_loop3A_230 = tpu.vector_load %arg11[%parallel_loop3A_228, %parallel_loop3A_229] {strides = array<i32>} : memref<80x128xf32, #tpu.memory_space<vmem>>, vector<1x16xf32>,
      %parallel_loop3A_231 = vector.shape_cast %parallel_loop3A_230 : vector<1x16xf32> to vector<16xf32>
      %parallel_loop3A_232 = arith.index_cast %parallel_loop3A_108 : i32 to index
      %parallel_loop3A_233 = arith.constant 112 : index
      %parallel_loop3A_234 = tpu.vector_load %arg9[%parallel_loop3A_232, %parallel_loop3A_233] {strides = array<i32>} : memref<80x128xf32, #tpu.memory_space<vmem>>, vector<1x16xf32>,
      %parallel_loop3A_235 = vector.shape_cast %parallel_loop3A_234 : vector<1x16xf32> to vector<16xf32>
      %parallel_loop3A_236 = arith.addf %parallel_loop3A_231, %parallel_loop3A_235 : vector<16xf32>
      %parallel_loop3A_237 = arith.constant 0.000000e+00 : f32
      %parallel_loop3A_238 = vector.broadcast %parallel_loop3A_237 : f32 to vector<16xf32>
      %parallel_loop3A_239 = arith.maximumf %parallel_loop3A_236, %parallel_loop3A_238 : vector<16xf32>
      %parallel_loop3A_240 = arith.index_cast %parallel_loop3A_108 : i32 to index
      %parallel_loop3A_241 = arith.constant 112 : index
      %parallel_loop3A_242 = tpu.vector_load %arg11[%parallel_loop3A_240, %parallel_loop3A_241] {strides = array<i32>} : memref<80x128xf32, #tpu.memory_space<vmem>>, vector<1x16xf32>,
      %parallel_loop3A_243 = vector.shape_cast %parallel_loop3A_242 : vector<1x16xf32> to vector<16xf32>
      %parallel_loop3A_244 = vector.shape_cast %parallel_loop3A_239 : vector<16xf32> to vector<1x16xf32>
      tpu.vector_store %arg11[%parallel_loop3A_240, %parallel_loop3A_241], %parallel_loop3A_244 {strides = array<i32>} : memref<80x128xf32, #tpu.memory_space<vmem>>, vector<1x16xf32>,
    } {sc.loop_unroll_factor = 4 : i64, sc.parallel_access}
    %dma_start3A_86 = arith.constant 1 : i32
    %dma_start3A_87 = arith.constant 0 : i32
    %dma_start3A_88 = tpu.memref_slice %arg6[%dma_start3A_86, %dma_start3A_87] : memref<2x80xi32, #tpu.memory_space<vmem>> -> memref<1x80xi32, #tpu.memory_space<vmem>>
    %dma_start3A_89 = tpu.memref_squeeze %dma_start3A_88 : memref<1x80xi32, #tpu.memory_space<vmem>> -> memref<80xi32, #tpu.memory_space<vmem>>
    %dma_start3A_90 = arith.constant 0 : i32
    %dma_start3A_91 = arith.constant 0 : i32
    %dma_start3A_92 = tpu.memref_slice %arg22[%dma_start3A_90, %dma_start3A_91] : memref<10112x128xf32, #tpu.memory_space<vmem_shared>> -> memref<10112x128xf32, #tpu.memory_space<vmem_shared>>
    tpu.enqueue_indirect_dma source(%arg11 : memref<80x128xf32, #tpu.memory_space<vmem>>) target(%dma_start3A_92 : memref<10112x128xf32, #tpu.memory_space<vmem_shared>>) offsets(%dma_start3A_89 : memref<80xi32, #tpu.memory_space<vmem>>) semaphore(%arg20 : memref<!tpu.dma_semaphore, #tpu.memory_space<semaphore_mem>>) {add = true}
    %scan3A = arith.constant 0 : i32
    %scan3A_93 = arith.constant 0 : i32
    %scan3A_94 = arith.constant 31 : i32
    %scan3A_95 = arith.addi %scan3A_93, %scan3A_94 : i32
    %scan3A_96 = arith.constant 1 : i32
    scf.for %scan3A_108 = %scan3A_93 to %scan3A_95 step %scan3A_96  : i32 {
      %jit3A = arith.constant 2 : i32
      %eq3A = arith.constant 0 : i32
      %eq3A_109 = arith.cmpi eq, %jit3A, %eq3A : i32
      %jit3A_110 = arith.constant 1 : i32
      %select_n3A = arith.select %eq3A_109, %jit3A_110, %jit3A : i32
      %rem3A = arith.remsi %scan3A_108, %select_n3A : i32
      %ne3A = arith.constant 0 : i32
      %ne3A_111 = arith.cmpi ne, %rem3A, %ne3A : i32
      %lt3A = arith.constant 0 : i32
      %lt3A_112 = arith.cmpi slt, %rem3A, %lt3A : i32
      %lt3A_113 = arith.constant 0 : i32
      %lt3A_114 = arith.cmpi slt, %select_n3A, %lt3A_113 : i32
      %ne3A_115 = arith.xori %lt3A_112, %lt3A_114 : i1
      %and3A = arith.andi %ne3A_115, %ne3A_111 : i1
      %add3A_116 = arith.addi %rem3A, %select_n3A : i32
      %select_n3A_117 = arith.select %and3A, %add3A_116, %rem3A : i32
      %dma_wait3A_118 = arith.constant 1 : i32
      %dma_wait3A_119 = arith.constant 0 : i32
      %dma_wait3A_120 = tpu.memref_slice %arg6[%dma_wait3A_118, %dma_wait3A_119] : memref<2x80xi32, #tpu.memory_space<vmem>> -> memref<1x80xi32, #tpu.memory_space<vmem>>
      %dma_wait3A_121 = tpu.memref_squeeze %dma_wait3A_120 : memref<1x80xi32, #tpu.memory_space<vmem>> -> memref<80xi32, #tpu.memory_space<vmem>>
      %dma_wait3A_122 = arith.constant 0 : i32
      %dma_wait3A_123 = arith.constant 0 : i32
      %dma_wait3A_124 = tpu.memref_slice %arg22[%dma_wait3A_122, %dma_wait3A_123] : memref<10112x128xf32, #tpu.memory_space<vmem_shared>> -> memref<10112x128xf32, #tpu.memory_space<vmem_shared>>
      tpu.wait_indirect_dma semaphore(%arg20 : memref<!tpu.dma_semaphore, #tpu.memory_space<semaphore_mem>>) src(%arg11 : memref<80x128xf32, #tpu.memory_space<vmem>>) dst(%dma_wait3A_124 : memref<10112x128xf32, #tpu.memory_space<vmem_shared>>)
      %jit3A_125 = arith.constant 2 : i32
      %eq3A_126 = arith.constant 0 : i32
      %eq3A_127 = arith.cmpi eq, %jit3A_125, %eq3A_126 : i32
      %jit3A_128 = arith.constant 1 : i32
      %select_n3A_129 = arith.select %eq3A_127, %jit3A_128, %jit3A_125 : i32
      %rem3A_130 = arith.remsi %scan3A_108, %select_n3A_129 : i32
      %ne3A_131 = arith.constant 0 : i32
      %ne3A_132 = arith.cmpi ne, %rem3A_130, %ne3A_131 : i32
      %lt3A_133 = arith.constant 0 : i32
      %lt3A_134 = arith.cmpi slt, %rem3A_130, %lt3A_133 : i32
      %lt3A_135 = arith.constant 0 : i32
      %lt3A_136 = arith.cmpi slt, %select_n3A_129, %lt3A_135 : i32
      %ne3A_137 = arith.xori %lt3A_134, %lt3A_136 : i1
      %and3A_138 = arith.andi %ne3A_137, %ne3A_132 : i1
      %add3A_139 = arith.addi %rem3A_130, %select_n3A_129 : i32
      %select_n3A_140 = arith.select %and3A_138, %add3A_139, %rem3A_130 : i32
      %eq3A_141 = arith.constant 0 : i32
      %eq3A_142 = arith.cmpi eq, %select_n3A_140, %eq3A_141 : i32
      %jit3A_143 = arith.constant 2 : i32
      %eq3A_144 = arith.constant 0 : i32
      %eq3A_145 = arith.cmpi eq, %jit3A_143, %eq3A_144 : i32
      %jit3A_146 = arith.constant 1 : i32
      %select_n3A_147 = arith.select %eq3A_145, %jit3A_146, %jit3A_143 : i32
      %rem3A_148 = arith.remsi %scan3A_108, %select_n3A_147 : i32
      %ne3A_149 = arith.constant 0 : i32
      %ne3A_150 = arith.cmpi ne, %rem3A_148, %ne3A_149 : i32
      %lt3A_151 = arith.constant 0 : i32
      %lt3A_152 = arith.cmpi slt, %rem3A_148, %lt3A_151 : i32
      %lt3A_153 = arith.constant 0 : i32
      %lt3A_154 = arith.cmpi slt, %select_n3A_147, %lt3A_153 : i32
      %ne3A_155 = arith.xori %lt3A_152, %lt3A_154 : i1
      %and3A_156 = arith.andi %ne3A_155, %ne3A_150 : i1
      %add3A_157 = arith.addi %rem3A_148, %select_n3A_147 : i32
      %select_n3A_158 = arith.select %and3A_156, %add3A_157, %rem3A_148 : i32
      %eq3A_159 = arith.constant 1 : i32
      %eq3A_160 = arith.cmpi eq, %select_n3A_158, %eq3A_159 : i32
      %convert_element_type3A = arith.extui %eq3A_142 : i1 to i32
      %cond3A = arith.constant 0 : i32
      %cond3A_161 = arith.cmpi ne, %convert_element_type3A, %cond3A : i32
      scf.if %cond3A_161 {
        %mul3A_555 = arith.constant 4 : i32
        %mul3A_556 = arith.muli %mul3A_555, %scan3A_108 : i32
        %add3A_557 = arith.constant 1 : i32
        %add3A_558 = arith.addi %add3A_557, %mul3A_556 : i32
        %add3A_559 = arith.constant 2 : i32
        %add3A_560 = arith.addi %add3A_558, %add3A_559 : i32
        %sub3A = arith.constant 1 : i32
        %sub3A_561 = arith.subi %add3A_560, %sub3A : i32
        %mul3A_562 = arith.constant 80 : i32
        %mul3A_563 = arith.muli %sub3A_561, %mul3A_562 : i32
        %add3A_564 = arith.addi %mul3A_2, %mul3A_563 : i32
        %multiple_of3A_565 = tpu.assume_multiple %add3A_564, 8 : i32
        %dma_start3A_566 = arith.constant 0 : i32
        %dma_start3A_567 = arith.constant 80 : i32
        %dma_start3A_568 = tpu.memref_slice %arg7[%dma_start3A_566, %dma_start3A_567] : memref<2x320xi32, #tpu.memory_space<vmem>> -> memref<1x80xi32, #tpu.memory_space<vmem>>
        %dma_start3A_569 = tpu.memref_squeeze %dma_start3A_568 : memref<1x80xi32, #tpu.memory_space<vmem>> -> memref<80xi32, #tpu.memory_space<vmem>>
        %dma_start3A_570 = arith.constant 0 : i32
        %dma_start3A_571 = arith.constant 0 : i32
        %dma_start3A_572 = tpu.memref_slice %arg3[%dma_start3A_570, %dma_start3A_571] : memref<10000x128xf32, #tpu.memory_space<hbm>> -> memref<10000x128xf32, #tpu.memory_space<hbm>>
        tpu.enqueue_indirect_dma source(%dma_start3A_572 : memref<10000x128xf32, #tpu.memory_space<hbm>>) target(%arg9 : memref<80x128xf32, #tpu.memory_space<vmem>>) offsets(%dma_start3A_569 : memref<80xi32, #tpu.memory_space<vmem>>) semaphore(%arg18 : memref<!tpu.dma_semaphore, #tpu.memory_space<semaphore_mem>>)
        %dma_start3A_573 = arith.constant 0 : i32
        %dma_start3A_574 = tpu.memref_slice %arg4[%multiple_of3A_565, %dma_start3A_573] : memref<320000x128xf32, #tpu.memory_space<hbm>> -> memref<80x128xf32, #tpu.memory_space<hbm>>
        %dma_start3A_575 = arith.constant 0 : i32
        %dma_start3A_576 = tpu.memref_slice %arg4[%multiple_of3A_565, %dma_start3A_575] : memref<320000x128xf32, #tpu.memory_space<hbm>> -> memref<80x128xf32, #tpu.memory_space<hbm>>
        tpu.enqueue_dma source(%dma_start3A_576 : memref<80x128xf32, #tpu.memory_space<hbm>>) target(%arg11 : memref<80x128xf32, #tpu.memory_space<vmem>>) target_semaphore(%arg16 : memref<!tpu.dma_semaphore, #tpu.memory_space<semaphore_mem>>)
      } else {
      }
      %convert_element_type3A_162 = arith.extui %eq3A_160 : i1 to i32
      %cond3A_163 = arith.constant 0 : i32
      %cond3A_164 = arith.cmpi ne, %convert_element_type3A_162, %cond3A_163 : i32
      scf.if %cond3A_164 {
        %mul3A_555 = arith.constant 4 : i32
        %mul3A_556 = arith.muli %mul3A_555, %scan3A_108 : i32
        %add3A_557 = arith.constant 1 : i32
        %add3A_558 = arith.addi %add3A_557, %mul3A_556 : i32
        %add3A_559 = arith.constant 2 : i32
        %add3A_560 = arith.addi %add3A_558, %add3A_559 : i32
        %sub3A = arith.constant 1 : i32
        %sub3A_561 = arith.subi %add3A_560, %sub3A : i32
        %mul3A_562 = arith.constant 80 : i32
        %mul3A_563 = arith.muli %sub3A_561, %mul3A_562 : i32
        %add3A_564 = arith.addi %mul3A_2, %mul3A_563 : i32
        %multiple_of3A_565 = tpu.assume_multiple %add3A_564, 8 : i32
        %dma_start3A_566 = arith.constant 0 : i32
        %dma_start3A_567 = arith.constant 80 : i32
        %dma_start3A_568 = tpu.memref_slice %arg8[%dma_start3A_566, %dma_start3A_567] : memref<2x320xi32, #tpu.memory_space<vmem>> -> memref<1x80xi32, #tpu.memory_space<vmem>>
        %dma_start3A_569 = tpu.memref_squeeze %dma_start3A_568 : memref<1x80xi32, #tpu.memory_space<vmem>> -> memref<80xi32, #tpu.memory_space<vmem>>
        %dma_start3A_570 = arith.constant 0 : i32
        %dma_start3A_571 = arith.constant 0 : i32
        %dma_start3A_572 = tpu.memref_slice %arg3[%dma_start3A_570, %dma_start3A_571] : memref<10000x128xf32, #tpu.memory_space<hbm>> -> memref<10000x128xf32, #tpu.memory_space<hbm>>
        tpu.enqueue_indirect_dma source(%dma_start3A_572 : memref<10000x128xf32, #tpu.memory_space<hbm>>) target(%arg9 : memref<80x128xf32, #tpu.memory_space<vmem>>) offsets(%dma_start3A_569 : memref<80xi32, #tpu.memory_space<vmem>>) semaphore(%arg18 : memref<!tpu.dma_semaphore, #tpu.memory_space<semaphore_mem>>)
        %dma_start3A_573 = arith.constant 0 : i32
        %dma_start3A_574 = tpu.memref_slice %arg4[%multiple_of3A_565, %dma_start3A_573] : memref<320000x128xf32, #tpu.memory_space<hbm>> -> memref<80x128xf32, #tpu.memory_space<hbm>>
        %dma_start3A_575 = arith.constant 0 : i32
        %dma_start3A_576 = tpu.memref_slice %arg4[%multiple_of3A_565, %dma_start3A_575] : memref<320000x128xf32, #tpu.memory_space<hbm>> -> memref<80x128xf32, #tpu.memory_space<hbm>>
        tpu.enqueue_dma source(%dma_start3A_576 : memref<80x128xf32, #tpu.memory_space<hbm>>) target(%arg11 : memref<80x128xf32, #tpu.memory_space<vmem>>) target_semaphore(%arg16 : memref<!tpu.dma_semaphore, #tpu.memory_space<semaphore_mem>>)
      } else {
      }
      %dma_wait3A_165 = arith.constant 0 : i32
      %dma_wait3A_166 = arith.constant 0 : i32
      %dma_wait3A_167 = tpu.memref_slice %arg4[%dma_wait3A_165, %dma_wait3A_166] : memref<320000x128xf32, #tpu.memory_space<hbm>> -> memref<80x128xf32, #tpu.memory_space<hbm>>
      %dma_wait3A_168 = arith.constant 0 : i32
      %dma_wait3A_169 = arith.constant 0 : i32
      %dma_wait3A_170 = tpu.memref_slice %arg4[%dma_wait3A_168, %dma_wait3A_169] : memref<320000x128xf32, #tpu.memory_space<hbm>> -> memref<80x128xf32, #tpu.memory_space<hbm>>
      tpu.wait_dma2 semaphore(%arg17 : memref<!tpu.dma_semaphore, #tpu.memory_space<semaphore_mem>>) src(%dma_wait3A_170 : memref<80x128xf32, #tpu.memory_space<hbm>>) dst(%arg12 : memref<80x128xf32, #tpu.memory_space<vmem>>)
      %dma_wait3A_171 = arith.constant 0 : i32
      %dma_wait3A_172 = arith.constant 0 : i32
      %dma_wait3A_173 = tpu.memref_slice %arg6[%dma_wait3A_171, %dma_wait3A_172] : memref<2x80xi32, #tpu.memory_space<vmem>> -> memref<1x80xi32, #tpu.memory_space<vmem>>
      %dma_wait3A_174 = tpu.memref_squeeze %dma_wait3A_173 : memref<1x80xi32, #tpu.memory_space<vmem>> -> memref<80xi32, #tpu.memory_space<vmem>>
      %dma_wait3A_175 = arith.constant 0 : i32
      %dma_wait3A_176 = arith.constant 0 : i32
      %dma_wait3A_177 = tpu.memref_slice %arg3[%dma_wait3A_175, %dma_wait3A_176] : memref<10000x128xf32, #tpu.memory_space<hbm>> -> memref<10000x128xf32, #tpu.memory_space<hbm>>
      tpu.wait_indirect_dma semaphore(%arg19 : memref<!tpu.dma_semaphore, #tpu.memory_space<semaphore_mem>>) src(%dma_wait3A_177 : memref<10000x128xf32, #tpu.memory_space<hbm>>) dst(%arg10 : memref<80x128xf32, #tpu.memory_space<vmem>>)
      %parallel_loop3A_178 = arith.constant 0 : i32
      %parallel_loop3A_179 = arith.constant 80 : i32
      %parallel_loop3A_180 = arith.constant 1 : i32
      scf.for %parallel_loop3A_555 = %parallel_loop3A_178 to %parallel_loop3A_179 step %parallel_loop3A_180  : i32 {
        %parallel_loop3A_556 = arith.index_cast %parallel_loop3A_555 : i32 to index
        %parallel_loop3A_557 = arith.constant 0 : index
        %parallel_loop3A_558 = tpu.vector_load %arg12[%parallel_loop3A_556, %parallel_loop3A_557] {strides = array<i32>} : memref<80x128xf32, #tpu.memory_space<vmem>>, vector<1x16xf32>,
        %parallel_loop3A_559 = vector.shape_cast %parallel_loop3A_558 : vector<1x16xf32> to vector<16xf32>
        %parallel_loop3A_560 = arith.index_cast %parallel_loop3A_555 : i32 to index
        %parallel_loop3A_561 = arith.constant 0 : index
        %parallel_loop3A_562 = tpu.vector_load %arg10[%parallel_loop3A_560, %parallel_loop3A_561] {strides = array<i32>} : memref<80x128xf32, #tpu.memory_space<vmem>>, vector<1x16xf32>,
        %parallel_loop3A_563 = vector.shape_cast %parallel_loop3A_562 : vector<1x16xf32> to vector<16xf32>
        %parallel_loop3A_564 = arith.addf %parallel_loop3A_559, %parallel_loop3A_563 : vector<16xf32>
        %parallel_loop3A_565 = arith.constant 0.000000e+00 : f32
        %parallel_loop3A_566 = vector.broadcast %parallel_loop3A_565 : f32 to vector<16xf32>
        %parallel_loop3A_567 = arith.maximumf %parallel_loop3A_564, %parallel_loop3A_566 : vector<16xf32>
        %parallel_loop3A_568 = arith.index_cast %parallel_loop3A_555 : i32 to index
        %parallel_loop3A_569 = arith.constant 0 : index
        %parallel_loop3A_570 = tpu.vector_load %arg12[%parallel_loop3A_568, %parallel_loop3A_569] {strides = array<i32>} : memref<80x128xf32, #tpu.memory_space<vmem>>, vector<1x16xf32>,
        %parallel_loop3A_571 = vector.shape_cast %parallel_loop3A_570 : vector<1x16xf32> to vector<16xf32>
        %parallel_loop3A_572 = vector.shape_cast %parallel_loop3A_567 : vector<16xf32> to vector<1x16xf32>
        tpu.vector_store %arg12[%parallel_loop3A_568, %parallel_loop3A_569], %parallel_loop3A_572 {strides = array<i32>} : memref<80x128xf32, #tpu.memory_space<vmem>>, vector<1x16xf32>,
        %parallel_loop3A_573 = arith.index_cast %parallel_loop3A_555 : i32 to index
        %parallel_loop3A_574 = arith.constant 16 : index
        %parallel_loop3A_575 = tpu.vector_load %arg12[%parallel_loop3A_573, %parallel_loop3A_574] {strides = array<i32>} : memref<80x128xf32, #tpu.memory_space<vmem>>, vector<1x16xf32>,
        %parallel_loop3A_576 = vector.shape_cast %parallel_loop3A_575 : vector<1x16xf32> to vector<16xf32>
        %parallel_loop3A_577 = arith.index_cast %parallel_loop3A_555 : i32 to index
        %parallel_loop3A_578 = arith.constant 16 : index
        %parallel_loop3A_579 = tpu.vector_load %arg10[%parallel_loop3A_577, %parallel_loop3A_578] {strides = array<i32>} : memref<80x128xf32, #tpu.memory_space<vmem>>, vector<1x16xf32>,
        %parallel_loop3A_580 = vector.shape_cast %parallel_loop3A_579 : vector<1x16xf32> to vector<16xf32>
        %parallel_loop3A_581 = arith.addf %parallel_loop3A_576, %parallel_loop3A_580 : vector<16xf32>
        %parallel_loop3A_582 = arith.constant 0.000000e+00 : f32
        %parallel_loop3A_583 = vector.broadcast %parallel_loop3A_582 : f32 to vector<16xf32>
        %parallel_loop3A_584 = arith.maximumf %parallel_loop3A_581, %parallel_loop3A_583 : vector<16xf32>
        %parallel_loop3A_585 = arith.index_cast %parallel_loop3A_555 : i32 to index
        %parallel_loop3A_586 = arith.constant 16 : index
        %parallel_loop3A_587 = tpu.vector_load %arg12[%parallel_loop3A_585, %parallel_loop3A_586] {strides = array<i32>} : memref<80x128xf32, #tpu.memory_space<vmem>>, vector<1x16xf32>,
        %parallel_loop3A_588 = vector.shape_cast %parallel_loop3A_587 : vector<1x16xf32> to vector<16xf32>
        %parallel_loop3A_589 = vector.shape_cast %parallel_loop3A_584 : vector<16xf32> to vector<1x16xf32>
        tpu.vector_store %arg12[%parallel_loop3A_585, %parallel_loop3A_586], %parallel_loop3A_589 {strides = array<i32>} : memref<80x128xf32, #tpu.memory_space<vmem>>, vector<1x16xf32>,
        %parallel_loop3A_590 = arith.index_cast %parallel_loop3A_555 : i32 to index
        %parallel_loop3A_591 = arith.constant 32 : index
        %parallel_loop3A_592 = tpu.vector_load %arg12[%parallel_loop3A_590, %parallel_loop3A_591] {strides = array<i32>} : memref<80x128xf32, #tpu.memory_space<vmem>>, vector<1x16xf32>,
        %parallel_loop3A_593 = vector.shape_cast %parallel_loop3A_592 : vector<1x16xf32> to vector<16xf32>
        %parallel_loop3A_594 = arith.index_cast %parallel_loop3A_555 : i32 to index
        %parallel_loop3A_595 = arith.constant 32 : index
        %parallel_loop3A_596 = tpu.vector_load %arg10[%parallel_loop3A_594, %parallel_loop3A_595] {strides = array<i32>} : memref<80x128xf32, #tpu.memory_space<vmem>>, vector<1x16xf32>,
        %parallel_loop3A_597 = vector.shape_cast %parallel_loop3A_596 : vector<1x16xf32> to vector<16xf32>
        %parallel_loop3A_598 = arith.addf %parallel_loop3A_593, %parallel_loop3A_597 : vector<16xf32>
        %parallel_loop3A_599 = arith.constant 0.000000e+00 : f32
        %parallel_loop3A_600 = vector.broadcast %parallel_loop3A_599 : f32 to vector<16xf32>
        %parallel_loop3A_601 = arith.maximumf %parallel_loop3A_598, %parallel_loop3A_600 : vector<16xf32>
        %parallel_loop3A_602 = arith.index_cast %parallel_loop3A_555 : i32 to index
        %parallel_loop3A_603 = arith.constant 32 : index
        %parallel_loop3A_604 = tpu.vector_load %arg12[%parallel_loop3A_602, %parallel_loop3A_603] {strides = array<i32>} : memref<80x128xf32, #tpu.memory_space<vmem>>, vector<1x16xf32>,
        %parallel_loop3A_605 = vector.shape_cast %parallel_loop3A_604 : vector<1x16xf32> to vector<16xf32>
        %parallel_loop3A_606 = vector.shape_cast %parallel_loop3A_601 : vector<16xf32> to vector<1x16xf32>
        tpu.vector_store %arg12[%parallel_loop3A_602, %parallel_loop3A_603], %parallel_loop3A_606 {strides = array<i32>} : memref<80x128xf32, #tpu.memory_space<vmem>>, vector<1x16xf32>,
        %parallel_loop3A_607 = arith.index_cast %parallel_loop3A_555 : i32 to index
        %parallel_loop3A_608 = arith.constant 48 : index
        %parallel_loop3A_609 = tpu.vector_load %arg12[%parallel_loop3A_607, %parallel_loop3A_608] {strides = array<i32>} : memref<80x128xf32, #tpu.memory_space<vmem>>, vector<1x16xf32>,
        %parallel_loop3A_610 = vector.shape_cast %parallel_loop3A_609 : vector<1x16xf32> to vector<16xf32>
        %parallel_loop3A_611 = arith.index_cast %parallel_loop3A_555 : i32 to index
        %parallel_loop3A_612 = arith.constant 48 : index
        %parallel_loop3A_613 = tpu.vector_load %arg10[%parallel_loop3A_611, %parallel_loop3A_612] {strides = array<i32>} : memref<80x128xf32, #tpu.memory_space<vmem>>, vector<1x16xf32>,
        %parallel_loop3A_614 = vector.shape_cast %parallel_loop3A_613 : vector<1x16xf32> to vector<16xf32>
        %parallel_loop3A_615 = arith.addf %parallel_loop3A_610, %parallel_loop3A_614 : vector<16xf32>
        %parallel_loop3A_616 = arith.constant 0.000000e+00 : f32
        %parallel_loop3A_617 = vector.broadcast %parallel_loop3A_616 : f32 to vector<16xf32>
        %parallel_loop3A_618 = arith.maximumf %parallel_loop3A_615, %parallel_loop3A_617 : vector<16xf32>
        %parallel_loop3A_619 = arith.index_cast %parallel_loop3A_555 : i32 to index
        %parallel_loop3A_620 = arith.constant 48 : index
        %parallel_loop3A_621 = tpu.vector_load %arg12[%parallel_loop3A_619, %parallel_loop3A_620] {strides = array<i32>} : memref<80x128xf32, #tpu.memory_space<vmem>>, vector<1x16xf32>,
        %parallel_loop3A_622 = vector.shape_cast %parallel_loop3A_621 : vector<1x16xf32> to vector<16xf32>
        %parallel_loop3A_623 = vector.shape_cast %parallel_loop3A_618 : vector<16xf32> to vector<1x16xf32>
        tpu.vector_store %arg12[%parallel_loop3A_619, %parallel_loop3A_620], %parallel_loop3A_623 {strides = array<i32>} : memref<80x128xf32, #tpu.memory_space<vmem>>, vector<1x16xf32>,
        %parallel_loop3A_624 = arith.index_cast %parallel_loop3A_555 : i32 to index
        %parallel_loop3A_625 = arith.constant 64 : index
        %parallel_loop3A_626 = tpu.vector_load %arg12[%parallel_loop3A_624, %parallel_loop3A_625] {strides = array<i32>} : memref<80x128xf32, #tpu.memory_space<vmem>>, vector<1x16xf32>,
        %parallel_loop3A_627 = vector.shape_cast %parallel_loop3A_626 : vector<1x16xf32> to vector<16xf32>
        %parallel_loop3A_628 = arith.index_cast %parallel_loop3A_555 : i32 to index
        %parallel_loop3A_629 = arith.constant 64 : index
        %parallel_loop3A_630 = tpu.vector_load %arg10[%parallel_loop3A_628, %parallel_loop3A_629] {strides = array<i32>} : memref<80x128xf32, #tpu.memory_space<vmem>>, vector<1x16xf32>,
        %parallel_loop3A_631 = vector.shape_cast %parallel_loop3A_630 : vector<1x16xf32> to vector<16xf32>
        %parallel_loop3A_632 = arith.addf %parallel_loop3A_627, %parallel_loop3A_631 : vector<16xf32>
        %parallel_loop3A_633 = arith.constant 0.000000e+00 : f32
        %parallel_loop3A_634 = vector.broadcast %parallel_loop3A_633 : f32 to vector<16xf32>
        %parallel_loop3A_635 = arith.maximumf %parallel_loop3A_632, %parallel_loop3A_634 : vector<16xf32>
        %parallel_loop3A_636 = arith.index_cast %parallel_loop3A_555 : i32 to index
        %parallel_loop3A_637 = arith.constant 64 : index
        %parallel_loop3A_638 = tpu.vector_load %arg12[%parallel_loop3A_636, %parallel_loop3A_637] {strides = array<i32>} : memref<80x128xf32, #tpu.memory_space<vmem>>, vector<1x16xf32>,
        %parallel_loop3A_639 = vector.shape_cast %parallel_loop3A_638 : vector<1x16xf32> to vector<16xf32>
        %parallel_loop3A_640 = vector.shape_cast %parallel_loop3A_635 : vector<16xf32> to vector<1x16xf32>
        tpu.vector_store %arg12[%parallel_loop3A_636, %parallel_loop3A_637], %parallel_loop3A_640 {strides = array<i32>} : memref<80x128xf32, #tpu.memory_space<vmem>>, vector<1x16xf32>,
        %parallel_loop3A_641 = arith.index_cast %parallel_loop3A_555 : i32 to index
        %parallel_loop3A_642 = arith.constant 80 : index
        %parallel_loop3A_643 = tpu.vector_load %arg12[%parallel_loop3A_641, %parallel_loop3A_642] {strides = array<i32>} : memref<80x128xf32, #tpu.memory_space<vmem>>, vector<1x16xf32>,
        %parallel_loop3A_644 = vector.shape_cast %parallel_loop3A_643 : vector<1x16xf32> to vector<16xf32>
        %parallel_loop3A_645 = arith.index_cast %parallel_loop3A_555 : i32 to index
        %parallel_loop3A_646 = arith.constant 80 : index
        %parallel_loop3A_647 = tpu.vector_load %arg10[%parallel_loop3A_645, %parallel_loop3A_646] {strides = array<i32>} : memref<80x128xf32, #tpu.memory_space<vmem>>, vector<1x16xf32>,
        %parallel_loop3A_648 = vector.shape_cast %parallel_loop3A_647 : vector<1x16xf32> to vector<16xf32>
        %parallel_loop3A_649 = arith.addf %parallel_loop3A_644, %parallel_loop3A_648 : vector<16xf32>
        %parallel_loop3A_650 = arith.constant 0.000000e+00 : f32
        %parallel_loop3A_651 = vector.broadcast %parallel_loop3A_650 : f32 to vector<16xf32>
        %parallel_loop3A_652 = arith.maximumf %parallel_loop3A_649, %parallel_loop3A_651 : vector<16xf32>
        %parallel_loop3A_653 = arith.index_cast %parallel_loop3A_555 : i32 to index
        %parallel_loop3A_654 = arith.constant 80 : index
        %parallel_loop3A_655 = tpu.vector_load %arg12[%parallel_loop3A_653, %parallel_loop3A_654] {strides = array<i32>} : memref<80x128xf32, #tpu.memory_space<vmem>>, vector<1x16xf32>,
        %parallel_loop3A_656 = vector.shape_cast %parallel_loop3A_655 : vector<1x16xf32> to vector<16xf32>
        %parallel_loop3A_657 = vector.shape_cast %parallel_loop3A_652 : vector<16xf32> to vector<1x16xf32>
        tpu.vector_store %arg12[%parallel_loop3A_653, %parallel_loop3A_654], %parallel_loop3A_657 {strides = array<i32>} : memref<80x128xf32, #tpu.memory_space<vmem>>, vector<1x16xf32>,
        %parallel_loop3A_658 = arith.index_cast %parallel_loop3A_555 : i32 to index
        %parallel_loop3A_659 = arith.constant 96 : index
        %parallel_loop3A_660 = tpu.vector_load %arg12[%parallel_loop3A_658, %parallel_loop3A_659] {strides = array<i32>} : memref<80x128xf32, #tpu.memory_space<vmem>>, vector<1x16xf32>,
        %parallel_loop3A_661 = vector.shape_cast %parallel_loop3A_660 : vector<1x16xf32> to vector<16xf32>
        %parallel_loop3A_662 = arith.index_cast %parallel_loop3A_555 : i32 to index
        %parallel_loop3A_663 = arith.constant 96 : index
        %parallel_loop3A_664 = tpu.vector_load %arg10[%parallel_loop3A_662, %parallel_loop3A_663] {strides = array<i32>} : memref<80x128xf32, #tpu.memory_space<vmem>>, vector<1x16xf32>,
        %parallel_loop3A_665 = vector.shape_cast %parallel_loop3A_664 : vector<1x16xf32> to vector<16xf32>
        %parallel_loop3A_666 = arith.addf %parallel_loop3A_661, %parallel_loop3A_665 : vector<16xf32>
        %parallel_loop3A_667 = arith.constant 0.000000e+00 : f32
        %parallel_loop3A_668 = vector.broadcast %parallel_loop3A_667 : f32 to vector<16xf32>
        %parallel_loop3A_669 = arith.maximumf %parallel_loop3A_666, %parallel_loop3A_668 : vector<16xf32>
        %parallel_loop3A_670 = arith.index_cast %parallel_loop3A_555 : i32 to index
        %parallel_loop3A_671 = arith.constant 96 : index
        %parallel_loop3A_672 = tpu.vector_load %arg12[%parallel_loop3A_670, %parallel_loop3A_671] {strides = array<i32>} : memref<80x128xf32, #tpu.memory_space<vmem>>, vector<1x16xf32>,
        %parallel_loop3A_673 = vector.shape_cast %parallel_loop3A_672 : vector<1x16xf32> to vector<16xf32>
        %parallel_loop3A_674 = vector.shape_cast %parallel_loop3A_669 : vector<16xf32> to vector<1x16xf32>
        tpu.vector_store %arg12[%parallel_loop3A_670, %parallel_loop3A_671], %parallel_loop3A_674 {strides = array<i32>} : memref<80x128xf32, #tpu.memory_space<vmem>>, vector<1x16xf32>,
        %parallel_loop3A_675 = arith.index_cast %parallel_loop3A_555 : i32 to index
        %parallel_loop3A_676 = arith.constant 112 : index
        %parallel_loop3A_677 = tpu.vector_load %arg12[%parallel_loop3A_675, %parallel_loop3A_676] {strides = array<i32>} : memref<80x128xf32, #tpu.memory_space<vmem>>, vector<1x16xf32>,
        %parallel_loop3A_678 = vector.shape_cast %parallel_loop3A_677 : vector<1x16xf32> to vector<16xf32>
        %parallel_loop3A_679 = arith.index_cast %parallel_loop3A_555 : i32 to index
        %parallel_loop3A_680 = arith.constant 112 : index
        %parallel_loop3A_681 = tpu.vector_load %arg10[%parallel_loop3A_679, %parallel_loop3A_680] {strides = array<i32>} : memref<80x128xf32, #tpu.memory_space<vmem>>, vector<1x16xf32>,
        %parallel_loop3A_682 = vector.shape_cast %parallel_loop3A_681 : vector<1x16xf32> to vector<16xf32>
        %parallel_loop3A_683 = arith.addf %parallel_loop3A_678, %parallel_loop3A_682 : vector<16xf32>
        %parallel_loop3A_684 = arith.constant 0.000000e+00 : f32
        %parallel_loop3A_685 = vector.broadcast %parallel_loop3A_684 : f32 to vector<16xf32>
        %parallel_loop3A_686 = arith.maximumf %parallel_loop3A_683, %parallel_loop3A_685 : vector<16xf32>
        %parallel_loop3A_687 = arith.index_cast %parallel_loop3A_555 : i32 to index
        %parallel_loop3A_688 = arith.constant 112 : index
        %parallel_loop3A_689 = tpu.vector_load %arg12[%parallel_loop3A_687, %parallel_loop3A_688] {strides = array<i32>} : memref<80x128xf32, #tpu.memory_space<vmem>>, vector<1x16xf32>,
        %parallel_loop3A_690 = vector.shape_cast %parallel_loop3A_689 : vector<1x16xf32> to vector<16xf32>
        %parallel_loop3A_691 = vector.shape_cast %parallel_loop3A_686 : vector<16xf32> to vector<1x16xf32>
        tpu.vector_store %arg12[%parallel_loop3A_687, %parallel_loop3A_688], %parallel_loop3A_691 {strides = array<i32>} : memref<80x128xf32, #tpu.memory_space<vmem>>, vector<1x16xf32>,
      } {sc.loop_unroll_factor = 4 : i64, sc.parallel_access}
      %jit3A_181 = arith.constant 2 : i32
      %eq3A_182 = arith.constant 0 : i32
      %eq3A_183 = arith.cmpi eq, %jit3A_181, %eq3A_182 : i32
      %jit3A_184 = arith.constant 1 : i32
      %select_n3A_185 = arith.select %eq3A_183, %jit3A_184, %jit3A_181 : i32
      %rem3A_186 = arith.remsi %scan3A_108, %select_n3A_185 : i32
      %ne3A_187 = arith.constant 0 : i32
      %ne3A_188 = arith.cmpi ne, %rem3A_186, %ne3A_187 : i32
      %lt3A_189 = arith.constant 0 : i32
      %lt3A_190 = arith.cmpi slt, %rem3A_186, %lt3A_189 : i32
      %lt3A_191 = arith.constant 0 : i32
      %lt3A_192 = arith.cmpi slt, %select_n3A_185, %lt3A_191 : i32
      %ne3A_193 = arith.xori %lt3A_190, %lt3A_192 : i1
      %and3A_194 = arith.andi %ne3A_193, %ne3A_188 : i1
      %add3A_195 = arith.addi %rem3A_186, %select_n3A_185 : i32
      %select_n3A_196 = arith.select %and3A_194, %add3A_195, %rem3A_186 : i32
      %eq3A_197 = arith.constant 0 : i32
      %eq3A_198 = arith.cmpi eq, %select_n3A_196, %eq3A_197 : i32
      %convert_element_type3A_199 = arith.extui %eq3A_198 : i1 to i32
      %cond3A_200 = arith.constant 0 : i32
      %cond3A_201 = arith.cmpi ne, %convert_element_type3A_199, %cond3A_200 : i32
      scf.if %cond3A_201 {
        %dma_start3A_555 = arith.constant 1 : i32
        %dma_start3A_556 = arith.constant 0 : i32
        %dma_start3A_557 = tpu.memref_slice %arg7[%dma_start3A_555, %dma_start3A_556] : memref<2x320xi32, #tpu.memory_space<vmem>> -> memref<1x80xi32, #tpu.memory_space<vmem>>
        %dma_start3A_558 = tpu.memref_squeeze %dma_start3A_557 : memref<1x80xi32, #tpu.memory_space<vmem>> -> memref<80xi32, #tpu.memory_space<vmem>>
        %dma_start3A_559 = arith.constant 0 : i32
        %dma_start3A_560 = arith.constant 0 : i32
        %dma_start3A_561 = tpu.memref_slice %arg22[%dma_start3A_559, %dma_start3A_560] : memref<10112x128xf32, #tpu.memory_space<vmem_shared>> -> memref<10112x128xf32, #tpu.memory_space<vmem_shared>>
        tpu.enqueue_indirect_dma source(%arg12 : memref<80x128xf32, #tpu.memory_space<vmem>>) target(%dma_start3A_561 : memref<10112x128xf32, #tpu.memory_space<vmem_shared>>) offsets(%dma_start3A_558 : memref<80xi32, #tpu.memory_space<vmem>>) semaphore(%arg21 : memref<!tpu.dma_semaphore, #tpu.memory_space<semaphore_mem>>) {add = true}
      } else {
      }
      %jit3A_202 = arith.constant 2 : i32
      %eq3A_203 = arith.constant 0 : i32
      %eq3A_204 = arith.cmpi eq, %jit3A_202, %eq3A_203 : i32
      %jit3A_205 = arith.constant 1 : i32
      %select_n3A_206 = arith.select %eq3A_204, %jit3A_205, %jit3A_202 : i32
      %rem3A_207 = arith.remsi %scan3A_108, %select_n3A_206 : i32
      %ne3A_208 = arith.constant 0 : i32
      %ne3A_209 = arith.cmpi ne, %rem3A_207, %ne3A_208 : i32
      %lt3A_210 = arith.constant 0 : i32
      %lt3A_211 = arith.cmpi slt, %rem3A_207, %lt3A_210 : i32
      %lt3A_212 = arith.constant 0 : i32
      %lt3A_213 = arith.cmpi slt, %select_n3A_206, %lt3A_212 : i32
      %ne3A_214 = arith.xori %lt3A_211, %lt3A_213 : i1
      %and3A_215 = arith.andi %ne3A_214, %ne3A_209 : i1
      %add3A_216 = arith.addi %rem3A_207, %select_n3A_206 : i32
      %select_n3A_217 = arith.select %and3A_215, %add3A_216, %rem3A_207 : i32
      %eq3A_218 = arith.constant 1 : i32
      %eq3A_219 = arith.cmpi eq, %select_n3A_217, %eq3A_218 : i32
      %convert_element_type3A_220 = arith.extui %eq3A_219 : i1 to i32
      %cond3A_221 = arith.constant 0 : i32
      %cond3A_222 = arith.cmpi ne, %convert_element_type3A_220, %cond3A_221 : i32
      scf.if %cond3A_222 {
        %dma_start3A_555 = arith.constant 1 : i32
        %dma_start3A_556 = arith.constant 0 : i32
        %dma_start3A_557 = tpu.memref_slice %arg8[%dma_start3A_555, %dma_start3A_556] : memref<2x320xi32, #tpu.memory_space<vmem>> -> memref<1x80xi32, #tpu.memory_space<vmem>>
        %dma_start3A_558 = tpu.memref_squeeze %dma_start3A_557 : memref<1x80xi32, #tpu.memory_space<vmem>> -> memref<80xi32, #tpu.memory_space<vmem>>
        %dma_start3A_559 = arith.constant 0 : i32
        %dma_start3A_560 = arith.constant 0 : i32
        %dma_start3A_561 = tpu.memref_slice %arg22[%dma_start3A_559, %dma_start3A_560] : memref<10112x128xf32, #tpu.memory_space<vmem_shared>> -> memref<10112x128xf32, #tpu.memory_space<vmem_shared>>
        tpu.enqueue_indirect_dma source(%arg12 : memref<80x128xf32, #tpu.memory_space<vmem>>) target(%dma_start3A_561 : memref<10112x128xf32, #tpu.memory_space<vmem_shared>>) offsets(%dma_start3A_558 : memref<80xi32, #tpu.memory_space<vmem>>) semaphore(%arg21 : memref<!tpu.dma_semaphore, #tpu.memory_space<semaphore_mem>>) {add = true}
      } else {
      }
      %dma_wait3A_223 = arith.constant 1 : i32
      %dma_wait3A_224 = arith.constant 0 : i32
      %dma_wait3A_225 = tpu.memref_slice %arg6[%dma_wait3A_223, %dma_wait3A_224] : memref<2x80xi32, #tpu.memory_space<vmem>> -> memref<1x80xi32, #tpu.memory_space<vmem>>
      %dma_wait3A_226 = tpu.memref_squeeze %dma_wait3A_225 : memref<1x80xi32, #tpu.memory_space<vmem>> -> memref<80xi32, #tpu.memory_space<vmem>>
      %dma_wait3A_227 = arith.constant 0 : i32
      %dma_wait3A_228 = arith.constant 0 : i32
      %dma_wait3A_229 = tpu.memref_slice %arg22[%dma_wait3A_227, %dma_wait3A_228] : memref<10112x128xf32, #tpu.memory_space<vmem_shared>> -> memref<10112x128xf32, #tpu.memory_space<vmem_shared>>
      tpu.wait_indirect_dma semaphore(%arg21 : memref<!tpu.dma_semaphore, #tpu.memory_space<semaphore_mem>>) src(%arg12 : memref<80x128xf32, #tpu.memory_space<vmem>>) dst(%dma_wait3A_229 : memref<10112x128xf32, #tpu.memory_space<vmem_shared>>)
      %jit3A_230 = arith.constant 2 : i32
      %eq3A_231 = arith.constant 0 : i32
      %eq3A_232 = arith.cmpi eq, %jit3A_230, %eq3A_231 : i32
      %jit3A_233 = arith.constant 1 : i32
      %select_n3A_234 = arith.select %eq3A_232, %jit3A_233, %jit3A_230 : i32
      %rem3A_235 = arith.remsi %scan3A_108, %select_n3A_234 : i32
      %ne3A_236 = arith.constant 0 : i32
      %ne3A_237 = arith.cmpi ne, %rem3A_235, %ne3A_236 : i32
      %lt3A_238 = arith.constant 0 : i32
      %lt3A_239 = arith.cmpi slt, %rem3A_235, %lt3A_238 : i32
      %lt3A_240 = arith.constant 0 : i32
      %lt3A_241 = arith.cmpi slt, %select_n3A_234, %lt3A_240 : i32
      %ne3A_242 = arith.xori %lt3A_239, %lt3A_241 : i1
      %and3A_243 = arith.andi %ne3A_242, %ne3A_237 : i1
      %add3A_244 = arith.addi %rem3A_235, %select_n3A_234 : i32
      %select_n3A_245 = arith.select %and3A_243, %add3A_244, %rem3A_235 : i32
      %eq3A_246 = arith.constant 0 : i32
      %eq3A_247 = arith.cmpi eq, %select_n3A_245, %eq3A_246 : i32
      %jit3A_248 = arith.constant 2 : i32
      %eq3A_249 = arith.constant 0 : i32
      %eq3A_250 = arith.cmpi eq, %jit3A_248, %eq3A_249 : i32
      %jit3A_251 = arith.constant 1 : i32
      %select_n3A_252 = arith.select %eq3A_250, %jit3A_251, %jit3A_248 : i32
      %rem3A_253 = arith.remsi %scan3A_108, %select_n3A_252 : i32
      %ne3A_254 = arith.constant 0 : i32
      %ne3A_255 = arith.cmpi ne, %rem3A_253, %ne3A_254 : i32
      %lt3A_256 = arith.constant 0 : i32
      %lt3A_257 = arith.cmpi slt, %rem3A_253, %lt3A_256 : i32
      %lt3A_258 = arith.constant 0 : i32
      %lt3A_259 = arith.cmpi slt, %select_n3A_252, %lt3A_258 : i32
      %ne3A_260 = arith.xori %lt3A_257, %lt3A_259 : i1
      %and3A_261 = arith.andi %ne3A_260, %ne3A_255 : i1
      %add3A_262 = arith.addi %rem3A_253, %select_n3A_252 : i32
      %select_n3A_263 = arith.select %and3A_261, %add3A_262, %rem3A_253 : i32
      %eq3A_264 = arith.constant 1 : i32
      %eq3A_265 = arith.cmpi eq, %select_n3A_263, %eq3A_264 : i32
      %convert_element_type3A_266 = arith.extui %eq3A_247 : i1 to i32
      %cond3A_267 = arith.constant 0 : i32
      %cond3A_268 = arith.cmpi ne, %convert_element_type3A_266, %cond3A_267 : i32
      scf.if %cond3A_268 {
        %mul3A_555 = arith.constant 4 : i32
        %mul3A_556 = arith.muli %mul3A_555, %scan3A_108 : i32
        %add3A_557 = arith.constant 1 : i32
        %add3A_558 = arith.addi %add3A_557, %mul3A_556 : i32
        %add3A_559 = arith.constant 3 : i32
        %add3A_560 = arith.addi %add3A_558, %add3A_559 : i32
        %sub3A = arith.constant 1 : i32
        %sub3A_561 = arith.subi %add3A_560, %sub3A : i32
        %mul3A_562 = arith.constant 80 : i32
        %mul3A_563 = arith.muli %sub3A_561, %mul3A_562 : i32
        %add3A_564 = arith.addi %mul3A_2, %mul3A_563 : i32
        %multiple_of3A_565 = tpu.assume_multiple %add3A_564, 8 : i32
        %dma_start3A_566 = arith.constant 0 : i32
        %dma_start3A_567 = arith.constant 160 : i32
        %dma_start3A_568 = tpu.memref_slice %arg7[%dma_start3A_566, %dma_start3A_567] : memref<2x320xi32, #tpu.memory_space<vmem>> -> memref<1x80xi32, #tpu.memory_space<vmem>>
        %dma_start3A_569 = tpu.memref_squeeze %dma_start3A_568 : memref<1x80xi32, #tpu.memory_space<vmem>> -> memref<80xi32, #tpu.memory_space<vmem>>
        %dma_start3A_570 = arith.constant 0 : i32
        %dma_start3A_571 = arith.constant 0 : i32
        %dma_start3A_572 = tpu.memref_slice %arg3[%dma_start3A_570, %dma_start3A_571] : memref<10000x128xf32, #tpu.memory_space<hbm>> -> memref<10000x128xf32, #tpu.memory_space<hbm>>
        tpu.enqueue_indirect_dma source(%dma_start3A_572 : memref<10000x128xf32, #tpu.memory_space<hbm>>) target(%arg10 : memref<80x128xf32, #tpu.memory_space<vmem>>) offsets(%dma_start3A_569 : memref<80xi32, #tpu.memory_space<vmem>>) semaphore(%arg19 : memref<!tpu.dma_semaphore, #tpu.memory_space<semaphore_mem>>)
        %dma_start3A_573 = arith.constant 0 : i32
        %dma_start3A_574 = tpu.memref_slice %arg4[%multiple_of3A_565, %dma_start3A_573] : memref<320000x128xf32, #tpu.memory_space<hbm>> -> memref<80x128xf32, #tpu.memory_space<hbm>>
        %dma_start3A_575 = arith.constant 0 : i32
        %dma_start3A_576 = tpu.memref_slice %arg4[%multiple_of3A_565, %dma_start3A_575] : memref<320000x128xf32, #tpu.memory_space<hbm>> -> memref<80x128xf32, #tpu.memory_space<hbm>>
        tpu.enqueue_dma source(%dma_start3A_576 : memref<80x128xf32, #tpu.memory_space<hbm>>) target(%arg12 : memref<80x128xf32, #tpu.memory_space<vmem>>) target_semaphore(%arg17 : memref<!tpu.dma_semaphore, #tpu.memory_space<semaphore_mem>>)
      } else {
      }
      %convert_element_type3A_269 = arith.extui %eq3A_265 : i1 to i32
      %cond3A_270 = arith.constant 0 : i32
      %cond3A_271 = arith.cmpi ne, %convert_element_type3A_269, %cond3A_270 : i32
      scf.if %cond3A_271 {
        %mul3A_555 = arith.constant 4 : i32
        %mul3A_556 = arith.muli %mul3A_555, %scan3A_108 : i32
        %add3A_557 = arith.constant 1 : i32
        %add3A_558 = arith.addi %add3A_557, %mul3A_556 : i32
        %add3A_559 = arith.constant 3 : i32
        %add3A_560 = arith.addi %add3A_558, %add3A_559 : i32
        %sub3A = arith.constant 1 : i32
        %sub3A_561 = arith.subi %add3A_560, %sub3A : i32
        %mul3A_562 = arith.constant 80 : i32
        %mul3A_563 = arith.muli %sub3A_561, %mul3A_562 : i32
        %add3A_564 = arith.addi %mul3A_2, %mul3A_563 : i32
        %multiple_of3A_565 = tpu.assume_multiple %add3A_564, 8 : i32
        %dma_start3A_566 = arith.constant 0 : i32
        %dma_start3A_567 = arith.constant 160 : i32
        %dma_start3A_568 = tpu.memref_slice %arg8[%dma_start3A_566, %dma_start3A_567] : memref<2x320xi32, #tpu.memory_space<vmem>> -> memref<1x80xi32, #tpu.memory_space<vmem>>
        %dma_start3A_569 = tpu.memref_squeeze %dma_start3A_568 : memref<1x80xi32, #tpu.memory_space<vmem>> -> memref<80xi32, #tpu.memory_space<vmem>>
        %dma_start3A_570 = arith.constant 0 : i32
        %dma_start3A_571 = arith.constant 0 : i32
        %dma_start3A_572 = tpu.memref_slice %arg3[%dma_start3A_570, %dma_start3A_571] : memref<10000x128xf32, #tpu.memory_space<hbm>> -> memref<10000x128xf32, #tpu.memory_space<hbm>>
        tpu.enqueue_indirect_dma source(%dma_start3A_572 : memref<10000x128xf32, #tpu.memory_space<hbm>>) target(%arg10 : memref<80x128xf32, #tpu.memory_space<vmem>>) offsets(%dma_start3A_569 : memref<80xi32, #tpu.memory_space<vmem>>) semaphore(%arg19 : memref<!tpu.dma_semaphore, #tpu.memory_space<semaphore_mem>>)
        %dma_start3A_573 = arith.constant 0 : i32
        %dma_start3A_574 = tpu.memref_slice %arg4[%multiple_of3A_565, %dma_start3A_573] : memref<320000x128xf32, #tpu.memory_space<hbm>> -> memref<80x128xf32, #tpu.memory_space<hbm>>
        %dma_start3A_575 = arith.constant 0 : i32
        %dma_start3A_576 = tpu.memref_slice %arg4[%multiple_of3A_565, %dma_start3A_575] : memref<320000x128xf32, #tpu.memory_space<hbm>> -> memref<80x128xf32, #tpu.memory_space<hbm>>
        tpu.enqueue_dma source(%dma_start3A_576 : memref<80x128xf32, #tpu.memory_space<hbm>>) target(%arg12 : memref<80x128xf32, #tpu.memory_space<vmem>>) target_semaphore(%arg17 : memref<!tpu.dma_semaphore, #tpu.memory_space<semaphore_mem>>)
      } else {
      }
      %dma_wait3A_272 = arith.constant 0 : i32
      %dma_wait3A_273 = arith.constant 0 : i32
      %dma_wait3A_274 = tpu.memref_slice %arg4[%dma_wait3A_272, %dma_wait3A_273] : memref<320000x128xf32, #tpu.memory_space<hbm>> -> memref<80x128xf32, #tpu.memory_space<hbm>>
      %dma_wait3A_275 = arith.constant 0 : i32
      %dma_wait3A_276 = arith.constant 0 : i32
      %dma_wait3A_277 = tpu.memref_slice %arg4[%dma_wait3A_275, %dma_wait3A_276] : memref<320000x128xf32, #tpu.memory_space<hbm>> -> memref<80x128xf32, #tpu.memory_space<hbm>>
      tpu.wait_dma2 semaphore(%arg16 : memref<!tpu.dma_semaphore, #tpu.memory_space<semaphore_mem>>) src(%dma_wait3A_277 : memref<80x128xf32, #tpu.memory_space<hbm>>) dst(%arg11 : memref<80x128xf32, #tpu.memory_space<vmem>>)
      %dma_wait3A_278 = arith.constant 0 : i32
      %dma_wait3A_279 = arith.constant 0 : i32
      %dma_wait3A_280 = tpu.memref_slice %arg6[%dma_wait3A_278, %dma_wait3A_279] : memref<2x80xi32, #tpu.memory_space<vmem>> -> memref<1x80xi32, #tpu.memory_space<vmem>>
      %dma_wait3A_281 = tpu.memref_squeeze %dma_wait3A_280 : memref<1x80xi32, #tpu.memory_space<vmem>> -> memref<80xi32, #tpu.memory_space<vmem>>
      %dma_wait3A_282 = arith.constant 0 : i32
      %dma_wait3A_283 = arith.constant 0 : i32
      %dma_wait3A_284 = tpu.memref_slice %arg3[%dma_wait3A_282, %dma_wait3A_283] : memref<10000x128xf32, #tpu.memory_space<hbm>> -> memref<10000x128xf32, #tpu.memory_space<hbm>>
      tpu.wait_indirect_dma semaphore(%arg18 : memref<!tpu.dma_semaphore, #tpu.memory_space<semaphore_mem>>) src(%dma_wait3A_284 : memref<10000x128xf32, #tpu.memory_space<hbm>>) dst(%arg9 : memref<80x128xf32, #tpu.memory_space<vmem>>)
      %parallel_loop3A_285 = arith.constant 0 : i32
      %parallel_loop3A_286 = arith.constant 80 : i32
      %parallel_loop3A_287 = arith.constant 1 : i32
      scf.for %parallel_loop3A_555 = %parallel_loop3A_285 to %parallel_loop3A_286 step %parallel_loop3A_287  : i32 {
        %parallel_loop3A_556 = arith.index_cast %parallel_loop3A_555 : i32 to index
        %parallel_loop3A_557 = arith.constant 0 : index
        %parallel_loop3A_558 = tpu.vector_load %arg11[%parallel_loop3A_556, %parallel_loop3A_557] {strides = array<i32>} : memref<80x128xf32, #tpu.memory_space<vmem>>, vector<1x16xf32>,
        %parallel_loop3A_559 = vector.shape_cast %parallel_loop3A_558 : vector<1x16xf32> to vector<16xf32>
        %parallel_loop3A_560 = arith.index_cast %parallel_loop3A_555 : i32 to index
        %parallel_loop3A_561 = arith.constant 0 : index
        %parallel_loop3A_562 = tpu.vector_load %arg9[%parallel_loop3A_560, %parallel_loop3A_561] {strides = array<i32>} : memref<80x128xf32, #tpu.memory_space<vmem>>, vector<1x16xf32>,
        %parallel_loop3A_563 = vector.shape_cast %parallel_loop3A_562 : vector<1x16xf32> to vector<16xf32>
        %parallel_loop3A_564 = arith.addf %parallel_loop3A_559, %parallel_loop3A_563 : vector<16xf32>
        %parallel_loop3A_565 = arith.constant 0.000000e+00 : f32
        %parallel_loop3A_566 = vector.broadcast %parallel_loop3A_565 : f32 to vector<16xf32>
        %parallel_loop3A_567 = arith.maximumf %parallel_loop3A_564, %parallel_loop3A_566 : vector<16xf32>
        %parallel_loop3A_568 = arith.index_cast %parallel_loop3A_555 : i32 to index
        %parallel_loop3A_569 = arith.constant 0 : index
        %parallel_loop3A_570 = tpu.vector_load %arg11[%parallel_loop3A_568, %parallel_loop3A_569] {strides = array<i32>} : memref<80x128xf32, #tpu.memory_space<vmem>>, vector<1x16xf32>,
        %parallel_loop3A_571 = vector.shape_cast %parallel_loop3A_570 : vector<1x16xf32> to vector<16xf32>
        %parallel_loop3A_572 = vector.shape_cast %parallel_loop3A_567 : vector<16xf32> to vector<1x16xf32>
        tpu.vector_store %arg11[%parallel_loop3A_568, %parallel_loop3A_569], %parallel_loop3A_572 {strides = array<i32>} : memref<80x128xf32, #tpu.memory_space<vmem>>, vector<1x16xf32>,
        %parallel_loop3A_573 = arith.index_cast %parallel_loop3A_555 : i32 to index
        %parallel_loop3A_574 = arith.constant 16 : index
        %parallel_loop3A_575 = tpu.vector_load %arg11[%parallel_loop3A_573, %parallel_loop3A_574] {strides = array<i32>} : memref<80x128xf32, #tpu.memory_space<vmem>>, vector<1x16xf32>,
        %parallel_loop3A_576 = vector.shape_cast %parallel_loop3A_575 : vector<1x16xf32> to vector<16xf32>
        %parallel_loop3A_577 = arith.index_cast %parallel_loop3A_555 : i32 to index
        %parallel_loop3A_578 = arith.constant 16 : index
        %parallel_loop3A_579 = tpu.vector_load %arg9[%parallel_loop3A_577, %parallel_loop3A_578] {strides = array<i32>} : memref<80x128xf32, #tpu.memory_space<vmem>>, vector<1x16xf32>,
        %parallel_loop3A_580 = vector.shape_cast %parallel_loop3A_579 : vector<1x16xf32> to vector<16xf32>
        %parallel_loop3A_581 = arith.addf %parallel_loop3A_576, %parallel_loop3A_580 : vector<16xf32>
        %parallel_loop3A_582 = arith.constant 0.000000e+00 : f32
        %parallel_loop3A_583 = vector.broadcast %parallel_loop3A_582 : f32 to vector<16xf32>
        %parallel_loop3A_584 = arith.maximumf %parallel_loop3A_581, %parallel_loop3A_583 : vector<16xf32>
        %parallel_loop3A_585 = arith.index_cast %parallel_loop3A_555 : i32 to index
        %parallel_loop3A_586 = arith.constant 16 : index
        %parallel_loop3A_587 = tpu.vector_load %arg11[%parallel_loop3A_585, %parallel_loop3A_586] {strides = array<i32>} : memref<80x128xf32, #tpu.memory_space<vmem>>, vector<1x16xf32>,
        %parallel_loop3A_588 = vector.shape_cast %parallel_loop3A_587 : vector<1x16xf32> to vector<16xf32>
        %parallel_loop3A_589 = vector.shape_cast %parallel_loop3A_584 : vector<16xf32> to vector<1x16xf32>
        tpu.vector_store %arg11[%parallel_loop3A_585, %parallel_loop3A_586], %parallel_loop3A_589 {strides = array<i32>} : memref<80x128xf32, #tpu.memory_space<vmem>>, vector<1x16xf32>,
        %parallel_loop3A_590 = arith.index_cast %parallel_loop3A_555 : i32 to index
        %parallel_loop3A_591 = arith.constant 32 : index
        %parallel_loop3A_592 = tpu.vector_load %arg11[%parallel_loop3A_590, %parallel_loop3A_591] {strides = array<i32>} : memref<80x128xf32, #tpu.memory_space<vmem>>, vector<1x16xf32>,
        %parallel_loop3A_593 = vector.shape_cast %parallel_loop3A_592 : vector<1x16xf32> to vector<16xf32>
        %parallel_loop3A_594 = arith.index_cast %parallel_loop3A_555 : i32 to index
        %parallel_loop3A_595 = arith.constant 32 : index
        %parallel_loop3A_596 = tpu.vector_load %arg9[%parallel_loop3A_594, %parallel_loop3A_595] {strides = array<i32>} : memref<80x128xf32, #tpu.memory_space<vmem>>, vector<1x16xf32>,
        %parallel_loop3A_597 = vector.shape_cast %parallel_loop3A_596 : vector<1x16xf32> to vector<16xf32>
        %parallel_loop3A_598 = arith.addf %parallel_loop3A_593, %parallel_loop3A_597 : vector<16xf32>
        %parallel_loop3A_599 = arith.constant 0.000000e+00 : f32
        %parallel_loop3A_600 = vector.broadcast %parallel_loop3A_599 : f32 to vector<16xf32>
        %parallel_loop3A_601 = arith.maximumf %parallel_loop3A_598, %parallel_loop3A_600 : vector<16xf32>
        %parallel_loop3A_602 = arith.index_cast %parallel_loop3A_555 : i32 to index
        %parallel_loop3A_603 = arith.constant 32 : index
        %parallel_loop3A_604 = tpu.vector_load %arg11[%parallel_loop3A_602, %parallel_loop3A_603] {strides = array<i32>} : memref<80x128xf32, #tpu.memory_space<vmem>>, vector<1x16xf32>,
        %parallel_loop3A_605 = vector.shape_cast %parallel_loop3A_604 : vector<1x16xf32> to vector<16xf32>
        %parallel_loop3A_606 = vector.shape_cast %parallel_loop3A_601 : vector<16xf32> to vector<1x16xf32>
        tpu.vector_store %arg11[%parallel_loop3A_602, %parallel_loop3A_603], %parallel_loop3A_606 {strides = array<i32>} : memref<80x128xf32, #tpu.memory_space<vmem>>, vector<1x16xf32>,
        %parallel_loop3A_607 = arith.index_cast %parallel_loop3A_555 : i32 to index
        %parallel_loop3A_608 = arith.constant 48 : index
        %parallel_loop3A_609 = tpu.vector_load %arg11[%parallel_loop3A_607, %parallel_loop3A_608] {strides = array<i32>} : memref<80x128xf32, #tpu.memory_space<vmem>>, vector<1x16xf32>,
        %parallel_loop3A_610 = vector.shape_cast %parallel_loop3A_609 : vector<1x16xf32> to vector<16xf32>
        %parallel_loop3A_611 = arith.index_cast %parallel_loop3A_555 : i32 to index
        %parallel_loop3A_612 = arith.constant 48 : index
        %parallel_loop3A_613 = tpu.vector_load %arg9[%parallel_loop3A_611, %parallel_loop3A_612] {strides = array<i32>} : memref<80x128xf32, #tpu.memory_space<vmem>>, vector<1x16xf32>,
        %parallel_loop3A_614 = vector.shape_cast %parallel_loop3A_613 : vector<1x16xf32> to vector<16xf32>
        %parallel_loop3A_615 = arith.addf %parallel_loop3A_610, %parallel_loop3A_614 : vector<16xf32>
        %parallel_loop3A_616 = arith.constant 0.000000e+00 : f32
        %parallel_loop3A_617 = vector.broadcast %parallel_loop3A_616 : f32 to vector<16xf32>
        %parallel_loop3A_618 = arith.maximumf %parallel_loop3A_615, %parallel_loop3A_617 : vector<16xf32>
        %parallel_loop3A_619 = arith.index_cast %parallel_loop3A_555 : i32 to index
        %parallel_loop3A_620 = arith.constant 48 : index
        %parallel_loop3A_621 = tpu.vector_load %arg11[%parallel_loop3A_619, %parallel_loop3A_620] {strides = array<i32>} : memref<80x128xf32, #tpu.memory_space<vmem>>, vector<1x16xf32>,
        %parallel_loop3A_622 = vector.shape_cast %parallel_loop3A_621 : vector<1x16xf32> to vector<16xf32>
        %parallel_loop3A_623 = vector.shape_cast %parallel_loop3A_618 : vector<16xf32> to vector<1x16xf32>
        tpu.vector_store %arg11[%parallel_loop3A_619, %parallel_loop3A_620], %parallel_loop3A_623 {strides = array<i32>} : memref<80x128xf32, #tpu.memory_space<vmem>>, vector<1x16xf32>,
        %parallel_loop3A_624 = arith.index_cast %parallel_loop3A_555 : i32 to index
        %parallel_loop3A_625 = arith.constant 64 : index
        %parallel_loop3A_626 = tpu.vector_load %arg11[%parallel_loop3A_624, %parallel_loop3A_625] {strides = array<i32>} : memref<80x128xf32, #tpu.memory_space<vmem>>, vector<1x16xf32>,
        %parallel_loop3A_627 = vector.shape_cast %parallel_loop3A_626 : vector<1x16xf32> to vector<16xf32>
        %parallel_loop3A_628 = arith.index_cast %parallel_loop3A_555 : i32 to index
        %parallel_loop3A_629 = arith.constant 64 : index
        %parallel_loop3A_630 = tpu.vector_load %arg9[%parallel_loop3A_628, %parallel_loop3A_629] {strides = array<i32>} : memref<80x128xf32, #tpu.memory_space<vmem>>, vector<1x16xf32>,
        %parallel_loop3A_631 = vector.shape_cast %parallel_loop3A_630 : vector<1x16xf32> to vector<16xf32>
        %parallel_loop3A_632 = arith.addf %parallel_loop3A_627, %parallel_loop3A_631 : vector<16xf32>
        %parallel_loop3A_633 = arith.constant 0.000000e+00 : f32
        %parallel_loop3A_634 = vector.broadcast %parallel_loop3A_633 : f32 to vector<16xf32>
        %parallel_loop3A_635 = arith.maximumf %parallel_loop3A_632, %parallel_loop3A_634 : vector<16xf32>
        %parallel_loop3A_636 = arith.index_cast %parallel_loop3A_555 : i32 to index
        %parallel_loop3A_637 = arith.constant 64 : index
        %parallel_loop3A_638 = tpu.vector_load %arg11[%parallel_loop3A_636, %parallel_loop3A_637] {strides = array<i32>} : memref<80x128xf32, #tpu.memory_space<vmem>>, vector<1x16xf32>,
        %parallel_loop3A_639 = vector.shape_cast %parallel_loop3A_638 : vector<1x16xf32> to vector<16xf32>
        %parallel_loop3A_640 = vector.shape_cast %parallel_loop3A_635 : vector<16xf32> to vector<1x16xf32>
        tpu.vector_store %arg11[%parallel_loop3A_636, %parallel_loop3A_637], %parallel_loop3A_640 {strides = array<i32>} : memref<80x128xf32, #tpu.memory_space<vmem>>, vector<1x16xf32>,
        %parallel_loop3A_641 = arith.index_cast %parallel_loop3A_555 : i32 to index
        %parallel_loop3A_642 = arith.constant 80 : index
        %parallel_loop3A_643 = tpu.vector_load %arg11[%parallel_loop3A_641, %parallel_loop3A_642] {strides = array<i32>} : memref<80x128xf32, #tpu.memory_space<vmem>>, vector<1x16xf32>,
        %parallel_loop3A_644 = vector.shape_cast %parallel_loop3A_643 : vector<1x16xf32> to vector<16xf32>
        %parallel_loop3A_645 = arith.index_cast %parallel_loop3A_555 : i32 to index
        %parallel_loop3A_646 = arith.constant 80 : index
        %parallel_loop3A_647 = tpu.vector_load %arg9[%parallel_loop3A_645, %parallel_loop3A_646] {strides = array<i32>} : memref<80x128xf32, #tpu.memory_space<vmem>>, vector<1x16xf32>,
        %parallel_loop3A_648 = vector.shape_cast %parallel_loop3A_647 : vector<1x16xf32> to vector<16xf32>
        %parallel_loop3A_649 = arith.addf %parallel_loop3A_644, %parallel_loop3A_648 : vector<16xf32>
        %parallel_loop3A_650 = arith.constant 0.000000e+00 : f32
        %parallel_loop3A_651 = vector.broadcast %parallel_loop3A_650 : f32 to vector<16xf32>
        %parallel_loop3A_652 = arith.maximumf %parallel_loop3A_649, %parallel_loop3A_651 : vector<16xf32>
        %parallel_loop3A_653 = arith.index_cast %parallel_loop3A_555 : i32 to index
        %parallel_loop3A_654 = arith.constant 80 : index
        %parallel_loop3A_655 = tpu.vector_load %arg11[%parallel_loop3A_653, %parallel_loop3A_654] {strides = array<i32>} : memref<80x128xf32, #tpu.memory_space<vmem>>, vector<1x16xf32>,
        %parallel_loop3A_656 = vector.shape_cast %parallel_loop3A_655 : vector<1x16xf32> to vector<16xf32>
        %parallel_loop3A_657 = vector.shape_cast %parallel_loop3A_652 : vector<16xf32> to vector<1x16xf32>
        tpu.vector_store %arg11[%parallel_loop3A_653, %parallel_loop3A_654], %parallel_loop3A_657 {strides = array<i32>} : memref<80x128xf32, #tpu.memory_space<vmem>>, vector<1x16xf32>,
        %parallel_loop3A_658 = arith.index_cast %parallel_loop3A_555 : i32 to index
        %parallel_loop3A_659 = arith.constant 96 : index
        %parallel_loop3A_660 = tpu.vector_load %arg11[%parallel_loop3A_658, %parallel_loop3A_659] {strides = array<i32>} : memref<80x128xf32, #tpu.memory_space<vmem>>, vector<1x16xf32>,
        %parallel_loop3A_661 = vector.shape_cast %parallel_loop3A_660 : vector<1x16xf32> to vector<16xf32>
        %parallel_loop3A_662 = arith.index_cast %parallel_loop3A_555 : i32 to index
        %parallel_loop3A_663 = arith.constant 96 : index
        %parallel_loop3A_664 = tpu.vector_load %arg9[%parallel_loop3A_662, %parallel_loop3A_663] {strides = array<i32>} : memref<80x128xf32, #tpu.memory_space<vmem>>, vector<1x16xf32>,
        %parallel_loop3A_665 = vector.shape_cast %parallel_loop3A_664 : vector<1x16xf32> to vector<16xf32>
        %parallel_loop3A_666 = arith.addf %parallel_loop3A_661, %parallel_loop3A_665 : vector<16xf32>
        %parallel_loop3A_667 = arith.constant 0.000000e+00 : f32
        %parallel_loop3A_668 = vector.broadcast %parallel_loop3A_667 : f32 to vector<16xf32>
        %parallel_loop3A_669 = arith.maximumf %parallel_loop3A_666, %parallel_loop3A_668 : vector<16xf32>
        %parallel_loop3A_670 = arith.index_cast %parallel_loop3A_555 : i32 to index
        %parallel_loop3A_671 = arith.constant 96 : index
        %parallel_loop3A_672 = tpu.vector_load %arg11[%parallel_loop3A_670, %parallel_loop3A_671] {strides = array<i32>} : memref<80x128xf32, #tpu.memory_space<vmem>>, vector<1x16xf32>,
        %parallel_loop3A_673 = vector.shape_cast %parallel_loop3A_672 : vector<1x16xf32> to vector<16xf32>
        %parallel_loop3A_674 = vector.shape_cast %parallel_loop3A_669 : vector<16xf32> to vector<1x16xf32>
        tpu.vector_store %arg11[%parallel_loop3A_670, %parallel_loop3A_671], %parallel_loop3A_674 {strides = array<i32>} : memref<80x128xf32, #tpu.memory_space<vmem>>, vector<1x16xf32>,
        %parallel_loop3A_675 = arith.index_cast %parallel_loop3A_555 : i32 to index
        %parallel_loop3A_676 = arith.constant 112 : index
        %parallel_loop3A_677 = tpu.vector_load %arg11[%parallel_loop3A_675, %parallel_loop3A_676] {strides = array<i32>} : memref<80x128xf32, #tpu.memory_space<vmem>>, vector<1x16xf32>,
        %parallel_loop3A_678 = vector.shape_cast %parallel_loop3A_677 : vector<1x16xf32> to vector<16xf32>
        %parallel_loop3A_679 = arith.index_cast %parallel_loop3A_555 : i32 to index
        %parallel_loop3A_680 = arith.constant 112 : index
        %parallel_loop3A_681 = tpu.vector_load %arg9[%parallel_loop3A_679, %parallel_loop3A_680] {strides = array<i32>} : memref<80x128xf32, #tpu.memory_space<vmem>>, vector<1x16xf32>,
        %parallel_loop3A_682 = vector.shape_cast %parallel_loop3A_681 : vector<1x16xf32> to vector<16xf32>
        %parallel_loop3A_683 = arith.addf %parallel_loop3A_678, %parallel_loop3A_682 : vector<16xf32>
        %parallel_loop3A_684 = arith.constant 0.000000e+00 : f32
        %parallel_loop3A_685 = vector.broadcast %parallel_loop3A_684 : f32 to vector<16xf32>
        %parallel_loop3A_686 = arith.maximumf %parallel_loop3A_683, %parallel_loop3A_685 : vector<16xf32>
        %parallel_loop3A_687 = arith.index_cast %parallel_loop3A_555 : i32 to index
        %parallel_loop3A_688 = arith.constant 112 : index
        %parallel_loop3A_689 = tpu.vector_load %arg11[%parallel_loop3A_687, %parallel_loop3A_688] {strides = array<i32>} : memref<80x128xf32, #tpu.memory_space<vmem>>, vector<1x16xf32>,
        %parallel_loop3A_690 = vector.shape_cast %parallel_loop3A_689 : vector<1x16xf32> to vector<16xf32>
        %parallel_loop3A_691 = vector.shape_cast %parallel_loop3A_686 : vector<16xf32> to vector<1x16xf32>
        tpu.vector_store %arg11[%parallel_loop3A_687, %parallel_loop3A_688], %parallel_loop3A_691 {strides = array<i32>} : memref<80x128xf32, #tpu.memory_space<vmem>>, vector<1x16xf32>,
      } {sc.loop_unroll_factor = 4 : i64, sc.parallel_access}
      %jit3A_288 = arith.constant 2 : i32
      %eq3A_289 = arith.constant 0 : i32
      %eq3A_290 = arith.cmpi eq, %jit3A_288, %eq3A_289 : i32
      %jit3A_291 = arith.constant 1 : i32
      %select_n3A_292 = arith.select %eq3A_290, %jit3A_291, %jit3A_288 : i32
      %rem3A_293 = arith.remsi %scan3A_108, %select_n3A_292 : i32
      %ne3A_294 = arith.constant 0 : i32
      %ne3A_295 = arith.cmpi ne, %rem3A_293, %ne3A_294 : i32
      %lt3A_296 = arith.constant 0 : i32
      %lt3A_297 = arith.cmpi slt, %rem3A_293, %lt3A_296 : i32
      %lt3A_298 = arith.constant 0 : i32
      %lt3A_299 = arith.cmpi slt, %select_n3A_292, %lt3A_298 : i32
      %ne3A_300 = arith.xori %lt3A_297, %lt3A_299 : i1
      %and3A_301 = arith.andi %ne3A_300, %ne3A_295 : i1
      %add3A_302 = arith.addi %rem3A_293, %select_n3A_292 : i32
      %select_n3A_303 = arith.select %and3A_301, %add3A_302, %rem3A_293 : i32
      %eq3A_304 = arith.constant 0 : i32
      %eq3A_305 = arith.cmpi eq, %select_n3A_303, %eq3A_304 : i32
      %convert_element_type3A_306 = arith.extui %eq3A_305 : i1 to i32
      %cond3A_307 = arith.constant 0 : i32
      %cond3A_308 = arith.cmpi ne, %convert_element_type3A_306, %cond3A_307 : i32
      scf.if %cond3A_308 {
        %dma_start3A_555 = arith.constant 1 : i32
        %dma_start3A_556 = arith.constant 80 : i32
        %dma_start3A_557 = tpu.memref_slice %arg7[%dma_start3A_555, %dma_start3A_556] : memref<2x320xi32, #tpu.memory_space<vmem>> -> memref<1x80xi32, #tpu.memory_space<vmem>>
        %dma_start3A_558 = tpu.memref_squeeze %dma_start3A_557 : memref<1x80xi32, #tpu.memory_space<vmem>> -> memref<80xi32, #tpu.memory_space<vmem>>
        %dma_start3A_559 = arith.constant 0 : i32
        %dma_start3A_560 = arith.constant 0 : i32
        %dma_start3A_561 = tpu.memref_slice %arg22[%dma_start3A_559, %dma_start3A_560] : memref<10112x128xf32, #tpu.memory_space<vmem_shared>> -> memref<10112x128xf32, #tpu.memory_space<vmem_shared>>
        tpu.enqueue_indirect_dma source(%arg11 : memref<80x128xf32, #tpu.memory_space<vmem>>) target(%dma_start3A_561 : memref<10112x128xf32, #tpu.memory_space<vmem_shared>>) offsets(%dma_start3A_558 : memref<80xi32, #tpu.memory_space<vmem>>) semaphore(%arg20 : memref<!tpu.dma_semaphore, #tpu.memory_space<semaphore_mem>>) {add = true}
      } else {
      }
      %jit3A_309 = arith.constant 2 : i32
      %eq3A_310 = arith.constant 0 : i32
      %eq3A_311 = arith.cmpi eq, %jit3A_309, %eq3A_310 : i32
      %jit3A_312 = arith.constant 1 : i32
      %select_n3A_313 = arith.select %eq3A_311, %jit3A_312, %jit3A_309 : i32
      %rem3A_314 = arith.remsi %scan3A_108, %select_n3A_313 : i32
      %ne3A_315 = arith.constant 0 : i32
      %ne3A_316 = arith.cmpi ne, %rem3A_314, %ne3A_315 : i32
      %lt3A_317 = arith.constant 0 : i32
      %lt3A_318 = arith.cmpi slt, %rem3A_314, %lt3A_317 : i32
      %lt3A_319 = arith.constant 0 : i32
      %lt3A_320 = arith.cmpi slt, %select_n3A_313, %lt3A_319 : i32
      %ne3A_321 = arith.xori %lt3A_318, %lt3A_320 : i1
      %and3A_322 = arith.andi %ne3A_321, %ne3A_316 : i1
      %add3A_323 = arith.addi %rem3A_314, %select_n3A_313 : i32
      %select_n3A_324 = arith.select %and3A_322, %add3A_323, %rem3A_314 : i32
      %eq3A_325 = arith.constant 1 : i32
      %eq3A_326 = arith.cmpi eq, %select_n3A_324, %eq3A_325 : i32
      %convert_element_type3A_327 = arith.extui %eq3A_326 : i1 to i32
      %cond3A_328 = arith.constant 0 : i32
      %cond3A_329 = arith.cmpi ne, %convert_element_type3A_327, %cond3A_328 : i32
      scf.if %cond3A_329 {
        %dma_start3A_555 = arith.constant 1 : i32
        %dma_start3A_556 = arith.constant 80 : i32
        %dma_start3A_557 = tpu.memref_slice %arg8[%dma_start3A_555, %dma_start3A_556] : memref<2x320xi32, #tpu.memory_space<vmem>> -> memref<1x80xi32, #tpu.memory_space<vmem>>
        %dma_start3A_558 = tpu.memref_squeeze %dma_start3A_557 : memref<1x80xi32, #tpu.memory_space<vmem>> -> memref<80xi32, #tpu.memory_space<vmem>>
        %dma_start3A_559 = arith.constant 0 : i32
        %dma_start3A_560 = arith.constant 0 : i32
        %dma_start3A_561 = tpu.memref_slice %arg22[%dma_start3A_559, %dma_start3A_560] : memref<10112x128xf32, #tpu.memory_space<vmem_shared>> -> memref<10112x128xf32, #tpu.memory_space<vmem_shared>>
        tpu.enqueue_indirect_dma source(%arg11 : memref<80x128xf32, #tpu.memory_space<vmem>>) target(%dma_start3A_561 : memref<10112x128xf32, #tpu.memory_space<vmem_shared>>) offsets(%dma_start3A_558 : memref<80xi32, #tpu.memory_space<vmem>>) semaphore(%arg20 : memref<!tpu.dma_semaphore, #tpu.memory_space<semaphore_mem>>) {add = true}
      } else {
      }
      %lt3A_330 = arith.constant 30 : i32
      %lt3A_331 = arith.cmpi slt, %scan3A_108, %lt3A_330 : i32
      %convert_element_type3A_332 = arith.extui %lt3A_331 : i1 to i32
      %cond3A_333 = arith.constant 0 : i32
      %cond3A_334 = arith.cmpi ne, %convert_element_type3A_332, %cond3A_333 : i32
      scf.if %cond3A_334 {
        %jit3A_555 = arith.constant 2 : i32
        %eq3A_556 = arith.constant 0 : i32
        %eq3A_557 = arith.cmpi eq, %jit3A_555, %eq3A_556 : i32
        %jit3A_558 = arith.constant 1 : i32
        %select_n3A_559 = arith.select %eq3A_557, %jit3A_558, %jit3A_555 : i32
        %rem3A_560 = arith.remsi %scan3A_108, %select_n3A_559 : i32
        %ne3A_561 = arith.constant 0 : i32
        %ne3A_562 = arith.cmpi ne, %rem3A_560, %ne3A_561 : i32
        %lt3A_563 = arith.constant 0 : i32
        %lt3A_564 = arith.cmpi slt, %rem3A_560, %lt3A_563 : i32
        %lt3A_565 = arith.constant 0 : i32
        %lt3A_566 = arith.cmpi slt, %select_n3A_559, %lt3A_565 : i32
        %ne3A_567 = arith.xori %lt3A_564, %lt3A_566 : i1
        %and3A_568 = arith.andi %ne3A_567, %ne3A_562 : i1
        %add3A_569 = arith.addi %rem3A_560, %select_n3A_559 : i32
        %select_n3A_570 = arith.select %and3A_568, %add3A_569, %rem3A_560 : i32
        %eq3A_571 = arith.constant 0 : i32
        %eq3A_572 = arith.cmpi eq, %select_n3A_570, %eq3A_571 : i32
        %convert_element_type3A_573 = arith.extui %eq3A_572 : i1 to i32
        %cond3A_574 = arith.constant 0 : i32
        %cond3A_575 = arith.cmpi ne, %convert_element_type3A_573, %cond3A_574 : i32
        scf.if %cond3A_575 {
          %add3A_597 = arith.constant 1 : i32
          %add3A_598 = arith.addi %scan3A_108, %add3A_597 : i32
          %mul3A_599 = arith.constant 4 : i32
          %mul3A_600 = arith.muli %mul3A_599, %add3A_598 : i32
          %add3A_601 = arith.constant 1 : i32
          %add3A_602 = arith.addi %add3A_601, %mul3A_600 : i32
          %mul3A_603 = arith.constant 80 : i32
          %mul3A_604 = arith.muli %add3A_602, %mul3A_603 : i32
          %add3A_605 = arith.addi %mul3A_2, %mul3A_604 : i32
          %multiple_of3A_606 = tpu.assume_multiple %add3A_605, 8 : i32
          %dma_start3A_607 = arith.constant 0 : i32
          %dma_start3A_608 = tpu.memref_slice %arg2[%dma_start3A_607, %multiple_of3A_606] : memref<2x320000xi32, #tpu.memory_space<hbm>> -> memref<2x320xi32, #tpu.memory_space<hbm>>
          %dma_start3A_609 = arith.constant 0 : i32
          %dma_start3A_610 = tpu.memref_slice %arg2[%dma_start3A_609, %multiple_of3A_606] : memref<2x320000xi32, #tpu.memory_space<hbm>> -> memref<2x320xi32, #tpu.memory_space<hbm>>
          tpu.enqueue_dma source(%dma_start3A_610 : memref<2x320xi32, #tpu.memory_space<hbm>>) target(%arg8 : memref<2x320xi32, #tpu.memory_space<vmem>>) target_semaphore(%arg15 : memref<!tpu.dma_semaphore, #tpu.memory_space<semaphore_mem>>)
        } else {
        }
        %jit3A_576 = arith.constant 2 : i32
        %eq3A_577 = arith.constant 0 : i32
        %eq3A_578 = arith.cmpi eq, %jit3A_576, %eq3A_577 : i32
        %jit3A_579 = arith.constant 1 : i32
        %select_n3A_580 = arith.select %eq3A_578, %jit3A_579, %jit3A_576 : i32
        %rem3A_581 = arith.remsi %scan3A_108, %select_n3A_580 : i32
        %ne3A_582 = arith.constant 0 : i32
        %ne3A_583 = arith.cmpi ne, %rem3A_581, %ne3A_582 : i32
        %lt3A_584 = arith.constant 0 : i32
        %lt3A_585 = arith.cmpi slt, %rem3A_581, %lt3A_584 : i32
        %lt3A_586 = arith.constant 0 : i32
        %lt3A_587 = arith.cmpi slt, %select_n3A_580, %lt3A_586 : i32
        %ne3A_588 = arith.xori %lt3A_585, %lt3A_587 : i1
        %and3A_589 = arith.andi %ne3A_588, %ne3A_583 : i1
        %add3A_590 = arith.addi %rem3A_581, %select_n3A_580 : i32
        %select_n3A_591 = arith.select %and3A_589, %add3A_590, %rem3A_581 : i32
        %eq3A_592 = arith.constant 1 : i32
        %eq3A_593 = arith.cmpi eq, %select_n3A_591, %eq3A_592 : i32
        %convert_element_type3A_594 = arith.extui %eq3A_593 : i1 to i32
        %cond3A_595 = arith.constant 0 : i32
        %cond3A_596 = arith.cmpi ne, %convert_element_type3A_594, %cond3A_595 : i32
        scf.if %cond3A_596 {
          %add3A_597 = arith.constant 1 : i32
          %add3A_598 = arith.addi %scan3A_108, %add3A_597 : i32
          %mul3A_599 = arith.constant 4 : i32
          %mul3A_600 = arith.muli %mul3A_599, %add3A_598 : i32
          %add3A_601 = arith.constant 1 : i32
          %add3A_602 = arith.addi %add3A_601, %mul3A_600 : i32
          %mul3A_603 = arith.constant 80 : i32
          %mul3A_604 = arith.muli %add3A_602, %mul3A_603 : i32
          %add3A_605 = arith.addi %mul3A_2, %mul3A_604 : i32
          %multiple_of3A_606 = tpu.assume_multiple %add3A_605, 8 : i32
          %dma_start3A_607 = arith.constant 0 : i32
          %dma_start3A_608 = tpu.memref_slice %arg2[%dma_start3A_607, %multiple_of3A_606] : memref<2x320000xi32, #tpu.memory_space<hbm>> -> memref<2x320xi32, #tpu.memory_space<hbm>>
          %dma_start3A_609 = arith.constant 0 : i32
          %dma_start3A_610 = tpu.memref_slice %arg2[%dma_start3A_609, %multiple_of3A_606] : memref<2x320000xi32, #tpu.memory_space<hbm>> -> memref<2x320xi32, #tpu.memory_space<hbm>>
          tpu.enqueue_dma source(%dma_start3A_610 : memref<2x320xi32, #tpu.memory_space<hbm>>) target(%arg7 : memref<2x320xi32, #tpu.memory_space<vmem>>) target_semaphore(%arg14 : memref<!tpu.dma_semaphore, #tpu.memory_space<semaphore_mem>>)
        } else {
        }
      } else {
      }
      %dma_wait3A_335 = arith.constant 1 : i32
      %dma_wait3A_336 = arith.constant 0 : i32
      %dma_wait3A_337 = tpu.memref_slice %arg6[%dma_wait3A_335, %dma_wait3A_336] : memref<2x80xi32, #tpu.memory_space<vmem>> -> memref<1x80xi32, #tpu.memory_space<vmem>>
      %dma_wait3A_338 = tpu.memref_squeeze %dma_wait3A_337 : memref<1x80xi32, #tpu.memory_space<vmem>> -> memref<80xi32, #tpu.memory_space<vmem>>
      %dma_wait3A_339 = arith.constant 0 : i32
      %dma_wait3A_340 = arith.constant 0 : i32
      %dma_wait3A_341 = tpu.memref_slice %arg22[%dma_wait3A_339, %dma_wait3A_340] : memref<10112x128xf32, #tpu.memory_space<vmem_shared>> -> memref<10112x128xf32, #tpu.memory_space<vmem_shared>>
      tpu.wait_indirect_dma semaphore(%arg20 : memref<!tpu.dma_semaphore, #tpu.memory_space<semaphore_mem>>) src(%arg11 : memref<80x128xf32, #tpu.memory_space<vmem>>) dst(%dma_wait3A_341 : memref<10112x128xf32, #tpu.memory_space<vmem_shared>>)
      %jit3A_342 = arith.constant 2 : i32
      %eq3A_343 = arith.constant 0 : i32
      %eq3A_344 = arith.cmpi eq, %jit3A_342, %eq3A_343 : i32
      %jit3A_345 = arith.constant 1 : i32
      %select_n3A_346 = arith.select %eq3A_344, %jit3A_345, %jit3A_342 : i32
      %rem3A_347 = arith.remsi %scan3A_108, %select_n3A_346 : i32
      %ne3A_348 = arith.constant 0 : i32
      %ne3A_349 = arith.cmpi ne, %rem3A_347, %ne3A_348 : i32
      %lt3A_350 = arith.constant 0 : i32
      %lt3A_351 = arith.cmpi slt, %rem3A_347, %lt3A_350 : i32
      %lt3A_352 = arith.constant 0 : i32
      %lt3A_353 = arith.cmpi slt, %select_n3A_346, %lt3A_352 : i32
      %ne3A_354 = arith.xori %lt3A_351, %lt3A_353 : i1
      %and3A_355 = arith.andi %ne3A_354, %ne3A_349 : i1
      %add3A_356 = arith.addi %rem3A_347, %select_n3A_346 : i32
      %select_n3A_357 = arith.select %and3A_355, %add3A_356, %rem3A_347 : i32
      %eq3A_358 = arith.constant 0 : i32
      %eq3A_359 = arith.cmpi eq, %select_n3A_357, %eq3A_358 : i32
      %jit3A_360 = arith.constant 2 : i32
      %eq3A_361 = arith.constant 0 : i32
      %eq3A_362 = arith.cmpi eq, %jit3A_360, %eq3A_361 : i32
      %jit3A_363 = arith.constant 1 : i32
      %select_n3A_364 = arith.select %eq3A_362, %jit3A_363, %jit3A_360 : i32
      %rem3A_365 = arith.remsi %scan3A_108, %select_n3A_364 : i32
      %ne3A_366 = arith.constant 0 : i32
      %ne3A_367 = arith.cmpi ne, %rem3A_365, %ne3A_366 : i32
      %lt3A_368 = arith.constant 0 : i32
      %lt3A_369 = arith.cmpi slt, %rem3A_365, %lt3A_368 : i32
      %lt3A_370 = arith.constant 0 : i32
      %lt3A_371 = arith.cmpi slt, %select_n3A_364, %lt3A_370 : i32
      %ne3A_372 = arith.xori %lt3A_369, %lt3A_371 : i1
      %and3A_373 = arith.andi %ne3A_372, %ne3A_367 : i1
      %add3A_374 = arith.addi %rem3A_365, %select_n3A_364 : i32
      %select_n3A_375 = arith.select %and3A_373, %add3A_374, %rem3A_365 : i32
      %eq3A_376 = arith.constant 1 : i32
      %eq3A_377 = arith.cmpi eq, %select_n3A_375, %eq3A_376 : i32
      %convert_element_type3A_378 = arith.extui %eq3A_359 : i1 to i32
      %cond3A_379 = arith.constant 0 : i32
      %cond3A_380 = arith.cmpi ne, %convert_element_type3A_378, %cond3A_379 : i32
      scf.if %cond3A_380 {
        %mul3A_555 = arith.constant 4 : i32
        %mul3A_556 = arith.muli %mul3A_555, %scan3A_108 : i32
        %add3A_557 = arith.constant 1 : i32
        %add3A_558 = arith.addi %add3A_557, %mul3A_556 : i32
        %add3A_559 = arith.constant 4 : i32
        %add3A_560 = arith.addi %add3A_558, %add3A_559 : i32
        %sub3A = arith.constant 1 : i32
        %sub3A_561 = arith.subi %add3A_560, %sub3A : i32
        %mul3A_562 = arith.constant 80 : i32
        %mul3A_563 = arith.muli %sub3A_561, %mul3A_562 : i32
        %add3A_564 = arith.addi %mul3A_2, %mul3A_563 : i32
        %multiple_of3A_565 = tpu.assume_multiple %add3A_564, 8 : i32
        %dma_start3A_566 = arith.constant 0 : i32
        %dma_start3A_567 = arith.constant 240 : i32
        %dma_start3A_568 = tpu.memref_slice %arg7[%dma_start3A_566, %dma_start3A_567] : memref<2x320xi32, #tpu.memory_space<vmem>> -> memref<1x80xi32, #tpu.memory_space<vmem>>
        %dma_start3A_569 = tpu.memref_squeeze %dma_start3A_568 : memref<1x80xi32, #tpu.memory_space<vmem>> -> memref<80xi32, #tpu.memory_space<vmem>>
        %dma_start3A_570 = arith.constant 0 : i32
        %dma_start3A_571 = arith.constant 0 : i32
        %dma_start3A_572 = tpu.memref_slice %arg3[%dma_start3A_570, %dma_start3A_571] : memref<10000x128xf32, #tpu.memory_space<hbm>> -> memref<10000x128xf32, #tpu.memory_space<hbm>>
        tpu.enqueue_indirect_dma source(%dma_start3A_572 : memref<10000x128xf32, #tpu.memory_space<hbm>>) target(%arg9 : memref<80x128xf32, #tpu.memory_space<vmem>>) offsets(%dma_start3A_569 : memref<80xi32, #tpu.memory_space<vmem>>) semaphore(%arg18 : memref<!tpu.dma_semaphore, #tpu.memory_space<semaphore_mem>>)
        %dma_start3A_573 = arith.constant 0 : i32
        %dma_start3A_574 = tpu.memref_slice %arg4[%multiple_of3A_565, %dma_start3A_573] : memref<320000x128xf32, #tpu.memory_space<hbm>> -> memref<80x128xf32, #tpu.memory_space<hbm>>
        %dma_start3A_575 = arith.constant 0 : i32
        %dma_start3A_576 = tpu.memref_slice %arg4[%multiple_of3A_565, %dma_start3A_575] : memref<320000x128xf32, #tpu.memory_space<hbm>> -> memref<80x128xf32, #tpu.memory_space<hbm>>
        tpu.enqueue_dma source(%dma_start3A_576 : memref<80x128xf32, #tpu.memory_space<hbm>>) target(%arg11 : memref<80x128xf32, #tpu.memory_space<vmem>>) target_semaphore(%arg16 : memref<!tpu.dma_semaphore, #tpu.memory_space<semaphore_mem>>)
      } else {
      }
      %convert_element_type3A_381 = arith.extui %eq3A_377 : i1 to i32
      %cond3A_382 = arith.constant 0 : i32
      %cond3A_383 = arith.cmpi ne, %convert_element_type3A_381, %cond3A_382 : i32
      scf.if %cond3A_383 {
        %mul3A_555 = arith.constant 4 : i32
        %mul3A_556 = arith.muli %mul3A_555, %scan3A_108 : i32
        %add3A_557 = arith.constant 1 : i32
        %add3A_558 = arith.addi %add3A_557, %mul3A_556 : i32
        %add3A_559 = arith.constant 4 : i32
        %add3A_560 = arith.addi %add3A_558, %add3A_559 : i32
        %sub3A = arith.constant 1 : i32
        %sub3A_561 = arith.subi %add3A_560, %sub3A : i32
        %mul3A_562 = arith.constant 80 : i32
        %mul3A_563 = arith.muli %sub3A_561, %mul3A_562 : i32
        %add3A_564 = arith.addi %mul3A_2, %mul3A_563 : i32
        %multiple_of3A_565 = tpu.assume_multiple %add3A_564, 8 : i32
        %dma_start3A_566 = arith.constant 0 : i32
        %dma_start3A_567 = arith.constant 240 : i32
        %dma_start3A_568 = tpu.memref_slice %arg8[%dma_start3A_566, %dma_start3A_567] : memref<2x320xi32, #tpu.memory_space<vmem>> -> memref<1x80xi32, #tpu.memory_space<vmem>>
        %dma_start3A_569 = tpu.memref_squeeze %dma_start3A_568 : memref<1x80xi32, #tpu.memory_space<vmem>> -> memref<80xi32, #tpu.memory_space<vmem>>
        %dma_start3A_570 = arith.constant 0 : i32
        %dma_start3A_571 = arith.constant 0 : i32
        %dma_start3A_572 = tpu.memref_slice %arg3[%dma_start3A_570, %dma_start3A_571] : memref<10000x128xf32, #tpu.memory_space<hbm>> -> memref<10000x128xf32, #tpu.memory_space<hbm>>
        tpu.enqueue_indirect_dma source(%dma_start3A_572 : memref<10000x128xf32, #tpu.memory_space<hbm>>) target(%arg9 : memref<80x128xf32, #tpu.memory_space<vmem>>) offsets(%dma_start3A_569 : memref<80xi32, #tpu.memory_space<vmem>>) semaphore(%arg18 : memref<!tpu.dma_semaphore, #tpu.memory_space<semaphore_mem>>)
        %dma_start3A_573 = arith.constant 0 : i32
        %dma_start3A_574 = tpu.memref_slice %arg4[%multiple_of3A_565, %dma_start3A_573] : memref<320000x128xf32, #tpu.memory_space<hbm>> -> memref<80x128xf32, #tpu.memory_space<hbm>>
        %dma_start3A_575 = arith.constant 0 : i32
        %dma_start3A_576 = tpu.memref_slice %arg4[%multiple_of3A_565, %dma_start3A_575] : memref<320000x128xf32, #tpu.memory_space<hbm>> -> memref<80x128xf32, #tpu.memory_space<hbm>>
        tpu.enqueue_dma source(%dma_start3A_576 : memref<80x128xf32, #tpu.memory_space<hbm>>) target(%arg11 : memref<80x128xf32, #tpu.memory_space<vmem>>) target_semaphore(%arg16 : memref<!tpu.dma_semaphore, #tpu.memory_space<semaphore_mem>>)
      } else {
      }
      %dma_wait3A_384 = arith.constant 0 : i32
      %dma_wait3A_385 = arith.constant 0 : i32
      %dma_wait3A_386 = tpu.memref_slice %arg4[%dma_wait3A_384, %dma_wait3A_385] : memref<320000x128xf32, #tpu.memory_space<hbm>> -> memref<80x128xf32, #tpu.memory_space<hbm>>
      %dma_wait3A_387 = arith.constant 0 : i32
      %dma_wait3A_388 = arith.constant 0 : i32
      %dma_wait3A_389 = tpu.memref_slice %arg4[%dma_wait3A_387, %dma_wait3A_388] : memref<320000x128xf32, #tpu.memory_space<hbm>> -> memref<80x128xf32, #tpu.memory_space<hbm>>
      tpu.wait_dma2 semaphore(%arg17 : memref<!tpu.dma_semaphore, #tpu.memory_space<semaphore_mem>>) src(%dma_wait3A_389 : memref<80x128xf32, #tpu.memory_space<hbm>>) dst(%arg12 : memref<80x128xf32, #tpu.memory_space<vmem>>)
      %dma_wait3A_390 = arith.constant 0 : i32
      %dma_wait3A_391 = arith.constant 0 : i32
      %dma_wait3A_392 = tpu.memref_slice %arg6[%dma_wait3A_390, %dma_wait3A_391] : memref<2x80xi32, #tpu.memory_space<vmem>> -> memref<1x80xi32, #tpu.memory_space<vmem>>
      %dma_wait3A_393 = tpu.memref_squeeze %dma_wait3A_392 : memref<1x80xi32, #tpu.memory_space<vmem>> -> memref<80xi32, #tpu.memory_space<vmem>>
      %dma_wait3A_394 = arith.constant 0 : i32
      %dma_wait3A_395 = arith.constant 0 : i32
      %dma_wait3A_396 = tpu.memref_slice %arg3[%dma_wait3A_394, %dma_wait3A_395] : memref<10000x128xf32, #tpu.memory_space<hbm>> -> memref<10000x128xf32, #tpu.memory_space<hbm>>
      tpu.wait_indirect_dma semaphore(%arg19 : memref<!tpu.dma_semaphore, #tpu.memory_space<semaphore_mem>>) src(%dma_wait3A_396 : memref<10000x128xf32, #tpu.memory_space<hbm>>) dst(%arg10 : memref<80x128xf32, #tpu.memory_space<vmem>>)
      %parallel_loop3A_397 = arith.constant 0 : i32
      %parallel_loop3A_398 = arith.constant 80 : i32
      %parallel_loop3A_399 = arith.constant 1 : i32
      scf.for %parallel_loop3A_555 = %parallel_loop3A_397 to %parallel_loop3A_398 step %parallel_loop3A_399  : i32 {
        %parallel_loop3A_556 = arith.index_cast %parallel_loop3A_555 : i32 to index
        %parallel_loop3A_557 = arith.constant 0 : index
        %parallel_loop3A_558 = tpu.vector_load %arg12[%parallel_loop3A_556, %parallel_loop3A_557] {strides = array<i32>} : memref<80x128xf32, #tpu.memory_space<vmem>>, vector<1x16xf32>,
        %parallel_loop3A_559 = vector.shape_cast %parallel_loop3A_558 : vector<1x16xf32> to vector<16xf32>
        %parallel_loop3A_560 = arith.index_cast %parallel_loop3A_555 : i32 to index
        %parallel_loop3A_561 = arith.constant 0 : index
        %parallel_loop3A_562 = tpu.vector_load %arg10[%parallel_loop3A_560, %parallel_loop3A_561] {strides = array<i32>} : memref<80x128xf32, #tpu.memory_space<vmem>>, vector<1x16xf32>,
        %parallel_loop3A_563 = vector.shape_cast %parallel_loop3A_562 : vector<1x16xf32> to vector<16xf32>
        %parallel_loop3A_564 = arith.addf %parallel_loop3A_559, %parallel_loop3A_563 : vector<16xf32>
        %parallel_loop3A_565 = arith.constant 0.000000e+00 : f32
        %parallel_loop3A_566 = vector.broadcast %parallel_loop3A_565 : f32 to vector<16xf32>
        %parallel_loop3A_567 = arith.maximumf %parallel_loop3A_564, %parallel_loop3A_566 : vector<16xf32>
        %parallel_loop3A_568 = arith.index_cast %parallel_loop3A_555 : i32 to index
        %parallel_loop3A_569 = arith.constant 0 : index
        %parallel_loop3A_570 = tpu.vector_load %arg12[%parallel_loop3A_568, %parallel_loop3A_569] {strides = array<i32>} : memref<80x128xf32, #tpu.memory_space<vmem>>, vector<1x16xf32>,
        %parallel_loop3A_571 = vector.shape_cast %parallel_loop3A_570 : vector<1x16xf32> to vector<16xf32>
        %parallel_loop3A_572 = vector.shape_cast %parallel_loop3A_567 : vector<16xf32> to vector<1x16xf32>
        tpu.vector_store %arg12[%parallel_loop3A_568, %parallel_loop3A_569], %parallel_loop3A_572 {strides = array<i32>} : memref<80x128xf32, #tpu.memory_space<vmem>>, vector<1x16xf32>,
        %parallel_loop3A_573 = arith.index_cast %parallel_loop3A_555 : i32 to index
        %parallel_loop3A_574 = arith.constant 16 : index
        %parallel_loop3A_575 = tpu.vector_load %arg12[%parallel_loop3A_573, %parallel_loop3A_574] {strides = array<i32>} : memref<80x128xf32, #tpu.memory_space<vmem>>, vector<1x16xf32>,
        %parallel_loop3A_576 = vector.shape_cast %parallel_loop3A_575 : vector<1x16xf32> to vector<16xf32>
        %parallel_loop3A_577 = arith.index_cast %parallel_loop3A_555 : i32 to index
        %parallel_loop3A_578 = arith.constant 16 : index
        %parallel_loop3A_579 = tpu.vector_load %arg10[%parallel_loop3A_577, %parallel_loop3A_578] {strides = array<i32>} : memref<80x128xf32, #tpu.memory_space<vmem>>, vector<1x16xf32>,
        %parallel_loop3A_580 = vector.shape_cast %parallel_loop3A_579 : vector<1x16xf32> to vector<16xf32>
        %parallel_loop3A_581 = arith.addf %parallel_loop3A_576, %parallel_loop3A_580 : vector<16xf32>
        %parallel_loop3A_582 = arith.constant 0.000000e+00 : f32
        %parallel_loop3A_583 = vector.broadcast %parallel_loop3A_582 : f32 to vector<16xf32>
        %parallel_loop3A_584 = arith.maximumf %parallel_loop3A_581, %parallel_loop3A_583 : vector<16xf32>
        %parallel_loop3A_585 = arith.index_cast %parallel_loop3A_555 : i32 to index
        %parallel_loop3A_586 = arith.constant 16 : index
        %parallel_loop3A_587 = tpu.vector_load %arg12[%parallel_loop3A_585, %parallel_loop3A_586] {strides = array<i32>} : memref<80x128xf32, #tpu.memory_space<vmem>>, vector<1x16xf32>,
        %parallel_loop3A_588 = vector.shape_cast %parallel_loop3A_587 : vector<1x16xf32> to vector<16xf32>
        %parallel_loop3A_589 = vector.shape_cast %parallel_loop3A_584 : vector<16xf32> to vector<1x16xf32>
        tpu.vector_store %arg12[%parallel_loop3A_585, %parallel_loop3A_586], %parallel_loop3A_589 {strides = array<i32>} : memref<80x128xf32, #tpu.memory_space<vmem>>, vector<1x16xf32>,
        %parallel_loop3A_590 = arith.index_cast %parallel_loop3A_555 : i32 to index
        %parallel_loop3A_591 = arith.constant 32 : index
        %parallel_loop3A_592 = tpu.vector_load %arg12[%parallel_loop3A_590, %parallel_loop3A_591] {strides = array<i32>} : memref<80x128xf32, #tpu.memory_space<vmem>>, vector<1x16xf32>,
        %parallel_loop3A_593 = vector.shape_cast %parallel_loop3A_592 : vector<1x16xf32> to vector<16xf32>
        %parallel_loop3A_594 = arith.index_cast %parallel_loop3A_555 : i32 to index
        %parallel_loop3A_595 = arith.constant 32 : index
        %parallel_loop3A_596 = tpu.vector_load %arg10[%parallel_loop3A_594, %parallel_loop3A_595] {strides = array<i32>} : memref<80x128xf32, #tpu.memory_space<vmem>>, vector<1x16xf32>,
        %parallel_loop3A_597 = vector.shape_cast %parallel_loop3A_596 : vector<1x16xf32> to vector<16xf32>
        %parallel_loop3A_598 = arith.addf %parallel_loop3A_593, %parallel_loop3A_597 : vector<16xf32>
        %parallel_loop3A_599 = arith.constant 0.000000e+00 : f32
        %parallel_loop3A_600 = vector.broadcast %parallel_loop3A_599 : f32 to vector<16xf32>
        %parallel_loop3A_601 = arith.maximumf %parallel_loop3A_598, %parallel_loop3A_600 : vector<16xf32>
        %parallel_loop3A_602 = arith.index_cast %parallel_loop3A_555 : i32 to index
        %parallel_loop3A_603 = arith.constant 32 : index
        %parallel_loop3A_604 = tpu.vector_load %arg12[%parallel_loop3A_602, %parallel_loop3A_603] {strides = array<i32>} : memref<80x128xf32, #tpu.memory_space<vmem>>, vector<1x16xf32>,
        %parallel_loop3A_605 = vector.shape_cast %parallel_loop3A_604 : vector<1x16xf32> to vector<16xf32>
        %parallel_loop3A_606 = vector.shape_cast %parallel_loop3A_601 : vector<16xf32> to vector<1x16xf32>
        tpu.vector_store %arg12[%parallel_loop3A_602, %parallel_loop3A_603], %parallel_loop3A_606 {strides = array<i32>} : memref<80x128xf32, #tpu.memory_space<vmem>>, vector<1x16xf32>,
        %parallel_loop3A_607 = arith.index_cast %parallel_loop3A_555 : i32 to index
        %parallel_loop3A_608 = arith.constant 48 : index
        %parallel_loop3A_609 = tpu.vector_load %arg12[%parallel_loop3A_607, %parallel_loop3A_608] {strides = array<i32>} : memref<80x128xf32, #tpu.memory_space<vmem>>, vector<1x16xf32>,
        %parallel_loop3A_610 = vector.shape_cast %parallel_loop3A_609 : vector<1x16xf32> to vector<16xf32>
        %parallel_loop3A_611 = arith.index_cast %parallel_loop3A_555 : i32 to index
        %parallel_loop3A_612 = arith.constant 48 : index
        %parallel_loop3A_613 = tpu.vector_load %arg10[%parallel_loop3A_611, %parallel_loop3A_612] {strides = array<i32>} : memref<80x128xf32, #tpu.memory_space<vmem>>, vector<1x16xf32>,
        %parallel_loop3A_614 = vector.shape_cast %parallel_loop3A_613 : vector<1x16xf32> to vector<16xf32>
        %parallel_loop3A_615 = arith.addf %parallel_loop3A_610, %parallel_loop3A_614 : vector<16xf32>
        %parallel_loop3A_616 = arith.constant 0.000000e+00 : f32
        %parallel_loop3A_617 = vector.broadcast %parallel_loop3A_616 : f32 to vector<16xf32>
        %parallel_loop3A_618 = arith.maximumf %parallel_loop3A_615, %parallel_loop3A_617 : vector<16xf32>
        %parallel_loop3A_619 = arith.index_cast %parallel_loop3A_555 : i32 to index
        %parallel_loop3A_620 = arith.constant 48 : index
        %parallel_loop3A_621 = tpu.vector_load %arg12[%parallel_loop3A_619, %parallel_loop3A_620] {strides = array<i32>} : memref<80x128xf32, #tpu.memory_space<vmem>>, vector<1x16xf32>,
        %parallel_loop3A_622 = vector.shape_cast %parallel_loop3A_621 : vector<1x16xf32> to vector<16xf32>
        %parallel_loop3A_623 = vector.shape_cast %parallel_loop3A_618 : vector<16xf32> to vector<1x16xf32>
        tpu.vector_store %arg12[%parallel_loop3A_619, %parallel_loop3A_620], %parallel_loop3A_623 {strides = array<i32>} : memref<80x128xf32, #tpu.memory_space<vmem>>, vector<1x16xf32>,
        %parallel_loop3A_624 = arith.index_cast %parallel_loop3A_555 : i32 to index
        %parallel_loop3A_625 = arith.constant 64 : index
        %parallel_loop3A_626 = tpu.vector_load %arg12[%parallel_loop3A_624, %parallel_loop3A_625] {strides = array<i32>} : memref<80x128xf32, #tpu.memory_space<vmem>>, vector<1x16xf32>,
        %parallel_loop3A_627 = vector.shape_cast %parallel_loop3A_626 : vector<1x16xf32> to vector<16xf32>
        %parallel_loop3A_628 = arith.index_cast %parallel_loop3A_555 : i32 to index
        %parallel_loop3A_629 = arith.constant 64 : index
        %parallel_loop3A_630 = tpu.vector_load %arg10[%parallel_loop3A_628, %parallel_loop3A_629] {strides = array<i32>} : memref<80x128xf32, #tpu.memory_space<vmem>>, vector<1x16xf32>,
        %parallel_loop3A_631 = vector.shape_cast %parallel_loop3A_630 : vector<1x16xf32> to vector<16xf32>
        %parallel_loop3A_632 = arith.addf %parallel_loop3A_627, %parallel_loop3A_631 : vector<16xf32>
        %parallel_loop3A_633 = arith.constant 0.000000e+00 : f32
        %parallel_loop3A_634 = vector.broadcast %parallel_loop3A_633 : f32 to vector<16xf32>
        %parallel_loop3A_635 = arith.maximumf %parallel_loop3A_632, %parallel_loop3A_634 : vector<16xf32>
        %parallel_loop3A_636 = arith.index_cast %parallel_loop3A_555 : i32 to index
        %parallel_loop3A_637 = arith.constant 64 : index
        %parallel_loop3A_638 = tpu.vector_load %arg12[%parallel_loop3A_636, %parallel_loop3A_637] {strides = array<i32>} : memref<80x128xf32, #tpu.memory_space<vmem>>, vector<1x16xf32>,
        %parallel_loop3A_639 = vector.shape_cast %parallel_loop3A_638 : vector<1x16xf32> to vector<16xf32>
        %parallel_loop3A_640 = vector.shape_cast %parallel_loop3A_635 : vector<16xf32> to vector<1x16xf32>
        tpu.vector_store %arg12[%parallel_loop3A_636, %parallel_loop3A_637], %parallel_loop3A_640 {strides = array<i32>} : memref<80x128xf32, #tpu.memory_space<vmem>>, vector<1x16xf32>,
        %parallel_loop3A_641 = arith.index_cast %parallel_loop3A_555 : i32 to index
        %parallel_loop3A_642 = arith.constant 80 : index
        %parallel_loop3A_643 = tpu.vector_load %arg12[%parallel_loop3A_641, %parallel_loop3A_642] {strides = array<i32>} : memref<80x128xf32, #tpu.memory_space<vmem>>, vector<1x16xf32>,
        %parallel_loop3A_644 = vector.shape_cast %parallel_loop3A_643 : vector<1x16xf32> to vector<16xf32>
        %parallel_loop3A_645 = arith.index_cast %parallel_loop3A_555 : i32 to index
        %parallel_loop3A_646 = arith.constant 80 : index
        %parallel_loop3A_647 = tpu.vector_load %arg10[%parallel_loop3A_645, %parallel_loop3A_646] {strides = array<i32>} : memref<80x128xf32, #tpu.memory_space<vmem>>, vector<1x16xf32>,
        %parallel_loop3A_648 = vector.shape_cast %parallel_loop3A_647 : vector<1x16xf32> to vector<16xf32>
        %parallel_loop3A_649 = arith.addf %parallel_loop3A_644, %parallel_loop3A_648 : vector<16xf32>
        %parallel_loop3A_650 = arith.constant 0.000000e+00 : f32
        %parallel_loop3A_651 = vector.broadcast %parallel_loop3A_650 : f32 to vector<16xf32>
        %parallel_loop3A_652 = arith.maximumf %parallel_loop3A_649, %parallel_loop3A_651 : vector<16xf32>
        %parallel_loop3A_653 = arith.index_cast %parallel_loop3A_555 : i32 to index
        %parallel_loop3A_654 = arith.constant 80 : index
        %parallel_loop3A_655 = tpu.vector_load %arg12[%parallel_loop3A_653, %parallel_loop3A_654] {strides = array<i32>} : memref<80x128xf32, #tpu.memory_space<vmem>>, vector<1x16xf32>,
        %parallel_loop3A_656 = vector.shape_cast %parallel_loop3A_655 : vector<1x16xf32> to vector<16xf32>
        %parallel_loop3A_657 = vector.shape_cast %parallel_loop3A_652 : vector<16xf32> to vector<1x16xf32>
        tpu.vector_store %arg12[%parallel_loop3A_653, %parallel_loop3A_654], %parallel_loop3A_657 {strides = array<i32>} : memref<80x128xf32, #tpu.memory_space<vmem>>, vector<1x16xf32>,
        %parallel_loop3A_658 = arith.index_cast %parallel_loop3A_555 : i32 to index
        %parallel_loop3A_659 = arith.constant 96 : index
        %parallel_loop3A_660 = tpu.vector_load %arg12[%parallel_loop3A_658, %parallel_loop3A_659] {strides = array<i32>} : memref<80x128xf32, #tpu.memory_space<vmem>>, vector<1x16xf32>,
        %parallel_loop3A_661 = vector.shape_cast %parallel_loop3A_660 : vector<1x16xf32> to vector<16xf32>
        %parallel_loop3A_662 = arith.index_cast %parallel_loop3A_555 : i32 to index
        %parallel_loop3A_663 = arith.constant 96 : index
        %parallel_loop3A_664 = tpu.vector_load %arg10[%parallel_loop3A_662, %parallel_loop3A_663] {strides = array<i32>} : memref<80x128xf32, #tpu.memory_space<vmem>>, vector<1x16xf32>,
        %parallel_loop3A_665 = vector.shape_cast %parallel_loop3A_664 : vector<1x16xf32> to vector<16xf32>
        %parallel_loop3A_666 = arith.addf %parallel_loop3A_661, %parallel_loop3A_665 : vector<16xf32>
        %parallel_loop3A_667 = arith.constant 0.000000e+00 : f32
        %parallel_loop3A_668 = vector.broadcast %parallel_loop3A_667 : f32 to vector<16xf32>
        %parallel_loop3A_669 = arith.maximumf %parallel_loop3A_666, %parallel_loop3A_668 : vector<16xf32>
        %parallel_loop3A_670 = arith.index_cast %parallel_loop3A_555 : i32 to index
        %parallel_loop3A_671 = arith.constant 96 : index
        %parallel_loop3A_672 = tpu.vector_load %arg12[%parallel_loop3A_670, %parallel_loop3A_671] {strides = array<i32>} : memref<80x128xf32, #tpu.memory_space<vmem>>, vector<1x16xf32>,
        %parallel_loop3A_673 = vector.shape_cast %parallel_loop3A_672 : vector<1x16xf32> to vector<16xf32>
        %parallel_loop3A_674 = vector.shape_cast %parallel_loop3A_669 : vector<16xf32> to vector<1x16xf32>
        tpu.vector_store %arg12[%parallel_loop3A_670, %parallel_loop3A_671], %parallel_loop3A_674 {strides = array<i32>} : memref<80x128xf32, #tpu.memory_space<vmem>>, vector<1x16xf32>,
        %parallel_loop3A_675 = arith.index_cast %parallel_loop3A_555 : i32 to index
        %parallel_loop3A_676 = arith.constant 112 : index
        %parallel_loop3A_677 = tpu.vector_load %arg12[%parallel_loop3A_675, %parallel_loop3A_676] {strides = array<i32>} : memref<80x128xf32, #tpu.memory_space<vmem>>, vector<1x16xf32>,
        %parallel_loop3A_678 = vector.shape_cast %parallel_loop3A_677 : vector<1x16xf32> to vector<16xf32>
        %parallel_loop3A_679 = arith.index_cast %parallel_loop3A_555 : i32 to index
        %parallel_loop3A_680 = arith.constant 112 : index
        %parallel_loop3A_681 = tpu.vector_load %arg10[%parallel_loop3A_679, %parallel_loop3A_680] {strides = array<i32>} : memref<80x128xf32, #tpu.memory_space<vmem>>, vector<1x16xf32>,
        %parallel_loop3A_682 = vector.shape_cast %parallel_loop3A_681 : vector<1x16xf32> to vector<16xf32>
        %parallel_loop3A_683 = arith.addf %parallel_loop3A_678, %parallel_loop3A_682 : vector<16xf32>
        %parallel_loop3A_684 = arith.constant 0.000000e+00 : f32
        %parallel_loop3A_685 = vector.broadcast %parallel_loop3A_684 : f32 to vector<16xf32>
        %parallel_loop3A_686 = arith.maximumf %parallel_loop3A_683, %parallel_loop3A_685 : vector<16xf32>
        %parallel_loop3A_687 = arith.index_cast %parallel_loop3A_555 : i32 to index
        %parallel_loop3A_688 = arith.constant 112 : index
        %parallel_loop3A_689 = tpu.vector_load %arg12[%parallel_loop3A_687, %parallel_loop3A_688] {strides = array<i32>} : memref<80x128xf32, #tpu.memory_space<vmem>>, vector<1x16xf32>,
        %parallel_loop3A_690 = vector.shape_cast %parallel_loop3A_689 : vector<1x16xf32> to vector<16xf32>
        %parallel_loop3A_691 = vector.shape_cast %parallel_loop3A_686 : vector<16xf32> to vector<1x16xf32>
        tpu.vector_store %arg12[%parallel_loop3A_687, %parallel_loop3A_688], %parallel_loop3A_691 {strides = array<i32>} : memref<80x128xf32, #tpu.memory_space<vmem>>, vector<1x16xf32>,
      } {sc.loop_unroll_factor = 4 : i64, sc.parallel_access}
      %jit3A_400 = arith.constant 2 : i32
      %eq3A_401 = arith.constant 0 : i32
      %eq3A_402 = arith.cmpi eq, %jit3A_400, %eq3A_401 : i32
      %jit3A_403 = arith.constant 1 : i32
      %select_n3A_404 = arith.select %eq3A_402, %jit3A_403, %jit3A_400 : i32
      %rem3A_405 = arith.remsi %scan3A_108, %select_n3A_404 : i32
      %ne3A_406 = arith.constant 0 : i32
      %ne3A_407 = arith.cmpi ne, %rem3A_405, %ne3A_406 : i32
      %lt3A_408 = arith.constant 0 : i32
      %lt3A_409 = arith.cmpi slt, %rem3A_405, %lt3A_408 : i32
      %lt3A_410 = arith.constant 0 : i32
      %lt3A_411 = arith.cmpi slt, %select_n3A_404, %lt3A_410 : i32
      %ne3A_412 = arith.xori %lt3A_409, %lt3A_411 : i1
      %and3A_413 = arith.andi %ne3A_412, %ne3A_407 : i1
      %add3A_414 = arith.addi %rem3A_405, %select_n3A_404 : i32
      %select_n3A_415 = arith.select %and3A_413, %add3A_414, %rem3A_405 : i32
      %eq3A_416 = arith.constant 0 : i32
      %eq3A_417 = arith.cmpi eq, %select_n3A_415, %eq3A_416 : i32
      %convert_element_type3A_418 = arith.extui %eq3A_417 : i1 to i32
      %cond3A_419 = arith.constant 0 : i32
      %cond3A_420 = arith.cmpi ne, %convert_element_type3A_418, %cond3A_419 : i32
      scf.if %cond3A_420 {
        %dma_start3A_555 = arith.constant 1 : i32
        %dma_start3A_556 = arith.constant 160 : i32
        %dma_start3A_557 = tpu.memref_slice %arg7[%dma_start3A_555, %dma_start3A_556] : memref<2x320xi32, #tpu.memory_space<vmem>> -> memref<1x80xi32, #tpu.memory_space<vmem>>
        %dma_start3A_558 = tpu.memref_squeeze %dma_start3A_557 : memref<1x80xi32, #tpu.memory_space<vmem>> -> memref<80xi32, #tpu.memory_space<vmem>>
        %dma_start3A_559 = arith.constant 0 : i32
        %dma_start3A_560 = arith.constant 0 : i32
        %dma_start3A_561 = tpu.memref_slice %arg22[%dma_start3A_559, %dma_start3A_560] : memref<10112x128xf32, #tpu.memory_space<vmem_shared>> -> memref<10112x128xf32, #tpu.memory_space<vmem_shared>>
        tpu.enqueue_indirect_dma source(%arg12 : memref<80x128xf32, #tpu.memory_space<vmem>>) target(%dma_start3A_561 : memref<10112x128xf32, #tpu.memory_space<vmem_shared>>) offsets(%dma_start3A_558 : memref<80xi32, #tpu.memory_space<vmem>>) semaphore(%arg21 : memref<!tpu.dma_semaphore, #tpu.memory_space<semaphore_mem>>) {add = true}
      } else {
      }
      %jit3A_421 = arith.constant 2 : i32
      %eq3A_422 = arith.constant 0 : i32
      %eq3A_423 = arith.cmpi eq, %jit3A_421, %eq3A_422 : i32
      %jit3A_424 = arith.constant 1 : i32
      %select_n3A_425 = arith.select %eq3A_423, %jit3A_424, %jit3A_421 : i32
      %rem3A_426 = arith.remsi %scan3A_108, %select_n3A_425 : i32
      %ne3A_427 = arith.constant 0 : i32
      %ne3A_428 = arith.cmpi ne, %rem3A_426, %ne3A_427 : i32
      %lt3A_429 = arith.constant 0 : i32
      %lt3A_430 = arith.cmpi slt, %rem3A_426, %lt3A_429 : i32
      %lt3A_431 = arith.constant 0 : i32
      %lt3A_432 = arith.cmpi slt, %select_n3A_425, %lt3A_431 : i32
      %ne3A_433 = arith.xori %lt3A_430, %lt3A_432 : i1
      %and3A_434 = arith.andi %ne3A_433, %ne3A_428 : i1
      %add3A_435 = arith.addi %rem3A_426, %select_n3A_425 : i32
      %select_n3A_436 = arith.select %and3A_434, %add3A_435, %rem3A_426 : i32
      %eq3A_437 = arith.constant 1 : i32
      %eq3A_438 = arith.cmpi eq, %select_n3A_436, %eq3A_437 : i32
      %convert_element_type3A_439 = arith.extui %eq3A_438 : i1 to i32
      %cond3A_440 = arith.constant 0 : i32
      %cond3A_441 = arith.cmpi ne, %convert_element_type3A_439, %cond3A_440 : i32
      scf.if %cond3A_441 {
        %dma_start3A_555 = arith.constant 1 : i32
        %dma_start3A_556 = arith.constant 160 : i32
        %dma_start3A_557 = tpu.memref_slice %arg8[%dma_start3A_555, %dma_start3A_556] : memref<2x320xi32, #tpu.memory_space<vmem>> -> memref<1x80xi32, #tpu.memory_space<vmem>>
        %dma_start3A_558 = tpu.memref_squeeze %dma_start3A_557 : memref<1x80xi32, #tpu.memory_space<vmem>> -> memref<80xi32, #tpu.memory_space<vmem>>
        %dma_start3A_559 = arith.constant 0 : i32
        %dma_start3A_560 = arith.constant 0 : i32
        %dma_start3A_561 = tpu.memref_slice %arg22[%dma_start3A_559, %dma_start3A_560] : memref<10112x128xf32, #tpu.memory_space<vmem_shared>> -> memref<10112x128xf32, #tpu.memory_space<vmem_shared>>
        tpu.enqueue_indirect_dma source(%arg12 : memref<80x128xf32, #tpu.memory_space<vmem>>) target(%dma_start3A_561 : memref<10112x128xf32, #tpu.memory_space<vmem_shared>>) offsets(%dma_start3A_558 : memref<80xi32, #tpu.memory_space<vmem>>) semaphore(%arg21 : memref<!tpu.dma_semaphore, #tpu.memory_space<semaphore_mem>>) {add = true}
      } else {
      }
      %dma_wait3A_442 = arith.constant 1 : i32
      %dma_wait3A_443 = arith.constant 0 : i32
      %dma_wait3A_444 = tpu.memref_slice %arg6[%dma_wait3A_442, %dma_wait3A_443] : memref<2x80xi32, #tpu.memory_space<vmem>> -> memref<1x80xi32, #tpu.memory_space<vmem>>
      %dma_wait3A_445 = tpu.memref_squeeze %dma_wait3A_444 : memref<1x80xi32, #tpu.memory_space<vmem>> -> memref<80xi32, #tpu.memory_space<vmem>>
      %dma_wait3A_446 = arith.constant 0 : i32
      %dma_wait3A_447 = arith.constant 0 : i32
      %dma_wait3A_448 = tpu.memref_slice %arg22[%dma_wait3A_446, %dma_wait3A_447] : memref<10112x128xf32, #tpu.memory_space<vmem_shared>> -> memref<10112x128xf32, #tpu.memory_space<vmem_shared>>
      tpu.wait_indirect_dma semaphore(%arg21 : memref<!tpu.dma_semaphore, #tpu.memory_space<semaphore_mem>>) src(%arg12 : memref<80x128xf32, #tpu.memory_space<vmem>>) dst(%dma_wait3A_448 : memref<10112x128xf32, #tpu.memory_space<vmem_shared>>)
      %jit3A_449 = arith.constant 2 : i32
      %eq3A_450 = arith.constant 0 : i32
      %eq3A_451 = arith.cmpi eq, %jit3A_449, %eq3A_450 : i32
      %jit3A_452 = arith.constant 1 : i32
      %select_n3A_453 = arith.select %eq3A_451, %jit3A_452, %jit3A_449 : i32
      %rem3A_454 = arith.remsi %scan3A_108, %select_n3A_453 : i32
      %ne3A_455 = arith.constant 0 : i32
      %ne3A_456 = arith.cmpi ne, %rem3A_454, %ne3A_455 : i32
      %lt3A_457 = arith.constant 0 : i32
      %lt3A_458 = arith.cmpi slt, %rem3A_454, %lt3A_457 : i32
      %lt3A_459 = arith.constant 0 : i32
      %lt3A_460 = arith.cmpi slt, %select_n3A_453, %lt3A_459 : i32
      %ne3A_461 = arith.xori %lt3A_458, %lt3A_460 : i1
      %and3A_462 = arith.andi %ne3A_461, %ne3A_456 : i1
      %add3A_463 = arith.addi %rem3A_454, %select_n3A_453 : i32
      %select_n3A_464 = arith.select %and3A_462, %add3A_463, %rem3A_454 : i32
      %eq3A_465 = arith.constant 0 : i32
      %eq3A_466 = arith.cmpi eq, %select_n3A_464, %eq3A_465 : i32
      %lt3A_467 = arith.constant 30 : i32
      %lt3A_468 = arith.cmpi slt, %scan3A_108, %lt3A_467 : i32
      %and3A_469 = arith.andi %eq3A_466, %lt3A_468 : i1
      %jit3A_470 = arith.constant 2 : i32
      %eq3A_471 = arith.constant 0 : i32
      %eq3A_472 = arith.cmpi eq, %jit3A_470, %eq3A_471 : i32
      %jit3A_473 = arith.constant 1 : i32
      %select_n3A_474 = arith.select %eq3A_472, %jit3A_473, %jit3A_470 : i32
      %rem3A_475 = arith.remsi %scan3A_108, %select_n3A_474 : i32
      %ne3A_476 = arith.constant 0 : i32
      %ne3A_477 = arith.cmpi ne, %rem3A_475, %ne3A_476 : i32
      %lt3A_478 = arith.constant 0 : i32
      %lt3A_479 = arith.cmpi slt, %rem3A_475, %lt3A_478 : i32
      %lt3A_480 = arith.constant 0 : i32
      %lt3A_481 = arith.cmpi slt, %select_n3A_474, %lt3A_480 : i32
      %ne3A_482 = arith.xori %lt3A_479, %lt3A_481 : i1
      %and3A_483 = arith.andi %ne3A_482, %ne3A_477 : i1
      %add3A_484 = arith.addi %rem3A_475, %select_n3A_474 : i32
      %select_n3A_485 = arith.select %and3A_483, %add3A_484, %rem3A_475 : i32
      %eq3A_486 = arith.constant 1 : i32
      %eq3A_487 = arith.cmpi eq, %select_n3A_485, %eq3A_486 : i32
      %lt3A_488 = arith.constant 30 : i32
      %lt3A_489 = arith.cmpi slt, %scan3A_108, %lt3A_488 : i32
      %and3A_490 = arith.andi %eq3A_487, %lt3A_489 : i1
      %convert_element_type3A_491 = arith.extui %and3A_469 : i1 to i32
      %cond3A_492 = arith.constant 0 : i32
      %cond3A_493 = arith.cmpi ne, %convert_element_type3A_491, %cond3A_492 : i32
      scf.if %cond3A_493 {
        %dma_wait3A_555 = arith.constant 0 : i32
        %dma_wait3A_556 = arith.constant 0 : i32
        %dma_wait3A_557 = tpu.memref_slice %arg2[%dma_wait3A_555, %dma_wait3A_556] : memref<2x320000xi32, #tpu.memory_space<hbm>> -> memref<2x320xi32, #tpu.memory_space<hbm>>
        %dma_wait3A_558 = arith.constant 0 : i32
        %dma_wait3A_559 = arith.constant 0 : i32
        %dma_wait3A_560 = tpu.memref_slice %arg2[%dma_wait3A_558, %dma_wait3A_559] : memref<2x320000xi32, #tpu.memory_space<hbm>> -> memref<2x320xi32, #tpu.memory_space<hbm>>
        tpu.wait_dma2 semaphore(%arg15 : memref<!tpu.dma_semaphore, #tpu.memory_space<semaphore_mem>>) src(%dma_wait3A_560 : memref<2x320xi32, #tpu.memory_space<hbm>>) dst(%arg8 : memref<2x320xi32, #tpu.memory_space<vmem>>)
        %mul3A_561 = arith.constant 4 : i32
        %mul3A_562 = arith.muli %mul3A_561, %scan3A_108 : i32
        %add3A_563 = arith.constant 1 : i32
        %add3A_564 = arith.addi %add3A_563, %mul3A_562 : i32
        %add3A_565 = arith.constant 5 : i32
        %add3A_566 = arith.addi %add3A_564, %add3A_565 : i32
        %sub3A = arith.constant 1 : i32
        %sub3A_567 = arith.subi %add3A_566, %sub3A : i32
        %mul3A_568 = arith.constant 80 : i32
        %mul3A_569 = arith.muli %sub3A_567, %mul3A_568 : i32
        %add3A_570 = arith.addi %mul3A_2, %mul3A_569 : i32
        %multiple_of3A_571 = tpu.assume_multiple %add3A_570, 8 : i32
        %dma_start3A_572 = arith.constant 0 : i32
        %dma_start3A_573 = arith.constant 0 : i32
        %dma_start3A_574 = tpu.memref_slice %arg8[%dma_start3A_572, %dma_start3A_573] : memref<2x320xi32, #tpu.memory_space<vmem>> -> memref<1x80xi32, #tpu.memory_space<vmem>>
        %dma_start3A_575 = tpu.memref_squeeze %dma_start3A_574 : memref<1x80xi32, #tpu.memory_space<vmem>> -> memref<80xi32, #tpu.memory_space<vmem>>
        %dma_start3A_576 = arith.constant 0 : i32
        %dma_start3A_577 = arith.constant 0 : i32
        %dma_start3A_578 = tpu.memref_slice %arg3[%dma_start3A_576, %dma_start3A_577] : memref<10000x128xf32, #tpu.memory_space<hbm>> -> memref<10000x128xf32, #tpu.memory_space<hbm>>
        tpu.enqueue_indirect_dma source(%dma_start3A_578 : memref<10000x128xf32, #tpu.memory_space<hbm>>) target(%arg10 : memref<80x128xf32, #tpu.memory_space<vmem>>) offsets(%dma_start3A_575 : memref<80xi32, #tpu.memory_space<vmem>>) semaphore(%arg19 : memref<!tpu.dma_semaphore, #tpu.memory_space<semaphore_mem>>)
        %dma_start3A_579 = arith.constant 0 : i32
        %dma_start3A_580 = tpu.memref_slice %arg4[%multiple_of3A_571, %dma_start3A_579] : memref<320000x128xf32, #tpu.memory_space<hbm>> -> memref<80x128xf32, #tpu.memory_space<hbm>>
        %dma_start3A_581 = arith.constant 0 : i32
        %dma_start3A_582 = tpu.memref_slice %arg4[%multiple_of3A_571, %dma_start3A_581] : memref<320000x128xf32, #tpu.memory_space<hbm>> -> memref<80x128xf32, #tpu.memory_space<hbm>>
        tpu.enqueue_dma source(%dma_start3A_582 : memref<80x128xf32, #tpu.memory_space<hbm>>) target(%arg12 : memref<80x128xf32, #tpu.memory_space<vmem>>) target_semaphore(%arg17 : memref<!tpu.dma_semaphore, #tpu.memory_space<semaphore_mem>>)
      } else {
      }
      %convert_element_type3A_494 = arith.extui %and3A_490 : i1 to i32
      %cond3A_495 = arith.constant 0 : i32
      %cond3A_496 = arith.cmpi ne, %convert_element_type3A_494, %cond3A_495 : i32
      scf.if %cond3A_496 {
        %dma_wait3A_555 = arith.constant 0 : i32
        %dma_wait3A_556 = arith.constant 0 : i32
        %dma_wait3A_557 = tpu.memref_slice %arg2[%dma_wait3A_555, %dma_wait3A_556] : memref<2x320000xi32, #tpu.memory_space<hbm>> -> memref<2x320xi32, #tpu.memory_space<hbm>>
        %dma_wait3A_558 = arith.constant 0 : i32
        %dma_wait3A_559 = arith.constant 0 : i32
        %dma_wait3A_560 = tpu.memref_slice %arg2[%dma_wait3A_558, %dma_wait3A_559] : memref<2x320000xi32, #tpu.memory_space<hbm>> -> memref<2x320xi32, #tpu.memory_space<hbm>>
        tpu.wait_dma2 semaphore(%arg14 : memref<!tpu.dma_semaphore, #tpu.memory_space<semaphore_mem>>) src(%dma_wait3A_560 : memref<2x320xi32, #tpu.memory_space<hbm>>) dst(%arg7 : memref<2x320xi32, #tpu.memory_space<vmem>>)
        %mul3A_561 = arith.constant 4 : i32
        %mul3A_562 = arith.muli %mul3A_561, %scan3A_108 : i32
        %add3A_563 = arith.constant 1 : i32
        %add3A_564 = arith.addi %add3A_563, %mul3A_562 : i32
        %add3A_565 = arith.constant 5 : i32
        %add3A_566 = arith.addi %add3A_564, %add3A_565 : i32
        %sub3A = arith.constant 1 : i32
        %sub3A_567 = arith.subi %add3A_566, %sub3A : i32
        %mul3A_568 = arith.constant 80 : i32
        %mul3A_569 = arith.muli %sub3A_567, %mul3A_568 : i32
        %add3A_570 = arith.addi %mul3A_2, %mul3A_569 : i32
        %multiple_of3A_571 = tpu.assume_multiple %add3A_570, 8 : i32
        %dma_start3A_572 = arith.constant 0 : i32
        %dma_start3A_573 = arith.constant 0 : i32
        %dma_start3A_574 = tpu.memref_slice %arg7[%dma_start3A_572, %dma_start3A_573] : memref<2x320xi32, #tpu.memory_space<vmem>> -> memref<1x80xi32, #tpu.memory_space<vmem>>
        %dma_start3A_575 = tpu.memref_squeeze %dma_start3A_574 : memref<1x80xi32, #tpu.memory_space<vmem>> -> memref<80xi32, #tpu.memory_space<vmem>>
        %dma_start3A_576 = arith.constant 0 : i32
        %dma_start3A_577 = arith.constant 0 : i32
        %dma_start3A_578 = tpu.memref_slice %arg3[%dma_start3A_576, %dma_start3A_577] : memref<10000x128xf32, #tpu.memory_space<hbm>> -> memref<10000x128xf32, #tpu.memory_space<hbm>>
        tpu.enqueue_indirect_dma source(%dma_start3A_578 : memref<10000x128xf32, #tpu.memory_space<hbm>>) target(%arg10 : memref<80x128xf32, #tpu.memory_space<vmem>>) offsets(%dma_start3A_575 : memref<80xi32, #tpu.memory_space<vmem>>) semaphore(%arg19 : memref<!tpu.dma_semaphore, #tpu.memory_space<semaphore_mem>>)
        %dma_start3A_579 = arith.constant 0 : i32
        %dma_start3A_580 = tpu.memref_slice %arg4[%multiple_of3A_571, %dma_start3A_579] : memref<320000x128xf32, #tpu.memory_space<hbm>> -> memref<80x128xf32, #tpu.memory_space<hbm>>
        %dma_start3A_581 = arith.constant 0 : i32
        %dma_start3A_582 = tpu.memref_slice %arg4[%multiple_of3A_571, %dma_start3A_581] : memref<320000x128xf32, #tpu.memory_space<hbm>> -> memref<80x128xf32, #tpu.memory_space<hbm>>
        tpu.enqueue_dma source(%dma_start3A_582 : memref<80x128xf32, #tpu.memory_space<hbm>>) target(%arg12 : memref<80x128xf32, #tpu.memory_space<vmem>>) target_semaphore(%arg17 : memref<!tpu.dma_semaphore, #tpu.memory_space<semaphore_mem>>)
      } else {
      }
      %dma_wait3A_497 = arith.constant 0 : i32
      %dma_wait3A_498 = arith.constant 0 : i32
      %dma_wait3A_499 = tpu.memref_slice %arg4[%dma_wait3A_497, %dma_wait3A_498] : memref<320000x128xf32, #tpu.memory_space<hbm>> -> memref<80x128xf32, #tpu.memory_space<hbm>>
      %dma_wait3A_500 = arith.constant 0 : i32
      %dma_wait3A_501 = arith.constant 0 : i32
      %dma_wait3A_502 = tpu.memref_slice %arg4[%dma_wait3A_500, %dma_wait3A_501] : memref<320000x128xf32, #tpu.memory_space<hbm>> -> memref<80x128xf32, #tpu.memory_space<hbm>>
      tpu.wait_dma2 semaphore(%arg16 : memref<!tpu.dma_semaphore, #tpu.memory_space<semaphore_mem>>) src(%dma_wait3A_502 : memref<80x128xf32, #tpu.memory_space<hbm>>) dst(%arg11 : memref<80x128xf32, #tpu.memory_space<vmem>>)
      %dma_wait3A_503 = arith.constant 0 : i32
      %dma_wait3A_504 = arith.constant 0 : i32
      %dma_wait3A_505 = tpu.memref_slice %arg6[%dma_wait3A_503, %dma_wait3A_504] : memref<2x80xi32, #tpu.memory_space<vmem>> -> memref<1x80xi32, #tpu.memory_space<vmem>>
      %dma_wait3A_506 = tpu.memref_squeeze %dma_wait3A_505 : memref<1x80xi32, #tpu.memory_space<vmem>> -> memref<80xi32, #tpu.memory_space<vmem>>
      %dma_wait3A_507 = arith.constant 0 : i32
      %dma_wait3A_508 = arith.constant 0 : i32
      %dma_wait3A_509 = tpu.memref_slice %arg3[%dma_wait3A_507, %dma_wait3A_508] : memref<10000x128xf32, #tpu.memory_space<hbm>> -> memref<10000x128xf32, #tpu.memory_space<hbm>>
      tpu.wait_indirect_dma semaphore(%arg18 : memref<!tpu.dma_semaphore, #tpu.memory_space<semaphore_mem>>) src(%dma_wait3A_509 : memref<10000x128xf32, #tpu.memory_space<hbm>>) dst(%arg9 : memref<80x128xf32, #tpu.memory_space<vmem>>)
      %parallel_loop3A_510 = arith.constant 0 : i32
      %parallel_loop3A_511 = arith.constant 80 : i32
      %parallel_loop3A_512 = arith.constant 1 : i32
      scf.for %parallel_loop3A_555 = %parallel_loop3A_510 to %parallel_loop3A_511 step %parallel_loop3A_512  : i32 {
        %parallel_loop3A_556 = arith.index_cast %parallel_loop3A_555 : i32 to index
        %parallel_loop3A_557 = arith.constant 0 : index
        %parallel_loop3A_558 = tpu.vector_load %arg11[%parallel_loop3A_556, %parallel_loop3A_557] {strides = array<i32>} : memref<80x128xf32, #tpu.memory_space<vmem>>, vector<1x16xf32>,
        %parallel_loop3A_559 = vector.shape_cast %parallel_loop3A_558 : vector<1x16xf32> to vector<16xf32>
        %parallel_loop3A_560 = arith.index_cast %parallel_loop3A_555 : i32 to index
        %parallel_loop3A_561 = arith.constant 0 : index
        %parallel_loop3A_562 = tpu.vector_load %arg9[%parallel_loop3A_560, %parallel_loop3A_561] {strides = array<i32>} : memref<80x128xf32, #tpu.memory_space<vmem>>, vector<1x16xf32>,
        %parallel_loop3A_563 = vector.shape_cast %parallel_loop3A_562 : vector<1x16xf32> to vector<16xf32>
        %parallel_loop3A_564 = arith.addf %parallel_loop3A_559, %parallel_loop3A_563 : vector<16xf32>
        %parallel_loop3A_565 = arith.constant 0.000000e+00 : f32
        %parallel_loop3A_566 = vector.broadcast %parallel_loop3A_565 : f32 to vector<16xf32>
        %parallel_loop3A_567 = arith.maximumf %parallel_loop3A_564, %parallel_loop3A_566 : vector<16xf32>
        %parallel_loop3A_568 = arith.index_cast %parallel_loop3A_555 : i32 to index
        %parallel_loop3A_569 = arith.constant 0 : index
        %parallel_loop3A_570 = tpu.vector_load %arg11[%parallel_loop3A_568, %parallel_loop3A_569] {strides = array<i32>} : memref<80x128xf32, #tpu.memory_space<vmem>>, vector<1x16xf32>,
        %parallel_loop3A_571 = vector.shape_cast %parallel_loop3A_570 : vector<1x16xf32> to vector<16xf32>
        %parallel_loop3A_572 = vector.shape_cast %parallel_loop3A_567 : vector<16xf32> to vector<1x16xf32>
        tpu.vector_store %arg11[%parallel_loop3A_568, %parallel_loop3A_569], %parallel_loop3A_572 {strides = array<i32>} : memref<80x128xf32, #tpu.memory_space<vmem>>, vector<1x16xf32>,
        %parallel_loop3A_573 = arith.index_cast %parallel_loop3A_555 : i32 to index
        %parallel_loop3A_574 = arith.constant 16 : index
        %parallel_loop3A_575 = tpu.vector_load %arg11[%parallel_loop3A_573, %parallel_loop3A_574] {strides = array<i32>} : memref<80x128xf32, #tpu.memory_space<vmem>>, vector<1x16xf32>,
        %parallel_loop3A_576 = vector.shape_cast %parallel_loop3A_575 : vector<1x16xf32> to vector<16xf32>
        %parallel_loop3A_577 = arith.index_cast %parallel_loop3A_555 : i32 to index
        %parallel_loop3A_578 = arith.constant 16 : index
        %parallel_loop3A_579 = tpu.vector_load %arg9[%parallel_loop3A_577, %parallel_loop3A_578] {strides = array<i32>} : memref<80x128xf32, #tpu.memory_space<vmem>>, vector<1x16xf32>,
        %parallel_loop3A_580 = vector.shape_cast %parallel_loop3A_579 : vector<1x16xf32> to vector<16xf32>
        %parallel_loop3A_581 = arith.addf %parallel_loop3A_576, %parallel_loop3A_580 : vector<16xf32>
        %parallel_loop3A_582 = arith.constant 0.000000e+00 : f32
        %parallel_loop3A_583 = vector.broadcast %parallel_loop3A_582 : f32 to vector<16xf32>
        %parallel_loop3A_584 = arith.maximumf %parallel_loop3A_581, %parallel_loop3A_583 : vector<16xf32>
        %parallel_loop3A_585 = arith.index_cast %parallel_loop3A_555 : i32 to index
        %parallel_loop3A_586 = arith.constant 16 : index
        %parallel_loop3A_587 = tpu.vector_load %arg11[%parallel_loop3A_585, %parallel_loop3A_586] {strides = array<i32>} : memref<80x128xf32, #tpu.memory_space<vmem>>, vector<1x16xf32>,
        %parallel_loop3A_588 = vector.shape_cast %parallel_loop3A_587 : vector<1x16xf32> to vector<16xf32>
        %parallel_loop3A_589 = vector.shape_cast %parallel_loop3A_584 : vector<16xf32> to vector<1x16xf32>
        tpu.vector_store %arg11[%parallel_loop3A_585, %parallel_loop3A_586], %parallel_loop3A_589 {strides = array<i32>} : memref<80x128xf32, #tpu.memory_space<vmem>>, vector<1x16xf32>,
        %parallel_loop3A_590 = arith.index_cast %parallel_loop3A_555 : i32 to index
        %parallel_loop3A_591 = arith.constant 32 : index
        %parallel_loop3A_592 = tpu.vector_load %arg11[%parallel_loop3A_590, %parallel_loop3A_591] {strides = array<i32>} : memref<80x128xf32, #tpu.memory_space<vmem>>, vector<1x16xf32>,
        %parallel_loop3A_593 = vector.shape_cast %parallel_loop3A_592 : vector<1x16xf32> to vector<16xf32>
        %parallel_loop3A_594 = arith.index_cast %parallel_loop3A_555 : i32 to index
        %parallel_loop3A_595 = arith.constant 32 : index
        %parallel_loop3A_596 = tpu.vector_load %arg9[%parallel_loop3A_594, %parallel_loop3A_595] {strides = array<i32>} : memref<80x128xf32, #tpu.memory_space<vmem>>, vector<1x16xf32>,
        %parallel_loop3A_597 = vector.shape_cast %parallel_loop3A_596 : vector<1x16xf32> to vector<16xf32>
        %parallel_loop3A_598 = arith.addf %parallel_loop3A_593, %parallel_loop3A_597 : vector<16xf32>
        %parallel_loop3A_599 = arith.constant 0.000000e+00 : f32
        %parallel_loop3A_600 = vector.broadcast %parallel_loop3A_599 : f32 to vector<16xf32>
        %parallel_loop3A_601 = arith.maximumf %parallel_loop3A_598, %parallel_loop3A_600 : vector<16xf32>
        %parallel_loop3A_602 = arith.index_cast %parallel_loop3A_555 : i32 to index
        %parallel_loop3A_603 = arith.constant 32 : index
        %parallel_loop3A_604 = tpu.vector_load %arg11[%parallel_loop3A_602, %parallel_loop3A_603] {strides = array<i32>} : memref<80x128xf32, #tpu.memory_space<vmem>>, vector<1x16xf32>,
        %parallel_loop3A_605 = vector.shape_cast %parallel_loop3A_604 : vector<1x16xf32> to vector<16xf32>
        %parallel_loop3A_606 = vector.shape_cast %parallel_loop3A_601 : vector<16xf32> to vector<1x16xf32>
        tpu.vector_store %arg11[%parallel_loop3A_602, %parallel_loop3A_603], %parallel_loop3A_606 {strides = array<i32>} : memref<80x128xf32, #tpu.memory_space<vmem>>, vector<1x16xf32>,
        %parallel_loop3A_607 = arith.index_cast %parallel_loop3A_555 : i32 to index
        %parallel_loop3A_608 = arith.constant 48 : index
        %parallel_loop3A_609 = tpu.vector_load %arg11[%parallel_loop3A_607, %parallel_loop3A_608] {strides = array<i32>} : memref<80x128xf32, #tpu.memory_space<vmem>>, vector<1x16xf32>,
        %parallel_loop3A_610 = vector.shape_cast %parallel_loop3A_609 : vector<1x16xf32> to vector<16xf32>
        %parallel_loop3A_611 = arith.index_cast %parallel_loop3A_555 : i32 to index
        %parallel_loop3A_612 = arith.constant 48 : index
        %parallel_loop3A_613 = tpu.vector_load %arg9[%parallel_loop3A_611, %parallel_loop3A_612] {strides = array<i32>} : memref<80x128xf32, #tpu.memory_space<vmem>>, vector<1x16xf32>,
        %parallel_loop3A_614 = vector.shape_cast %parallel_loop3A_613 : vector<1x16xf32> to vector<16xf32>
        %parallel_loop3A_615 = arith.addf %parallel_loop3A_610, %parallel_loop3A_614 : vector<16xf32>
        %parallel_loop3A_616 = arith.constant 0.000000e+00 : f32
        %parallel_loop3A_617 = vector.broadcast %parallel_loop3A_616 : f32 to vector<16xf32>
        %parallel_loop3A_618 = arith.maximumf %parallel_loop3A_615, %parallel_loop3A_617 : vector<16xf32>
        %parallel_loop3A_619 = arith.index_cast %parallel_loop3A_555 : i32 to index
        %parallel_loop3A_620 = arith.constant 48 : index
        %parallel_loop3A_621 = tpu.vector_load %arg11[%parallel_loop3A_619, %parallel_loop3A_620] {strides = array<i32>} : memref<80x128xf32, #tpu.memory_space<vmem>>, vector<1x16xf32>,
        %parallel_loop3A_622 = vector.shape_cast %parallel_loop3A_621 : vector<1x16xf32> to vector<16xf32>
        %parallel_loop3A_623 = vector.shape_cast %parallel_loop3A_618 : vector<16xf32> to vector<1x16xf32>
        tpu.vector_store %arg11[%parallel_loop3A_619, %parallel_loop3A_620], %parallel_loop3A_623 {strides = array<i32>} : memref<80x128xf32, #tpu.memory_space<vmem>>, vector<1x16xf32>,
        %parallel_loop3A_624 = arith.index_cast %parallel_loop3A_555 : i32 to index
        %parallel_loop3A_625 = arith.constant 64 : index
        %parallel_loop3A_626 = tpu.vector_load %arg11[%parallel_loop3A_624, %parallel_loop3A_625] {strides = array<i32>} : memref<80x128xf32, #tpu.memory_space<vmem>>, vector<1x16xf32>,
        %parallel_loop3A_627 = vector.shape_cast %parallel_loop3A_626 : vector<1x16xf32> to vector<16xf32>
        %parallel_loop3A_628 = arith.index_cast %parallel_loop3A_555 : i32 to index
        %parallel_loop3A_629 = arith.constant 64 : index
        %parallel_loop3A_630 = tpu.vector_load %arg9[%parallel_loop3A_628, %parallel_loop3A_629] {strides = array<i32>} : memref<80x128xf32, #tpu.memory_space<vmem>>, vector<1x16xf32>,
        %parallel_loop3A_631 = vector.shape_cast %parallel_loop3A_630 : vector<1x16xf32> to vector<16xf32>
        %parallel_loop3A_632 = arith.addf %parallel_loop3A_627, %parallel_loop3A_631 : vector<16xf32>
        %parallel_loop3A_633 = arith.constant 0.000000e+00 : f32
        %parallel_loop3A_634 = vector.broadcast %parallel_loop3A_633 : f32 to vector<16xf32>
        %parallel_loop3A_635 = arith.maximumf %parallel_loop3A_632, %parallel_loop3A_634 : vector<16xf32>
        %parallel_loop3A_636 = arith.index_cast %parallel_loop3A_555 : i32 to index
        %parallel_loop3A_637 = arith.constant 64 : index
        %parallel_loop3A_638 = tpu.vector_load %arg11[%parallel_loop3A_636, %parallel_loop3A_637] {strides = array<i32>} : memref<80x128xf32, #tpu.memory_space<vmem>>, vector<1x16xf32>,
        %parallel_loop3A_639 = vector.shape_cast %parallel_loop3A_638 : vector<1x16xf32> to vector<16xf32>
        %parallel_loop3A_640 = vector.shape_cast %parallel_loop3A_635 : vector<16xf32> to vector<1x16xf32>
        tpu.vector_store %arg11[%parallel_loop3A_636, %parallel_loop3A_637], %parallel_loop3A_640 {strides = array<i32>} : memref<80x128xf32, #tpu.memory_space<vmem>>, vector<1x16xf32>,
        %parallel_loop3A_641 = arith.index_cast %parallel_loop3A_555 : i32 to index
        %parallel_loop3A_642 = arith.constant 80 : index
        %parallel_loop3A_643 = tpu.vector_load %arg11[%parallel_loop3A_641, %parallel_loop3A_642] {strides = array<i32>} : memref<80x128xf32, #tpu.memory_space<vmem>>, vector<1x16xf32>,
        %parallel_loop3A_644 = vector.shape_cast %parallel_loop3A_643 : vector<1x16xf32> to vector<16xf32>
        %parallel_loop3A_645 = arith.index_cast %parallel_loop3A_555 : i32 to index
        %parallel_loop3A_646 = arith.constant 80 : index
        %parallel_loop3A_647 = tpu.vector_load %arg9[%parallel_loop3A_645, %parallel_loop3A_646] {strides = array<i32>} : memref<80x128xf32, #tpu.memory_space<vmem>>, vector<1x16xf32>,
        %parallel_loop3A_648 = vector.shape_cast %parallel_loop3A_647 : vector<1x16xf32> to vector<16xf32>
        %parallel_loop3A_649 = arith.addf %parallel_loop3A_644, %parallel_loop3A_648 : vector<16xf32>
        %parallel_loop3A_650 = arith.constant 0.000000e+00 : f32
        %parallel_loop3A_651 = vector.broadcast %parallel_loop3A_650 : f32 to vector<16xf32>
        %parallel_loop3A_652 = arith.maximumf %parallel_loop3A_649, %parallel_loop3A_651 : vector<16xf32>
        %parallel_loop3A_653 = arith.index_cast %parallel_loop3A_555 : i32 to index
        %parallel_loop3A_654 = arith.constant 80 : index
        %parallel_loop3A_655 = tpu.vector_load %arg11[%parallel_loop3A_653, %parallel_loop3A_654] {strides = array<i32>} : memref<80x128xf32, #tpu.memory_space<vmem>>, vector<1x16xf32>,
        %parallel_loop3A_656 = vector.shape_cast %parallel_loop3A_655 : vector<1x16xf32> to vector<16xf32>
        %parallel_loop3A_657 = vector.shape_cast %parallel_loop3A_652 : vector<16xf32> to vector<1x16xf32>
        tpu.vector_store %arg11[%parallel_loop3A_653, %parallel_loop3A_654], %parallel_loop3A_657 {strides = array<i32>} : memref<80x128xf32, #tpu.memory_space<vmem>>, vector<1x16xf32>,
        %parallel_loop3A_658 = arith.index_cast %parallel_loop3A_555 : i32 to index
        %parallel_loop3A_659 = arith.constant 96 : index
        %parallel_loop3A_660 = tpu.vector_load %arg11[%parallel_loop3A_658, %parallel_loop3A_659] {strides = array<i32>} : memref<80x128xf32, #tpu.memory_space<vmem>>, vector<1x16xf32>,
        %parallel_loop3A_661 = vector.shape_cast %parallel_loop3A_660 : vector<1x16xf32> to vector<16xf32>
        %parallel_loop3A_662 = arith.index_cast %parallel_loop3A_555 : i32 to index
        %parallel_loop3A_663 = arith.constant 96 : index
        %parallel_loop3A_664 = tpu.vector_load %arg9[%parallel_loop3A_662, %parallel_loop3A_663] {strides = array<i32>} : memref<80x128xf32, #tpu.memory_space<vmem>>, vector<1x16xf32>,
        %parallel_loop3A_665 = vector.shape_cast %parallel_loop3A_664 : vector<1x16xf32> to vector<16xf32>
        %parallel_loop3A_666 = arith.addf %parallel_loop3A_661, %parallel_loop3A_665 : vector<16xf32>
        %parallel_loop3A_667 = arith.constant 0.000000e+00 : f32
        %parallel_loop3A_668 = vector.broadcast %parallel_loop3A_667 : f32 to vector<16xf32>
        %parallel_loop3A_669 = arith.maximumf %parallel_loop3A_666, %parallel_loop3A_668 : vector<16xf32>
        %parallel_loop3A_670 = arith.index_cast %parallel_loop3A_555 : i32 to index
        %parallel_loop3A_671 = arith.constant 96 : index
        %parallel_loop3A_672 = tpu.vector_load %arg11[%parallel_loop3A_670, %parallel_loop3A_671] {strides = array<i32>} : memref<80x128xf32, #tpu.memory_space<vmem>>, vector<1x16xf32>,
        %parallel_loop3A_673 = vector.shape_cast %parallel_loop3A_672 : vector<1x16xf32> to vector<16xf32>
        %parallel_loop3A_674 = vector.shape_cast %parallel_loop3A_669 : vector<16xf32> to vector<1x16xf32>
        tpu.vector_store %arg11[%parallel_loop3A_670, %parallel_loop3A_671], %parallel_loop3A_674 {strides = array<i32>} : memref<80x128xf32, #tpu.memory_space<vmem>>, vector<1x16xf32>,
        %parallel_loop3A_675 = arith.index_cast %parallel_loop3A_555 : i32 to index
        %parallel_loop3A_676 = arith.constant 112 : index
        %parallel_loop3A_677 = tpu.vector_load %arg11[%parallel_loop3A_675, %parallel_loop3A_676] {strides = array<i32>} : memref<80x128xf32, #tpu.memory_space<vmem>>, vector<1x16xf32>,
        %parallel_loop3A_678 = vector.shape_cast %parallel_loop3A_677 : vector<1x16xf32> to vector<16xf32>
        %parallel_loop3A_679 = arith.index_cast %parallel_loop3A_555 : i32 to index
        %parallel_loop3A_680 = arith.constant 112 : index
        %parallel_loop3A_681 = tpu.vector_load %arg9[%parallel_loop3A_679, %parallel_loop3A_680] {strides = array<i32>} : memref<80x128xf32, #tpu.memory_space<vmem>>, vector<1x16xf32>,
        %parallel_loop3A_682 = vector.shape_cast %parallel_loop3A_681 : vector<1x16xf32> to vector<16xf32>
        %parallel_loop3A_683 = arith.addf %parallel_loop3A_678, %parallel_loop3A_682 : vector<16xf32>
        %parallel_loop3A_684 = arith.constant 0.000000e+00 : f32
        %parallel_loop3A_685 = vector.broadcast %parallel_loop3A_684 : f32 to vector<16xf32>
        %parallel_loop3A_686 = arith.maximumf %parallel_loop3A_683, %parallel_loop3A_685 : vector<16xf32>
        %parallel_loop3A_687 = arith.index_cast %parallel_loop3A_555 : i32 to index
        %parallel_loop3A_688 = arith.constant 112 : index
        %parallel_loop3A_689 = tpu.vector_load %arg11[%parallel_loop3A_687, %parallel_loop3A_688] {strides = array<i32>} : memref<80x128xf32, #tpu.memory_space<vmem>>, vector<1x16xf32>,
        %parallel_loop3A_690 = vector.shape_cast %parallel_loop3A_689 : vector<1x16xf32> to vector<16xf32>
        %parallel_loop3A_691 = vector.shape_cast %parallel_loop3A_686 : vector<16xf32> to vector<1x16xf32>
        tpu.vector_store %arg11[%parallel_loop3A_687, %parallel_loop3A_688], %parallel_loop3A_691 {strides = array<i32>} : memref<80x128xf32, #tpu.memory_space<vmem>>, vector<1x16xf32>,
      } {sc.loop_unroll_factor = 4 : i64, sc.parallel_access}
      %jit3A_513 = arith.constant 2 : i32
      %eq3A_514 = arith.constant 0 : i32
      %eq3A_515 = arith.cmpi eq, %jit3A_513, %eq3A_514 : i32
      %jit3A_516 = arith.constant 1 : i32
      %select_n3A_517 = arith.select %eq3A_515, %jit3A_516, %jit3A_513 : i32
      %rem3A_518 = arith.remsi %scan3A_108, %select_n3A_517 : i32
      %ne3A_519 = arith.constant 0 : i32
      %ne3A_520 = arith.cmpi ne, %rem3A_518, %ne3A_519 : i32
      %lt3A_521 = arith.constant 0 : i32
      %lt3A_522 = arith.cmpi slt, %rem3A_518, %lt3A_521 : i32
      %lt3A_523 = arith.constant 0 : i32
      %lt3A_524 = arith.cmpi slt, %select_n3A_517, %lt3A_523 : i32
      %ne3A_525 = arith.xori %lt3A_522, %lt3A_524 : i1
      %and3A_526 = arith.andi %ne3A_525, %ne3A_520 : i1
      %add3A_527 = arith.addi %rem3A_518, %select_n3A_517 : i32
      %select_n3A_528 = arith.select %and3A_526, %add3A_527, %rem3A_518 : i32
      %eq3A_529 = arith.constant 0 : i32
      %eq3A_530 = arith.cmpi eq, %select_n3A_528, %eq3A_529 : i32
      %convert_element_type3A_531 = arith.extui %eq3A_530 : i1 to i32
      %cond3A_532 = arith.constant 0 : i32
      %cond3A_533 = arith.cmpi ne, %convert_element_type3A_531, %cond3A_532 : i32
      scf.if %cond3A_533 {
        %dma_start3A_555 = arith.constant 1 : i32
        %dma_start3A_556 = arith.constant 240 : i32
        %dma_start3A_557 = tpu.memref_slice %arg7[%dma_start3A_555, %dma_start3A_556] : memref<2x320xi32, #tpu.memory_space<vmem>> -> memref<1x80xi32, #tpu.memory_space<vmem>>
        %dma_start3A_558 = tpu.memref_squeeze %dma_start3A_557 : memref<1x80xi32, #tpu.memory_space<vmem>> -> memref<80xi32, #tpu.memory_space<vmem>>
        %dma_start3A_559 = arith.constant 0 : i32
        %dma_start3A_560 = arith.constant 0 : i32
        %dma_start3A_561 = tpu.memref_slice %arg22[%dma_start3A_559, %dma_start3A_560] : memref<10112x128xf32, #tpu.memory_space<vmem_shared>> -> memref<10112x128xf32, #tpu.memory_space<vmem_shared>>
        tpu.enqueue_indirect_dma source(%arg11 : memref<80x128xf32, #tpu.memory_space<vmem>>) target(%dma_start3A_561 : memref<10112x128xf32, #tpu.memory_space<vmem_shared>>) offsets(%dma_start3A_558 : memref<80xi32, #tpu.memory_space<vmem>>) semaphore(%arg20 : memref<!tpu.dma_semaphore, #tpu.memory_space<semaphore_mem>>) {add = true}
      } else {
      }
      %jit3A_534 = arith.constant 2 : i32
      %eq3A_535 = arith.constant 0 : i32
      %eq3A_536 = arith.cmpi eq, %jit3A_534, %eq3A_535 : i32
      %jit3A_537 = arith.constant 1 : i32
      %select_n3A_538 = arith.select %eq3A_536, %jit3A_537, %jit3A_534 : i32
      %rem3A_539 = arith.remsi %scan3A_108, %select_n3A_538 : i32
      %ne3A_540 = arith.constant 0 : i32
      %ne3A_541 = arith.cmpi ne, %rem3A_539, %ne3A_540 : i32
      %lt3A_542 = arith.constant 0 : i32
      %lt3A_543 = arith.cmpi slt, %rem3A_539, %lt3A_542 : i32
      %lt3A_544 = arith.constant 0 : i32
      %lt3A_545 = arith.cmpi slt, %select_n3A_538, %lt3A_544 : i32
      %ne3A_546 = arith.xori %lt3A_543, %lt3A_545 : i1
      %and3A_547 = arith.andi %ne3A_546, %ne3A_541 : i1
      %add3A_548 = arith.addi %rem3A_539, %select_n3A_538 : i32
      %select_n3A_549 = arith.select %and3A_547, %add3A_548, %rem3A_539 : i32
      %eq3A_550 = arith.constant 1 : i32
      %eq3A_551 = arith.cmpi eq, %select_n3A_549, %eq3A_550 : i32
      %convert_element_type3A_552 = arith.extui %eq3A_551 : i1 to i32
      %cond3A_553 = arith.constant 0 : i32
      %cond3A_554 = arith.cmpi ne, %convert_element_type3A_552, %cond3A_553 : i32
      scf.if %cond3A_554 {
        %dma_start3A_555 = arith.constant 1 : i32
        %dma_start3A_556 = arith.constant 240 : i32
        %dma_start3A_557 = tpu.memref_slice %arg8[%dma_start3A_555, %dma_start3A_556] : memref<2x320xi32, #tpu.memory_space<vmem>> -> memref<1x80xi32, #tpu.memory_space<vmem>>
        %dma_start3A_558 = tpu.memref_squeeze %dma_start3A_557 : memref<1x80xi32, #tpu.memory_space<vmem>> -> memref<80xi32, #tpu.memory_space<vmem>>
        %dma_start3A_559 = arith.constant 0 : i32
        %dma_start3A_560 = arith.constant 0 : i32
        %dma_start3A_561 = tpu.memref_slice %arg22[%dma_start3A_559, %dma_start3A_560] : memref<10112x128xf32, #tpu.memory_space<vmem_shared>> -> memref<10112x128xf32, #tpu.memory_space<vmem_shared>>
        tpu.enqueue_indirect_dma source(%arg11 : memref<80x128xf32, #tpu.memory_space<vmem>>) target(%dma_start3A_561 : memref<10112x128xf32, #tpu.memory_space<vmem_shared>>) offsets(%dma_start3A_558 : memref<80xi32, #tpu.memory_space<vmem>>) semaphore(%arg20 : memref<!tpu.dma_semaphore, #tpu.memory_space<semaphore_mem>>) {add = true}
      } else {
      }
    }
    %scan3A_97 = arith.constant 31 : i32
    %dma_wait3A_98 = arith.constant 1 : i32
    %dma_wait3A_99 = arith.constant 0 : i32
    %dma_wait3A_100 = tpu.memref_slice %arg6[%dma_wait3A_98, %dma_wait3A_99] : memref<2x80xi32, #tpu.memory_space<vmem>> -> memref<1x80xi32, #tpu.memory_space<vmem>>
    %dma_wait3A_101 = tpu.memref_squeeze %dma_wait3A_100 : memref<1x80xi32, #tpu.memory_space<vmem>> -> memref<80xi32, #tpu.memory_space<vmem>>
    %dma_wait3A_102 = arith.constant 0 : i32
    %dma_wait3A_103 = arith.constant 0 : i32
    %dma_wait3A_104 = tpu.memref_slice %arg22[%dma_wait3A_102, %dma_wait3A_103] : memref<10112x128xf32, #tpu.memory_space<vmem_shared>> -> memref<10112x128xf32, #tpu.memory_space<vmem_shared>>
    tpu.wait_indirect_dma semaphore(%arg20 : memref<!tpu.dma_semaphore, #tpu.memory_space<semaphore_mem>>) src(%arg11 : memref<80x128xf32, #tpu.memory_space<vmem>>) dst(%dma_wait3A_104 : memref<10112x128xf32, #tpu.memory_space<vmem_shared>>)
    %barrier3A_105 = arith.constant 0 : index
    tpu.barrier barrier_id(%barrier3A_105)
    %mul3A_106 = arith.constant 632 : i32
    %mul3A_107 = arith.muli %arg1, %mul3A_106 : i32
    "tpu.region"() ({
      %run_scoped3A = tpu.sem_alloc : memref<!tpu.dma_semaphore, #tpu.memory_space<semaphore_mem>>
      %dma_start3A_108 = arith.constant 0 : i32
      %dma_start3A_109 = tpu.memref_slice %arg5[%arg0, %mul3A_107, %dma_start3A_108] : memref<2x10112x128xf32, #tpu.memory_space<hbm>> -> memref<1x632x128xf32, #tpu.memory_space<hbm>>
      %dma_start3A_110 = tpu.memref_squeeze %dma_start3A_109 : memref<1x632x128xf32, #tpu.memory_space<hbm>> -> memref<632x128xf32, #tpu.memory_space<hbm>>
      %dma_start3A_111 = arith.constant 0 : i32
      %dma_start3A_112 = tpu.memref_slice %arg22[%mul3A_107, %dma_start3A_111] : memref<10112x128xf32, #tpu.memory_space<vmem_shared>> -> memref<632x128xf32, #tpu.memory_space<vmem_shared>>
      tpu.enqueue_dma source(%dma_start3A_112 : memref<632x128xf32, #tpu.memory_space<vmem_shared>>) target(%dma_start3A_110 : memref<632x128xf32, #tpu.memory_space<hbm>>) target_semaphore(%run_scoped3A : memref<!tpu.dma_semaphore, #tpu.memory_space<semaphore_mem>>)
      %dma_wait3A_113 = arith.constant 0 : i32
      %dma_wait3A_114 = tpu.memref_slice %arg5[%arg0, %mul3A_107, %dma_wait3A_113] : memref<2x10112x128xf32, #tpu.memory_space<hbm>> -> memref<1x632x128xf32, #tpu.memory_space<hbm>>
      %dma_wait3A_115 = tpu.memref_squeeze %dma_wait3A_114 : memref<1x632x128xf32, #tpu.memory_space<hbm>> -> memref<632x128xf32, #tpu.memory_space<hbm>>
      %dma_wait3A_116 = arith.constant 0 : i32
      %dma_wait3A_117 = tpu.memref_slice %arg22[%mul3A_107, %dma_wait3A_116] : memref<10112x128xf32, #tpu.memory_space<vmem_shared>> -> memref<632x128xf32, #tpu.memory_space<vmem_shared>>
      tpu.wait_dma2 semaphore(%run_scoped3A : memref<!tpu.dma_semaphore, #tpu.memory_space<semaphore_mem>>) src(%dma_wait3A_117 : memref<632x128xf32, #tpu.memory_space<vmem_shared>>) dst(%dma_wait3A_115 : memref<632x128xf32, #tpu.memory_space<hbm>>)
      tpu.yield
    }) : () -> ()
    return
  }
}

</mosaic_0001>

<sc_bundles>
// kernel: _sc_edge_phase.3.cloned.1.call-start
scs
__scs_entry_jumppad:
0x0: {  	(pc) =	sbr.rel $0x88, $3  }
0x1: {  	(tag) =	ssettag $0x0;
	lr =	simm.s32 $0x1  }
0x2: {  	[smem:$0x3F9E] =	sst lr;
	_ =	strace $0xD0000000  }
0x3: {  	_ = 	snop  }
0x4: {  	_ = 	snop  }
0x5: {  	_ = 	snop  }
0x6: {  	_ = 	snop  }
0x7: {  	_ = 	snop  }
__scs_overlays_trampoline_lowered:
0x8: {  	[smem:$0x3FAD] =	sst s0  }
0x9: {  	[smem:$0x3FAE] =	sst s1  }
0xa: {  	[smem:$0x3FAF] =	sst s2  }
0xb: {  	[smem:$0x3FB0] =	sst s3  }
0xc: {  	[smem:$0x3FB1] =	sst s4  }
0xd: {  	[smem:$0x3FB2] =	sst s5  }
0xe: {  	[smem:$0x3FB3] =	sst s6  }
0xf: {  	[smem:$0x3FB4] =	sst s7  }
0x10: {  	[smem:$0x3FB5] =	sst s8  }
0x11: {  	[smem:$0x3FB6] =	sst s9;
	s0 =	simm.s32 @!p0 $0x0  }
0x12: {  	s1 =	sld [smem:$0x3F9C];
	s0 =	simm.s32 @p0 $0x1  }
0x13: {  	[smem:$0x3FB7] =	sst s0;
	s0 =	simm.s32 @!p1 $0x0  }
0x14: {  	s2 =	sld [smem:$0x3F9B];
	s0 =	simm.s32 @p1 $0x1  }
0x15: {  	[smem:$0x3FB8] =	sst s0;
	s0 =	simm.s32 @!p2 $0x0  }
0x16: {  	s3 =	sld [smem:$0x3FDB];
	s0 =	simm.s32 @p2 $0x1  }
0x17: {  	s4 =	simm.s32 $0x1BF5;
	[smem:$0x3FBA] =	sst s0  }
0x18: {  	s0 =	sld [smem:$0x3F9D];
	_ =	swait.ge [sflag:s4], $0x0  }
0x19: {  	s7 =	sld [smem:$0x3F9E]  }
0x1a: {  	s8 =	sadd.s32 $0xFFFFE003, lr  }
0x1b: {  	s9 =	sadd.s32 $0xFFFFFEF7, lr;
	s5 =	simm.s32 $0xFFFFFFFF;
	p2 =	slt.u32 s8, $0xFFFFF086  }
0x1c: {  	p1 =	slt.u32 s9, $0xF7A;
	s5 =	simm.s32 @!p2 $0x0  }
0x1d: {  	s5 =	simm.s32 @p1 $0x1;
	p0 =	seq.s32 s7, s2  }
0x1e: {  	s7 =	smul.u32 @!p0 $0xF7A, s2;
	p2 =	seq.s32 @!p0 s5, $0x0  }
0x1f: {  	s9 =	smul.u32 $0xF7A, s1;
	s8 =	simm.s32 @!p0 $0x1BF5;
	p2 =	por !p2, p0  }
0x20: {  	[sflag:s8] =	ssyncset.s32 @!p0 $0xFFFFF086;
	s6 =	sadd.s32 @!p0 s3, s7;
	s7 =	simm.s32 @!p0 $0x108  }
0x21: {  	s3 =	sadd.s32 s3, s9;
	s6 =	sadd.s32 @!p0 $0x88, s6;
	s7 =	simm.s32 @p2 $0x1082  }
0x22: {  	[simem:s7], [sflag:s8] =	dma.local @!p0 [hbm:s6], $0xF7A  }
0x23: {  	s9 =	sor.u32 $0xD0000000, s2;
	s6 =	simm.s32 $0x108;
	_ =	swait.ge @!p0 [sflag:s8], $0x0  }
0x24: {  	s3 =	sadd.s32 $0x88, s3;
	s6 =	simm.s32 @!p1 $0x1082;
	[sflag:s4] =	ssyncset.s32 $0xFFFFF086  }
0x25: {  	[simem:s6], [sflag:s4] =	dma.local [hbm:s3], $0xF7A  }
0x26: {  	[smem:$0x3F9E] =	sst s1;
	(tag) =	ssettag s2;
	_ =	strace s9  }
0x27: {  	s1 =	sld [smem:$0x3FAE]  }
0x28: {  	s2 =	sld [smem:$0x3FAF]  }
0x29: {  	s4 =	sld [smem:$0x3FB1]  }
0x2a: {  	p0 =	seq.s32 s5, $0x0;
	s5 =	sld [smem:$0x3FB2]  }
0x2b: {  	s6 =	sld [smem:$0x3FB3]  }
0x2c: {  	s7 =	sld [smem:$0x3FB4]  }
0x2d: {  	s3 =	simm.s32 $0x108;
	s8 =	sld [smem:$0x3FB5]  }
0x2e: {  	s3 =	simm.s32 @!p0 $0x1082;
	s9 =	sld [smem:$0x3FB6]  }
0x2f: {  	lr =	sadd.s32 s0, s3;
	s0 =	sld [smem:$0x3FAD]  }
0x30: {  	s3 =	sld [smem:$0x3FB0]  }
0x31: {  	[smem:$0x3FB9] =	sst s10  }
0x32: {  	s10 =	sld [smem:$0x3FB7];
	_ =	sdelay $0x3  }
0x33: {  	p0 =	seq.s32 s10, $0x1;
	s10 =	sld [smem:$0x3FB9];
	_ =	sdelay $0x3  }
0x34: {  	[smem:$0x3FB9] =	sst s10  }
0x35: {  	s10 =	sld [smem:$0x3FB8];
	_ =	sdelay $0x3  }
0x36: {  	p1 =	seq.s32 s10, $0x1;
	s10 =	sld [smem:$0x3FB9];
	_ =	sdelay $0x3  }
0x37: {  	[smem:$0x3FB9] =	sst s10  }
0x38: {  	s10 =	sld [smem:$0x3FBA]  }
0x39: {  	_ = 	snop;
	(pc) =	sbr.ind lr, $3  }
0x3a: {  	_ = 	snop  }
0x3b: {  	_ = 	snop  }
0x3c: {  	p2 =	seq.s32 s10, $0x1;
	s10 =	sld [smem:$0x3FB9]  }
0x3d: {  	_ =	shalt  }
0x3e: {  	_ =	shalt  }
0x3f: {  	_ =	shalt  }
0x40: {  	_ =	shalt  }
0x41: {  	_ =	shalt  }
0x42: {  	_ =	shalt  }
0x43: {  	_ =	shalt  }
0x44: {  	_ =	shalt  }
0x45: {  	_ =	shalt  }
0x46: {  	_ =	shalt  }
0x47: {  	_ =	shalt  }
0x48: {  	_ =	shalt  }
0x49: {  	_ =	shalt  }
0x4a: {  	_ =	shalt  }
0x4b: {  	_ =	shalt  }
0x4c: {  	_ =	shalt  }
0x4d: {  	_ =	shalt  }
0x4e: {  	_ =	shalt  }
0x4f: {  	_ =	shalt  }
0x50: {  	_ =	shalt  }
0x51: {  	_ =	shalt  }
0x52: {  	_ =	shalt  }
0x53: {  	_ =	shalt  }
0x54: {  	_ =	shalt  }
0x55: {  	_ =	shalt  }
0x56: {  	_ =	shalt  }
0x57: {  	_ =	shalt  }
0x58: {  	_ =	shalt  }
0x59: {  	_ =	shalt  }
0x5a: {  	_ =	shalt  }
0x5b: {  	_ =	shalt  }
0x5c: {  	_ =	shalt  }
0x5d: {  	_ =	shalt  }
0x5e: {  	_ =	shalt  }
0x5f: {  	_ =	shalt  }
0x60: {  	_ =	shalt  }
0x61: {  	_ =	shalt  }
0x62: {  	_ =	shalt  }
0x63: {  	_ =	shalt  }
0x64: {  	_ =	shalt  }
0x65: {  	_ =	shalt  }
0x66: {  	_ =	shalt  }
0x67: {  	_ =	shalt  }
0x68: {  	_ =	shalt  }
0x69: {  	_ =	shalt  }
0x6a: {  	_ =	shalt  }
0x6b: {  	_ =	shalt  }
0x6c: {  	_ =	shalt  }
0x6d: {  	_ =	shalt  }
0x6e: {  	_ =	shalt  }
0x6f: {  	_ =	shalt  }
0x70: {  	_ =	shalt  }
0x71: {  	_ =	shalt  }
0x72: {  	_ =	shalt  }
0x73: {  	_ =	shalt  }
0x74: {  	_ =	shalt  }
0x75: {  	_ =	shalt  }
0x76: {  	_ =	shalt  }
0x77: {  	_ =	shalt  }
0x78: {  	_ =	shalt  }
0x79: {  	_ =	shalt  }
0x7a: {  	_ =	shalt  }
0x7b: {  	_ =	shalt  }
0x7c: {  	_ =	shalt  }
0x7d: {  	_ =	shalt  }
0x7e: {  	_ =	shalt  }
0x7f: {  	_ =	shalt  }
0x80: {  	_ =	shalt  }
0x81: {  	_ =	shalt  }
0x82: {  	_ =	shalt  }
0x83: {  	_ =	shalt  }
0x84: {  	_ =	shalt  }
0x85: {  	_ =	shalt  }
0x86: {  	_ =	shalt  }
0x87: {  	_ =	shalt  }
.Lfunc_end0:
.L_simem_size_0:
called_computation_lowered:
.L_overlay_start_0:
0x88: {  	s2 =	sld [smem:$0x3FD9]  }
0x89: {  	s3 =	sld [smem:$0x3FFE];
	_ =	sdelay $0x1  }
0x8a: {  	s1 =	srdreg.scid  }
0x8b: {  	s0 =	sand.u32 $0x1, s1  }
0x8c: {  	s17 =	sshll.u32 s0, $0xA;
	s2 =	sadd.s32 s3, s2  }
0x8d: {  	s2 =	sadd.s32 s2, s17  }
0x8e: {  	[smem:$0x3FC5] =	sst s2  }
0x8f: {  	_ = 	snop  }
0x90: {  	s2 =	sld [smem:$0x3FC8]  }
0x91: {  	s18 =	sld [smem:$0x3FC7]  }
0x92: {  	s4 =	sld [smem:$0x3FD0];
	(tm) =	ssettm $0x1  }
0x93: {  	s5 =	sld [smem:$0x3FFB];
	_ =	sdelay $0x3  }
0x94: {  	_ =	strace s5  }
0x95: {  	s5 =	sld [smem:$0x3FFC];
	_ =	sdelay $0x3  }
0x96: {  	_ =	strace s5  }
0x97: {  	s5 =	sld [smem:$0x3FFD];
	_ =	sdelay $0x3  }
0x98: {  	_ =	strace s5  }
0x99: {  	_ =	strace $0x8FFFFFFF  }
0x9a: {  	s19 =	sld [smem:$0x3FDB];
	_ =	sdelay $0x1  }
0x9b: {  	s6 =	simm.s32 $_scs_section_size  }
0x9c: {  	s7 =	simm.s32 $_size__tile_overlayer_lowered;
	s8 =	simm.s32 $_tile_overlayer_lowered  }
0x9d: {  	s22 =	simm.s32 $0x1BFF;
	s21 =	sshll.u32 s8, $0x1;
	s5 =	sadd.s32 s6, s19  }
0x9e: {  	s9 =	simm.s32 $0x0;
	s20 =	sshll.u32 s7, $0x1;
	s7 =	sadd.s32 s21, s5  }
0x9f: {  	[timem:s9], [sflag:s22] =	dma.local [hbm:s7], s20  }
0xa0: {  	_ =	swait.ge [sflag:s22], s20  }
0xa1: {  	s6 =	ssub.s32 $0x0, s20;
	[sflag:s22] =	ssyncset.done $0x0  }
0xa2: {  	[sflag:s22] =	ssyncadd.s32 s6;
	_ =	sdelay $0x1  }
0xa3: {  	s23 =	simm.s32 $0x1B8B  }
0xa4: {  	_ =	swait.ge [sflag:s23], $0x1  }
0xa5: {  	[sflag:s23] =	ssyncset.done $0x0  }
0xa6: {  	s25 =	simm.s32 $0x1B8E;
	s24 =	sld [smem:$0x3FFE];
	[sflag:s23] =	ssyncadd.s32 $0xFFFFFFFF  }
0xa7: {  	s26 =	simm.s32 $execute0_lowered;
	[smem:$0x3FD2] =	sst s25  }
0xa8: {  	s7 =	sshll.u32 s26, $0x1;
	_ =	strace $0x80000046;
	[dreg:$0x1] =	wrdreg $0xFFFFFFFF  }
0xa9: {  	s28 =	simm.s32 $_size_execute0_lowered;
	s5 =	sadd.s32 s5, s7;
	[dreg:$0x0] =	wrdreg $0x0  }
0xaa: {  	s7 =	sshll.u32 s28, $0x1;
	[dreg:$0x2] =	wrdreg s5  }
0xab: {  	[dreg:$0x3] =	wrdreg s7  }
0xac: {  	[dreg:$0x4] =	wrdreg $0xC0  }
0xad: {  	_ =	task [dreg:s9], $0x5FFFF  }
0xae: {  	[dreg:$0x1] =	wrdreg $0xFFFFFFFF  }
0xaf: {  	[dreg:$0x0] =	wrdreg $0x60  }
0xb0: {  	[dreg:$0x2] =	wrdreg s24  }
0xb1: {  	[dreg:$0x3] =	wrdreg s2  }
0xb2: {  	[dreg:$0x4] =	wrdreg s18  }
0xb3: {  	[dreg:$0x5] =	wrdreg s4  }
0xb4: {  	[dreg:$0x6] =	wrdreg $0xA5A00  }
0xb5: {  	[dreg:$0x7] =	wrdreg $0x9  }
0xb6: {  	_ =	task.clear_ibuf [dreg:s9], $0x8FFFF;
	_ =	strace $0x90000046  }
0xb7: {  	s29 =	simm.s32 $0x9;
	_ =	strace $0x80000048  }
0xb8: {  	_ =	swait.ge [sflag:s29], $0x1  }
0xb9: {  	[sflag:s29] =	ssyncadd.s32 $0xFFFFFFFF  }
0xba: {  	_ =	strace $0x90000048  }
0xbb: {  	_ =	sfence  }
0xbc: {  	s30 =	sld [smem:$0x0];
	_ =	sdelay $0x2  }
0xbd: {  	s31 =	sshll.u32 s1, $0xD;
	s1 =	sshrl.u32 s1, $0x2  }
0xbe: {  	s3 =	sand.u32 $0x4000, s31;
	s1 =	sadd.s32 s1, s30  }
0xbf: {  	s0 =	sor.u32 s3, s0;
	s1 =	sshll.u32 s1, $0x11  }
0xc0: {  	s0 =	sor.u32 s1, s0  }
0xc1: {  	s0 =	sadd.s32 $0x8F2B, s0  }
0xc2: {  	[sflag:s0] =	ssyncadd.remote.s32 $0x1  }
0xc3: {  	_ =	sfence.sel $0xFFFF  }
0xc4: {  	[dreg:$0x0] =	wrdreg $0xFFFFFFFF;
	(pc) =	sbr.abs _section_cstart, $3  }
0xc5: {  	[dreg:$0x1] =	wrdreg $0xFFFFFFFF  }
0xc6: {  	_ =	task.clear_ibuf [dreg:s9], $0x2FFFF;
	_ =	strace $0x9FFFFFFF  }
0xc7: {  	(tm) =	ssettm $0x7FFFFFFF  }
tec
execute0_lowered:
.L_overlay_start_1:
0x0: {  	(tag) =	ssettag $0x1  }
0x1: {  	s0 =	rddreg [dreg:$0x0]  }
0x2: {  	s1 =	rddreg [dreg:$0x1]  }
0x3: {  	s2 =	rddreg [dreg:$0x2]  }
0x4: {  	s4 =	rddreg [dreg:$0x3]  }
0x5: {  	s3 =	rddreg [dreg:$0x4]  }
0x6: {  	s5 =	simm.s32 $0x0;
	s6 =	srdreg.scid;
	s11 =	stileid.u32  }
0x7: {  	s28 =	simm.s32 $0x50;
	s30 =	simm.s32 $0x5A0;
	s29 =	simm.s32 $0x4  }
0x8: {  	s31 =	simm.s32 $0x6;
	[smem:$0x7FF] =	sst s5;
	s9 =	smul.u32 $0x4F000, s11  }
0x9: {  	s8 =	sand.u32 $0x1, s6;
	s6 =	sadd.s32 $0x400, s0;
	_ =	strace $0x80000047  }
0xa: {  	s7 =	ssub.s32 $0x2, s8;
	s10 =	sshll.u32 s8, $0x4;
	s9 =	sshrl.u32 s9, $0x2  }
0xb: {  	s8 =	smul.u32 $0x13C000, s8;
	s18 =	sshrl.u32 s7, $0x1;
	s9 =	sadd.s32 s9, s3  }
0xc: {  	s10 =	sor.u32 s11, s10;
	s11 =	smul.u32 $0x13C00, s11;
	s13 =	sadd.s32 $0x2800, s9  }
0xd: {  	s0 =	ssub.s32 s7, s18;
	s19 =	sadd.s32 $0x5000, s9;
	[dreg:$0x7] =	wrdreg s13  }
0xe: {  	s12 =	smul.u32 $0x2710, s10;
	s20 =	sadd.s32 $0x7800, s9;
	[dreg:$0x8] =	wrdreg s19  }
0xf: {  	s10 =	smul.u32 $0x27100, s10;
	s21 =	sadd.s32 $0xA000, s9;
	[dreg:$0x9] =	wrdreg s20  }
0x10: {  	s7 =	sadd.s32 s11, s3;
	s22 =	sadd.s32 $0xC800, s9;
	[dreg:$0xa] =	wrdreg s21  }
0x11: {  	s23 =	sadd.s32 $0xF000, s9;
	s9 =	sadd.s32 $0x11800, s9;
	[dreg:$0xb] =	wrdreg s22  }
0x12: {  	s8 =	sadd.s32 s11, s8;
	s0 =	smax.u32 s0, $0x1;
	[dreg:$0xc] =	wrdreg s23  }
0x13: {  	s11 =	simm.s32 $0x9;
	[dreg:$0xd] =	wrdreg s9;
	s24 =	sshrl.u32 s12, $0x3  }
0x14: {  	s25 =	sadd.s32 $0x50, s12;
	s10 =	sadd.s32 s2, s10;
	s19 =	sadd.s32 $0xA0, s12  }
0x15: {  	s20 =	sadd.s32 $0xF0, s12;
	s21 =	sadd.s32 $0x190, s12;
	s22 =	sadd.s32 $0x140, s12  }
0x16: {  	s8 =	sshrl.u32 s8, $0x3;
	[dreg:$0x13] =	wrdreg s0;
	s12 =	simm.s32 $0x190  }
0x17: {  	[dreg:$0x6] =	wrdreg s7;
	s9 =	sadd.s32 s6, s24;
	s26 =	sshrl.u32 s25, $0x3  }
0x18: {  	[dreg:$0x10] =	wrdreg s10;
	s4 =	sadd.s32 s4, s8;
	s8 =	simm.s32 $0x8  }
0x19: {  	s10 =	simm.s32 $0x7;
	[dreg:$0xe] =	wrdreg s9;
	s9 =	sshll.u32 s25, $0x4  }
0x1a: {  	s13 =	sadd.s32 s6, s26;
	[dreg:$0x12] =	wrdreg s4;
	s25 =	simm.s32 $0x55A0  }
0x1b: {  	s26 =	simm.s32 $0xA;
	[dreg:$0xf] =	wrdreg s13;
	s9 =	sadd.s32 s2, s9  }
0x1c: {  	v0 =	vimm.f32 $0.0e+00;
	s13 =	simm.s32 $0x0;
	[dreg:$0x11] =	wrdreg s9;
	s9 =	simm.s32 $0x5  }
.LBB2_1:
0x1d: {  	s0 =	simm.s32 $0x56A0  }
0x1e: {  	[tilespmem:s0+$0xFFFFFF00] =	vst v0  }
0x1f: {  	[tilespmem:s0+$0xF0] =	vst v0  }
0x20: {  	[tilespmem:s0+$0xE0] =	vst v0  }
0x21: {  	[tilespmem:s0+$0xD0] =	vst v0  }
0x22: {  	[tilespmem:s0+$0xC0] =	vst v0  }
0x23: {  	[tilespmem:s0+$0xB0] =	vst v0  }
0x24: {  	[tilespmem:s0+$0xA0] =	vst v0  }
0x25: {  	[tilespmem:s0+$0x90] =	vst v0  }
0x26: {  	[tilespmem:s0+$0x80] =	vst v0  }
0x27: {  	[tilespmem:s0+$0x70] =	vst v0  }
0x28: {  	[tilespmem:s0+$0x60] =	vst v0  }
0x29: {  	[tilespmem:s0+$0x50] =	vst v0  }
0x2a: {  	[tilespmem:s0+$0x40] =	vst v0  }
0x2b: {  	[tilespmem:s0+$0x30] =	vst v0  }
0x2c: {  	[tilespmem:s0+$0x20] =	vst v0  }
0x2d: {  	[tilespmem:s0+$0x10] =	vst v0  }
0x2e: {  	[tilespmem:s0+$0x0] =	vst v0  }
0x2f: {  	[tilespmem:s0+$0xFFFFFFF0] =	vst v0  }
0x30: {  	[tilespmem:s0+$0xFFFFFFE0] =	vst v0  }
0x31: {  	[tilespmem:s0+$0xFFFFFFD0] =	vst v0  }
0x32: {  	[tilespmem:s0+$0xFFFFFFC0] =	vst v0  }
0x33: {  	[tilespmem:s0+$0xFFFFFFB0] =	vst v0  }
0x34: {  	[tilespmem:s0+$0xFFFFFFA0] =	vst v0  }
0x35: {  	[tilespmem:s0+$0xFFFFFF90] =	vst v0  }
0x36: {  	[tilespmem:s0+$0xFFFFFF80] =	vst v0  }
0x37: {  	[tilespmem:s0+$0xFFFFFF70] =	vst v0  }
0x38: {  	[tilespmem:s0+$0xFFFFFF60] =	vst v0  }
0x39: {  	[tilespmem:s0+$0xFFFFFF50] =	vst v0  }
0x3a: {  	[tilespmem:s0+$0xFFFFFF40] =	vst v0  }
0x3b: {  	[tilespmem:s0+$0xFFFFFF30] =	vst v0  }
0x3c: {  	s4 =	simm.s32 $0x0;
	[tilespmem:s0+$0xFFFFFF20] =	vst v0  }
.LBB2_2:
0x3d: {  	s4 =	sadd.s32 $0x4, s4;
	[tilespmem:s0+$0xFFFFFF10] =	vst v0;
	s0 =	sadd.s32 $0x200, s0  }
0x3e: {  	[tilespmem:s0+$0xFFFFFF00] =	vst v0;
	p0 =	slt.u32 s4, $0x4C  }
0x3f: {  	[tilespmem:s0+$0xF0] =	vst v0  }
0x40: {  	[tilespmem:s0+$0xE0] =	vst v0  }
0x41: {  	[tilespmem:s0+$0xD0] =	vst v0  }
0x42: {  	[tilespmem:s0+$0xC0] =	vst v0  }
0x43: {  	[tilespmem:s0+$0xB0] =	vst v0  }
0x44: {  	[tilespmem:s0+$0xA0] =	vst v0  }
0x45: {  	[tilespmem:s0+$0x90] =	vst v0  }
0x46: {  	[tilespmem:s0+$0x80] =	vst v0  }
0x47: {  	[tilespmem:s0+$0x70] =	vst v0  }
0x48: {  	[tilespmem:s0+$0x60] =	vst v0  }
0x49: {  	[tilespmem:s0+$0x50] =	vst v0  }
0x4a: {  	[tilespmem:s0+$0x40] =	vst v0  }
0x4b: {  	[tilespmem:s0+$0x30] =	vst v0  }
0x4c: {  	[tilespmem:s0+$0x20] =	vst v0  }
0x4d: {  	[tilespmem:s0+$0x10] =	vst v0  }
0x4e: {  	[tilespmem:s0+$0x0] =	vst v0  }
0x4f: {  	[tilespmem:s0+$0xFFFFFFF0] =	vst v0  }
0x50: {  	[tilespmem:s0+$0xFFFFFFE0] =	vst v0  }
0x51: {  	[tilespmem:s0+$0xFFFFFFD0] =	vst v0  }
0x52: {  	[tilespmem:s0+$0xFFFFFFC0] =	vst v0  }
0x53: {  	[tilespmem:s0+$0xFFFFFFB0] =	vst v0  }
0x54: {  	[tilespmem:s0+$0xFFFFFFA0] =	vst v0  }
0x55: {  	[tilespmem:s0+$0xFFFFFF90] =	vst v0  }
0x56: {  	[tilespmem:s0+$0xFFFFFF80] =	vst v0  }
0x57: {  	[tilespmem:s0+$0xFFFFFF70] =	vst v0  }
.Ltmp0:
0x58: {  	[tilespmem:s0+$0xFFFFFF60] =	vst v0;
	(pc) =	sbr.rel @p0 .LBB2_2-.Ltmp0, $4  }
0x59: {  	[tilespmem:s0+$0xFFFFFF50] =	vst v0  }
0x5a: {  	[tilespmem:s0+$0xFFFFFF40] =	vst v0  }
0x5b: {  	[tilespmem:s0+$0xFFFFFF30] =	vst v0  }
0x5c: {  	[tilespmem:s0+$0xFFFFFF20] =	vst v0  }
0x5d: {  	[tilespmem:s0+$0xFFFFFF10] =	vst v0  }
0x5e: {  	[spmem:s7] =	stream.linear.scatter [tilespmem:s25], [sflag:$0xA], $0x2800, $0x38;
	[tilespmem:$0x1E1A0] =	vst v63  }
0x5f: {  	_ =	swait.ge [sflag:s26], $0x2800  }
0x60: {  	[sflag:s26] =	ssyncset.done $0x0  }
0x61: {  	s24 =	rddreg [dreg:$0x7];
	[sflag:s26] =	ssyncadd.s32 $0xFFFFD800  }
0x62: {  	[spmem:s24] =	stream.linear.scatter [tilespmem:s25], [sflag:$0xA], $0x2800, $0x38;
	[tilespmem:$0x1E1A0] =	vst v63  }
0x63: {  	_ =	swait.ge [sflag:s26], $0x2800  }
0x64: {  	[sflag:s26] =	ssyncset.done $0x0  }
0x65: {  	s4 =	rddreg [dreg:$0x8];
	[sflag:s26] =	ssyncadd.s32 $0xFFFFD800  }
0x66: {  	[spmem:s4] =	stream.linear.scatter [tilespmem:s25], [sflag:$0xA], $0x2800, $0x38;
	[tilespmem:$0x1E1A0] =	vst v63  }
0x67: {  	_ =	swait.ge [sflag:s26], $0x2800  }
0x68: {  	[sflag:s26] =	ssyncset.done $0x0  }
0x69: {  	s7 =	rddreg [dreg:$0x9];
	[sflag:s26] =	ssyncadd.s32 $0xFFFFD800  }
0x6a: {  	[spmem:s7] =	stream.linear.scatter [tilespmem:s25], [sflag:$0xA], $0x2800, $0x38;
	[tilespmem:$0x1E1A0] =	vst v63  }
0x6b: {  	_ =	swait.ge [sflag:s26], $0x2800  }
0x6c: {  	[sflag:s26] =	ssyncset.done $0x0  }
0x6d: {  	s14 =	rddreg [dreg:$0xa];
	[sflag:s26] =	ssyncadd.s32 $0xFFFFD800  }
0x6e: {  	[spmem:s14] =	stream.linear.scatter [tilespmem:s25], [sflag:$0xA], $0x2800, $0x38;
	[tilespmem:$0x1E1A0] =	vst v63  }
0x6f: {  	_ =	swait.ge [sflag:s26], $0x2800  }
0x70: {  	[sflag:s26] =	ssyncset.done $0x0  }
0x71: {  	s15 =	rddreg [dreg:$0xb];
	[sflag:s26] =	ssyncadd.s32 $0xFFFFD800  }
0x72: {  	[spmem:s15] =	stream.linear.scatter [tilespmem:s25], [sflag:$0xA], $0x2800, $0x38;
	[tilespmem:$0x1E1A0] =	vst v63  }
0x73: {  	_ =	swait.ge [sflag:s26], $0x2800  }
0x74: {  	[sflag:s26] =	ssyncset.done $0x0  }
0x75: {  	s16 =	rddreg [dreg:$0xc];
	[sflag:s26] =	ssyncadd.s32 $0xFFFFD800  }
0x76: {  	[spmem:s16] =	stream.linear.scatter [tilespmem:s25], [sflag:$0xA], $0x2800, $0x38;
	[tilespmem:$0x1E1A0] =	vst v63  }
0x77: {  	_ =	swait.ge [sflag:s26], $0x2800  }
0x78: {  	[sflag:s26] =	ssyncset.done $0x0  }
0x79: {  	s17 =	rddreg [dreg:$0xd];
	[sflag:s26] =	ssyncadd.s32 $0xFFFFD800  }
0x7a: {  	[spmem:s17] =	stream.linear.scatter [tilespmem:s25], [sflag:$0xA], $0x2400, $0x38;
	[tilespmem:$0x1E1A0] =	vst v63  }
0x7b: {  	_ =	swait.ge [sflag:s26], $0x2400  }
0x7c: {  	[sflag:s26] =	ssyncset.done $0x0  }
0x7d: {  	[sflag:s26] =	ssyncadd.s32 $0xFFFFDC00  }
0x7e: {  	[bflag:$0x0] =	sbarrier.arrive $0xFFFF  }
0x7f: {  	s24 =	simm.s32 $0x140;
	s4 =	simm.s32 $0x4E200;
	s18 =	rddreg [dreg:$0xe]  }
0x80: {  	[tilespmem:s5], [sflag:$0x1] =	stream.strided.gather [hbm4b:s18+s28], $0xA0, s4, s28, $0x38;
	[tilespmem:$0x1E1A0] =	vst v63  }
0x81: {  	s14 =	simm.s32 $0xA0;
	s15 =	simm.s32 $0x1;
	s23 =	rddreg [dreg:$0xf]  }
0x82: {  	[tilespmem:s14], [sflag:$0x2] =	stream.strided.gather [hbm4b:s23+s24], $0x280, s4, s24, $0x38;
	[tilespmem:$0x1E1A0] =	vst v63  }
0x83: {  	_ =	swait.ge [sflag:s15], $0xA0  }
0x84: {  	[sflag:s15] =	ssyncset.done $0x0  }
0x85: {  	s16 =	rddreg [dreg:$0x10];
	[sflag:s15] =	ssyncadd.s32 $0xFFFFFF60  }
0x86: {  	[tilespmem:s25], [sflag:$0x4] =	stream.linear.gather [hbm4b:s16+s5], $0x2800, $0x38;
	[tilespmem:$0x1E1A0] =	vst v63  }
0x87: {  	s17 =	simm.s32 $0x2  }
0x88: {  	[tilespmem:s30], [sflag:$0x6] =	stream.indirect.gather [hbm4b:s1+s28], $0x80, s5, s28, $0xb8;
	[tilespmem:$0x1E1A0] =	vst v63  }
0x89: {  	_ =	swait.ge [sflag:s17], $0x280  }
0x8a: {  	[sflag:s17] =	ssyncset.done $0x0  }
0x8b: {  	s18 =	simm.s32 $0x2DA0;
	[sflag:s17] =	ssyncadd.s32 $0xFFFFFD80  }
0x8c: {  	[tilespmem:s18], [sflag:$0x7] =	stream.indirect.gather [hbm4b:s1+s28], $0x80, s14, s28, $0xb8;
	[tilespmem:$0x1E1A0] =	vst v63  }
0x8d: {  	s24 =	simm.s32 $0x7DA0;
	s23 =	rddreg [dreg:$0x11]  }
0x8e: {  	[tilespmem:s24], [sflag:$0x5] =	stream.linear.gather [hbm4b:s23+s5], $0x2800, $0x38;
	[tilespmem:$0x1E1A0] =	vst v63  }
0x8f: {  	_ =	swait.ge [sflag:s29], $0x2800  }
0x90: {  	[sflag:s29] =	ssyncset.done $0x0  }
0x91: {  	[sflag:s29] =	ssyncadd.s32 $0xFFFFD800  }
0x92: {  	_ =	swait.ge [sflag:s31], $0x2800  }
0x93: {  	[sflag:s31] =	ssyncset.done $0x0  }
0x94: {  	s14 =	simm.s32 $0x56A0;
	[sflag:s31] =	ssyncadd.s32 $0xFFFFD800  }
0x95: {  	s15 =	simm.s32 $0x6A0;
	v1 =	vld [tilespmem:s14+$0x80]  }
0x96: {  	v2 =	vld [tilespmem:s15+$0x80]  }
0x97: {  	v3 =	vld [tilespmem:s15+$0xFFFFFF00]  }
0x98: {  	v4 =	vld [tilespmem:s14+$0xFFFFFF80]  }
0x99: {  	v5 =	vld [tilespmem:s15+$0xFFFFFF80]  }
0x9a: {  	v6 =	vld [tilespmem:s15+$0x0]  }
0x9b: {  	v1 =	vadd.f32 v2, v1;
	v2 =	vld [tilespmem:s14+$0x0]  }
0x9c: {  	v7 =	vld [tilespmem:s14+$0xFFFFFF00]  }
0x9d: {  	v1 =	vmax.f32 v1, $0.0e+00  }
0x9e: {  	v4 =	vadd.f32 v5, v4;
	[tilespmem:s14+$0x80] =	vst v1;
	v1 =	vld [tilespmem:s14+$0x90]  }
0x9f: {  	v8 =	vld [tilespmem:s15+$0x90]  }
0xa0: {  	v9 =	vld [tilespmem:s14+$0xFFFFFF90];
	v4 =	vmax.f32 v4, $0.0e+00;
	v2 =	vadd.f32 v6, v2  }
0xa1: {  	v5 =	vld [tilespmem:s14+$0xFFFFFF10];
	v3 =	vadd.f32 v3, v7;
	[tilespmem:s14+$0xFFFFFF80] =	vst v4  }
0xa2: {  	v6 =	vld [tilespmem:s15+$0xFFFFFF90];
	v2 =	vmax.f32 v2, $0.0e+00  }
0xa3: {  	v3 =	vmax.f32 v3, $0.0e+00;
	v4 =	vld [tilespmem:s14+$0x10];
	[tilespmem:s14+$0x0] =	vst v2  }
0xa4: {  	[tilespmem:s14+$0xFFFFFF00] =	vst v3;
	v1 =	vadd.f32 v8, v1;
	v2 =	vld [tilespmem:s15+$0x10]  }
0xa5: {  	v3 =	vld [tilespmem:s15+$0xFFFFFF10]  }
0xa6: {  	v1 =	vmax.f32 v1, $0.0e+00  }
0xa7: {  	v6 =	vadd.f32 v6, v9;
	[tilespmem:s14+$0x90] =	vst v1;
	v1 =	vld [tilespmem:s14+$0xA0]  }
0xa8: {  	v8 =	vld [tilespmem:s15+$0xA0]  }
0xa9: {  	v7 =	vld [tilespmem:s14+$0xFFFFFF20];
	v6 =	vmax.f32 v6, $0.0e+00;
	v2 =	vadd.f32 v2, v4  }
0xaa: {  	v3 =	vadd.f32 v3, v5;
	v9 =	vld [tilespmem:s14+$0xFFFFFFA0];
	[tilespmem:s14+$0xFFFFFF90] =	vst v6  }
0xab: {  	v5 =	vld [tilespmem:s15+$0xFFFFFFA0];
	v2 =	vmax.f32 v2, $0.0e+00  }
0xac: {  	v3 =	vmax.f32 v3, $0.0e+00;
	v4 =	vld [tilespmem:s14+$0x20];
	[tilespmem:s14+$0x10] =	vst v2  }
0xad: {  	[tilespmem:s14+$0xFFFFFF10] =	vst v3;
	v1 =	vadd.f32 v8, v1;
	v2 =	vld [tilespmem:s15+$0x20]  }
0xae: {  	v3 =	vld [tilespmem:s15+$0xFFFFFF20]  }
0xaf: {  	v1 =	vmax.f32 v1, $0.0e+00  }
0xb0: {  	v5 =	vadd.f32 v5, v9;
	[tilespmem:s14+$0xA0] =	vst v1;
	v1 =	vld [tilespmem:s14+$0xB0]  }
0xb1: {  	v8 =	vld [tilespmem:s15+$0xB0]  }
0xb2: {  	v10 =	vld [tilespmem:s14+$0x30];
	v5 =	vmax.f32 v5, $0.0e+00;
	v2 =	vadd.f32 v2, v4  }
0xb3: {  	v3 =	vadd.f32 v3, v7;
	v9 =	vld [tilespmem:s14+$0xFFFFFFB0];
	[tilespmem:s14+$0xFFFFFFA0] =	vst v5  }
0xb4: {  	v4 =	vld [tilespmem:s15+$0xFFFFFFB0];
	v2 =	vmax.f32 v2, $0.0e+00  }
0xb5: {  	v6 =	vld [tilespmem:s14+$0xFFFFFF30];
	[tilespmem:s14+$0x20] =	vst v2;
	v2 =	vmax.f32 v3, $0.0e+00  }
0xb6: {  	v1 =	vadd.f32 v8, v1;
	[tilespmem:s14+$0xFFFFFF20] =	vst v2;
	v2 =	vld [tilespmem:s15+$0x30]  }
0xb7: {  	v7 =	vld [tilespmem:s15+$0xFFFFFF30]  }
0xb8: {  	v11 =	vld [tilespmem:s14+$0xFFFFFF40];
	v1 =	vmax.f32 v1, $0.0e+00  }
0xb9: {  	v4 =	vadd.f32 v4, v9;
	[tilespmem:s14+$0xB0] =	vst v1;
	v1 =	vld [tilespmem:s14+$0xC0]  }
0xba: {  	v8 =	vld [tilespmem:s15+$0xC0]  }
0xbb: {  	v12 =	vld [tilespmem:s14+$0xFFFFFFD0];
	v4 =	vmax.f32 v4, $0.0e+00;
	v2 =	vadd.f32 v2, v10  }
0xbc: {  	v5 =	vld [tilespmem:s14+$0xFFFFFFC0];
	[tilespmem:s14+$0xFFFFFFB0] =	vst v4;
	v6 =	vadd.f32 v7, v6  }
0xbd: {  	v7 =	vld [tilespmem:s15+$0xFFFFFFC0];
	v2 =	vmax.f32 v2, $0.0e+00  }
0xbe: {  	v3 =	vld [tilespmem:s14+$0x40];
	[tilespmem:s14+$0x30] =	vst v2;
	v2 =	vmax.f32 v6, $0.0e+00  }
0xbf: {  	v1 =	vadd.f32 v8, v1;
	v6 =	vld [tilespmem:s15+$0x40];
	[tilespmem:s14+$0xFFFFFF30] =	vst v2  }
0xc0: {  	v2 =	vld [tilespmem:s15+$0xFFFFFF40]  }
0xc1: {  	v9 =	vld [tilespmem:s14+$0xFFFFFF50];
	v1 =	vmax.f32 v1, $0.0e+00  }
0xc2: {  	[tilespmem:s14+$0xC0] =	vst v1;
	v1 =	vadd.f32 v7, v5;
	v7 =	vld [tilespmem:s14+$0xD0]  }
0xc3: {  	v8 =	vld [tilespmem:s15+$0xD0]  }
0xc4: {  	v4 =	vld [tilespmem:s14+$0xFFFFFF60];
	v1 =	vmax.f32 v1, $0.0e+00;
	v3 =	vadd.f32 v6, v3  }
0xc5: {  	v10 =	vld [tilespmem:s14+$0x50];
	[tilespmem:s14+$0xFFFFFFC0] =	vst v1;
	v1 =	vadd.f32 v2, v11  }
0xc6: {  	v2 =	vld [tilespmem:s15+$0xFFFFFFD0];
	v3 =	vmax.f32 v3, $0.0e+00  }
0xc7: {  	v5 =	vld [tilespmem:s14+$0xFFFFFFE0];
	[tilespmem:s14+$0x40] =	vst v3;
	v1 =	vmax.f32 v1, $0.0e+00  }
0xc8: {  	v3 =	vld [tilespmem:s15+$0x50];
	v7 =	vadd.f32 v8, v7;
	[tilespmem:s14+$0xFFFFFF40] =	vst v1  }
0xc9: {  	v1 =	vld [tilespmem:s15+$0xFFFFFF50]  }
0xca: {  	v6 =	vld [tilespmem:s14+$0x60];
	v7 =	vmax.f32 v7, $0.0e+00  }
0xcb: {  	v2 =	vadd.f32 v2, v12;
	[tilespmem:s14+$0xD0] =	vst v7;
	v7 =	vld [tilespmem:s14+$0xE0]  }
0xcc: {  	v11 =	vld [tilespmem:s15+$0xE0]  }
0xcd: {  	v2 =	vmax.f32 v2, $0.0e+00;
	v8 =	vadd.f32 v3, v10;
	v3 =	vld [tilespmem:s14+$0xFFFFFF70]  }
0xce: {  	[tilespmem:s14+$0xFFFFFFD0] =	vst v2;
	v1 =	vadd.f32 v1, v9;
	v2 =	vld [tilespmem:s14+$0xFFFFFFF0]  }
0xcf: {  	v9 =	vmax.f32 v8, $0.0e+00;
	v8 =	vld [tilespmem:s15+$0xFFFFFFE0]  }
0xd0: {  	[tilespmem:s14+$0x50] =	vst v9;
	v9 =	vmax.f32 v1, $0.0e+00;
	v1 =	vld [tilespmem:s14+$0x70]  }
0xd1: {  	[tilespmem:s14+$0xFFFFFF50] =	vst v9;
	v9 =	vld [tilespmem:s15+$0x60];
	v7 =	vadd.f32 v11, v7  }
0xd2: {  	v10 =	vld [tilespmem:s15+$0xFFFFFF60]  }
0xd3: {  	s0 =	simm.s32 $0x6A0;
	s16 =	simm.s32 $0x0;
	s17 =	simm.s32 $0x58A0;
	v11 =	vmax.f32 v7, $0.0e+00;
	v7 =	vld [tilespmem:s14+$0xF0]  }
.LBB2_4:
0xd4: {  	v12 =	vld [tilespmem:s17+$0x80];
	v5 =	vadd.f32 v8, v5;
	[tilespmem:s14+$0xE0] =	vst v11  }
0xd5: {  	s0 =	sadd.s32 $0x200, s0;
	v8 =	vld [tilespmem:s15+$0xF0]  }
0xd6: {  	s16 =	sadd.s32 $0x4, s16;
	v11 =	vld [tilespmem:s0+$0x80];
	v5 =	vmax.f32 v5, $0.0e+00;
	v6 =	vadd.f32 v9, v6  }
0xd7: {  	p0 =	slt.u32 s16, $0x4C;
	v9 =	vld [tilespmem:s0+$0xFFFFFF00];
	v4 =	vadd.f32 v10, v4;
	[tilespmem:s14+$0xFFFFFFE0] =	vst v5  }
0xd8: {  	v5 =	vld [tilespmem:s17+$0xFFFFFF80];
	v6 =	vmax.f32 v6, $0.0e+00  }
0xd9: {  	v10 =	vld [tilespmem:s0+$0xFFFFFF80];
	v4 =	vmax.f32 v4, $0.0e+00;
	[tilespmem:s14+$0x60] =	vst v6  }
0xda: {  	v6 =	vld [tilespmem:s17+$0x0];
	[tilespmem:s14+$0xFFFFFF60] =	vst v4;
	v4 =	vadd.f32 v8, v7  }
0xdb: {  	v7 =	vld [tilespmem:s0+$0x0];
	v8 =	vadd.f32 v11, v12  }
0xdc: {  	v11 =	vld [tilespmem:s17+$0xFFFFFF00];
	v4 =	vmax.f32 v4, $0.0e+00  }
0xdd: {  	v12 =	vld [tilespmem:s17+$0xFFFFFF10];
	v8 =	vmax.f32 v8, $0.0e+00;
	[tilespmem:s14+$0xF0] =	vst v4  }
0xde: {  	v4 =	vadd.f32 v10, v5;
	[tilespmem:s17+$0x80] =	vst v8;
	v5 =	vld [tilespmem:s17+$0x90]  }
0xdf: {  	v8 =	vld [tilespmem:s0+$0x90]  }
0xe0: {  	v4 =	vmax.f32 v4, $0.0e+00;
	v10 =	vld [tilespmem:s17+$0xFFFFFF90];
	v6 =	vadd.f32 v7, v6  }
0xe1: {  	v7 =	vadd.f32 v9, v11;
	[tilespmem:s17+$0xFFFFFF80] =	vst v4;
	v4 =	vld [tilespmem:s17+$0x10]  }
0xe2: {  	v9 =	vld [tilespmem:s0+$0xFFFFFF90];
	v6 =	vmax.f32 v6, $0.0e+00  }
0xe3: {  	v7 =	vmax.f32 v7, $0.0e+00;
	v11 =	vld [tilespmem:s17+$0xFFFFFF20];
	[tilespmem:s17+$0x0] =	vst v6  }
0xe4: {  	[tilespmem:s17+$0xFFFFFF00] =	vst v7;
	v6 =	vld [tilespmem:s0+$0x10];
	v5 =	vadd.f32 v8, v5  }
0xe5: {  	v7 =	vld [tilespmem:s0+$0xFFFFFF10]  }
0xe6: {  	v8 =	vld [tilespmem:s17+$0xFFFFFFA0];
	v5 =	vmax.f32 v5, $0.0e+00  }
0xe7: {  	v9 =	vadd.f32 v9, v10;
	[tilespmem:s17+$0x90] =	vst v5;
	v5 =	vld [tilespmem:s17+$0xA0]  }
0xe8: {  	v10 =	vld [tilespmem:s0+$0xA0]  }
0xe9: {  	v9 =	vmax.f32 v9, $0.0e+00;
	v4 =	vadd.f32 v6, v4;
	v6 =	vld [tilespmem:s17+$0x20]  }
0xea: {  	v7 =	vadd.f32 v7, v12;
	v12 =	vld [tilespmem:s17+$0xFFFFFF30];
	[tilespmem:s17+$0xFFFFFF90] =	vst v9  }
0xeb: {  	v9 =	vld [tilespmem:s0+$0xFFFFFFA0];
	v4 =	vmax.f32 v4, $0.0e+00  }
0xec: {  	v7 =	vmax.f32 v7, $0.0e+00;
	v13 =	vld [tilespmem:s17+$0xFFFFFFB0];
	[tilespmem:s17+$0x10] =	vst v4  }
0xed: {  	[tilespmem:s17+$0xFFFFFF10] =	vst v7;
	v4 =	vld [tilespmem:s0+$0x20];
	v5 =	vadd.f32 v10, v5  }
0xee: {  	v7 =	vld [tilespmem:s0+$0xFFFFFF20]  }
0xef: {  	v10 =	vld [tilespmem:s17+$0x30];
	v5 =	vmax.f32 v5, $0.0e+00  }
0xf0: {  	v8 =	vadd.f32 v9, v8;
	[tilespmem:s17+$0xA0] =	vst v5;
	v5 =	vld [tilespmem:s17+$0xB0]  }
0xf1: {  	v9 =	vld [tilespmem:s0+$0xB0]  }
0xf2: {  	v14 =	vld [tilespmem:s17+$0xFFFFFF40];
	v8 =	vmax.f32 v8, $0.0e+00;
	v4 =	vadd.f32 v4, v6  }
0xf3: {  	v6 =	vadd.f32 v7, v11;
	[tilespmem:s17+$0xFFFFFFA0] =	vst v8;
	v7 =	vld [tilespmem:s17+$0xFFFFFFC0]  }
0xf4: {  	v8 =	vld [tilespmem:s0+$0xFFFFFFB0];
	v4 =	vmax.f32 v4, $0.0e+00  }
0xf5: {  	v6 =	vmax.f32 v6, $0.0e+00;
	[tilespmem:s17+$0x20] =	vst v4;
	v11 =	vld [tilespmem:s17+$0x40]  }
0xf6: {  	[tilespmem:s17+$0xFFFFFF20] =	vst v6;
	v4 =	vld [tilespmem:s0+$0x30];
	v5 =	vadd.f32 v9, v5  }
0xf7: {  	v6 =	vld [tilespmem:s0+$0xFFFFFF30]  }
0xf8: {  	v9 =	vld [tilespmem:s17+$0xFFFFFF50];
	v5 =	vmax.f32 v5, $0.0e+00  }
0xf9: {  	v8 =	vadd.f32 v8, v13;
	[tilespmem:s17+$0xB0] =	vst v5;
	v5 =	vld [tilespmem:s17+$0xC0]  }
0xfa: {  	v13 =	vld [tilespmem:s0+$0xC0]  }
0xfb: {  	v8 =	vmax.f32 v8, $0.0e+00;
	v15 =	vld [tilespmem:s17+$0xFFFFFFD0];
	v4 =	vadd.f32 v4, v10  }
0xfc: {  	v6 =	vadd.f32 v6, v12;
	[tilespmem:s17+$0xFFFFFFB0] =	vst v8;
	v8 =	vld [tilespmem:s17+$0x50]  }
0xfd: {  	v10 =	vld [tilespmem:s0+$0xFFFFFFC0];
	v12 =	vmax.f32 v4, $0.0e+00  }
0xfe: {  	v6 =	vmax.f32 v6, $0.0e+00;
	v4 =	vld [tilespmem:s17+$0xFFFFFF60];
	[tilespmem:s17+$0x30] =	vst v12  }
0xff: {  	[tilespmem:s17+$0xFFFFFF30] =	vst v6;
	v6 =	vld [tilespmem:s0+$0x40];
	v12 =	vadd.f32 v13, v5  }
0x100: {  	v13 =	vld [tilespmem:s0+$0xFFFFFF40]  }
0x101: {  	v5 =	vld [tilespmem:s17+$0xFFFFFFE0];
	v12 =	vmax.f32 v12, $0.0e+00  }
0x102: {  	v7 =	vadd.f32 v10, v7;
	[tilespmem:s17+$0xC0] =	vst v12;
	v10 =	vld [tilespmem:s17+$0xD0]  }
0x103: {  	v12 =	vld [tilespmem:s0+$0xD0]  }
0x104: {  	v7 =	vmax.f32 v7, $0.0e+00;
	v11 =	vadd.f32 v6, v11;
	v6 =	vld [tilespmem:s17+$0x60]  }
0x105: {  	v13 =	vadd.f32 v13, v14;
	[tilespmem:s17+$0xFFFFFFC0] =	vst v7;
	v7 =	vld [tilespmem:s15+$0xFFFFFF70]  }
0x106: {  	v14 =	vld [tilespmem:s0+$0xFFFFFFD0];
	v11 =	vmax.f32 v11, $0.0e+00  }
0x107: {  	v13 =	vmax.f32 v13, $0.0e+00;
	[tilespmem:s17+$0x40] =	vst v11;
	v11 =	vld [tilespmem:s15+$0xFFFFFFF0]  }
0x108: {  	[tilespmem:s17+$0xFFFFFF40] =	vst v13;
	v13 =	vld [tilespmem:s0+$0x50];
	v10 =	vadd.f32 v12, v10  }
0x109: {  	v12 =	vld [tilespmem:s0+$0xFFFFFF50]  }
0x10a: {  	v10 =	vmax.f32 v10, $0.0e+00;
	v3 =	vadd.f32 v7, v3;
	v7 =	vld [tilespmem:s15+$0x70];
	s15 =	smov.u32 s0  }
0x10b: {  	v14 =	vadd.f32 v14, v15;
	[tilespmem:s17+$0xD0] =	vst v10;
	v10 =	vld [tilespmem:s17+$0xE0]  }
0x10c: {  	v15 =	vld [tilespmem:s0+$0xE0];
	v16 =	vmax.f32 v3, $0.0e+00;
	v11 =	vadd.f32 v11, v2  }
0x10d: {  	v3 =	vld [tilespmem:s17+$0xFFFFFF70];
	v2 =	vmax.f32 v14, $0.0e+00;
	v13 =	vadd.f32 v13, v8;
	[tilespmem:s14+$0xFFFFFF70] =	vst v16  }
0x10e: {  	v9 =	vadd.f32 v12, v9;
	[tilespmem:s17+$0xFFFFFFD0] =	vst v2;
	v2 =	vld [tilespmem:s17+$0xFFFFFFF0];
	v11 =	vmax.f32 v11, $0.0e+00  }
.Ltmp1:
0x10f: {  	v8 =	vld [tilespmem:s0+$0xFFFFFFE0];
	v12 =	vmax.f32 v13, $0.0e+00;
	[tilespmem:s14+$0xFFFFFFF0] =	vst v11;
	v7 =	vadd.f32 v7, v1;
	(pc) =	sbr.rel @p0 .LBB2_4-.Ltmp1, $4  }
0x110: {  	v9 =	vmax.f32 v9, $0.0e+00;
	[tilespmem:s17+$0x50] =	vst v12;
	v1 =	vld [tilespmem:s17+$0x70]  }
0x111: {  	[tilespmem:s17+$0xFFFFFF50] =	vst v9;
	v9 =	vld [tilespmem:s0+$0x60];
	v11 =	vadd.f32 v15, v10;
	v7 =	vmax.f32 v7, $0.0e+00  }
0x112: {  	v10 =	vld [tilespmem:s0+$0xFFFFFF60];
	[tilespmem:s14+$0x70] =	vst v7;
	s14 =	smov.u32 s17  }
0x113: {  	s17 =	sadd.s32 $0x200, s17;
	v11 =	vmax.f32 v11, $0.0e+00;
	v7 =	vld [tilespmem:s14+$0xF0]  }
0x114: {  	_ = 	snop  }
0x115: {  	v5 =	vadd.f32 v8, v5  }
0x116: {  	v6 =	vadd.f32 v9, v6  }
0x117: {  	[tilespmem:s14+$0xE0] =	vst v11;
	v5 =	vmax.f32 v5, $0.0e+00;
	v4 =	vadd.f32 v10, v4  }
0x118: {  	v58 =	vld [tilespmem:s15+$0xF0];
	[tilespmem:s14+$0xFFFFFFE0] =	vst v5;
	v59 =	vmax.f32 v6, $0.0e+00  }
0x119: {  	v61 =	vld [tilespmem:s15+$0xFFFFFFF0];
	v4 =	vmax.f32 v4, $0.0e+00;
	[tilespmem:s14+$0x60] =	vst v59  }
0x11a: {  	[tilespmem:s14+$0xFFFFFF60] =	vst v4;
	v62 =	vld [tilespmem:s15+$0x70]  }
0x11b: {  	v60 =	vld [tilespmem:s15+$0xFFFFFF70];
	_ =	sdelay $0x1  }
0x11c: {  	v7 =	vadd.f32 v58, v7  }
0x11d: {  	v2 =	vadd.f32 v61, v2  }
0x11e: {  	v63 =	vmax.f32 v7, $0.0e+00;
	v1 =	vadd.f32 v62, v1  }
0x11f: {  	[tilespmem:s14+$0xF0] =	vst v63;
	v2 =	vmax.f32 v2, $0.0e+00;
	v3 =	vadd.f32 v60, v3  }
0x120: {  	[tilespmem:s14+$0xFFFFFFF0] =	vst v2;
	v1 =	vmax.f32 v1, $0.0e+00  }
0x121: {  	v3 =	vmax.f32 v3, $0.0e+00;
	[tilespmem:s14+$0x70] =	vst v1  }
0x122: {  	[tilespmem:s14+$0xFFFFFF70] =	vst v3;
	s14 =	simm.s32 $0x0  }
0x123: {  	[spmem:s3] =	stream.indirect.scatter.add.f32 [tilespmem:s25], [sflag:$0x8], $0x80, s28, s28, $0xb8;
	[tilespmem:$0x1E1A0] =	vst v63  }
.LBB2_6:
0x124: {  	_ =	swait.ge [sflag:s8], $0x2800;
	s15 =	sand.u32 $0x1, s14  }
0x125: {  	[sflag:s8] =	ssyncset.done $0x0;
	p0 =	seq.s32 s15, $0x1  }
0x126: {  	[sflag:s8] =	ssyncadd.s32 $0xFFFFD800;
	s0 =	simm.s32 @!p0 $0x50  }
0x127: {  	s4 =	simm.s32 @!p0 $0xF0;
	s16 =	simm.s32 @!p0 $0x5A0;
	s17 =	smul.u32 @!p0 $0x140, s14  }
0x128: {  	[tilespmem:s16], [sflag:$0x6] =	stream.indirect.gather @!p0 [hbm4b:s1+s0], $0x80, s4, s0, $0xb8;
	[tilespmem:$0x1E1A0] =	vst v63  }
0x129: {  	s0 =	sadd.s32 @!p0 s17, s19  }
0x12a: {  	s0 =	sshll.u32 @!p0 s0, $0x4  }
0x12b: {  	s4 =	simm.s32 @!p0 $0x0;
	s0 =	sand.u32 @!p0 $0x1FFFFF00, s0  }
0x12c: {  	s16 =	simm.s32 @!p0 $0x55A0;
	s17 =	simm.s32 @p0 $0x5A0;
	s0 =	sadd.s32 @!p0 s2, s0  }
0x12d: {  	[tilespmem:s16], [sflag:$0x4] =	stream.linear.gather @!p0 [hbm4b:s0+s4], $0x2800, $0x38;
	[tilespmem:$0x1E1A0] =	vst v63  }
0x12e: {  	s0 =	simm.s32 @p0 $0x50;
	s4 =	simm.s32 @p0 $0x370;
	s16 =	smul.u32 @p0 $0x140, s14  }
0x12f: {  	[tilespmem:s17], [sflag:$0x6] =	stream.indirect.gather @p0 [hbm4b:s1+s0], $0x80, s4, s0, $0xb8;
	[tilespmem:$0x1E1A0] =	vst v63  }
0x130: {  	s0 =	sadd.s32 @p0 s16, s19  }
0x131: {  	s0 =	sshll.u32 @p0 s0, $0x4  }
0x132: {  	s0 =	sand.u32 @p0 $0x1FFFFF00, s0  }
0x133: {  	s4 =	simm.s32 @p0 $0x0;
	s17 =	simm.s32 @p0 $0x55A0;
	s0 =	sadd.s32 @p0 s2, s0  }
0x134: {  	[tilespmem:s17], [sflag:$0x4] =	stream.linear.gather @p0 [hbm4b:s0+s4], $0x2800, $0x38;
	[tilespmem:$0x1E1A0] =	vst v63  }
0x135: {  	_ =	swait.ge [sflag:s9], $0x2800  }
0x136: {  	[sflag:s9] =	ssyncset.done $0x0  }
0x137: {  	[sflag:s9] =	ssyncadd.s32 $0xFFFFD800  }
0x138: {  	_ =	swait.ge [sflag:s10], $0x2800  }
0x139: {  	[sflag:s10] =	ssyncset.done $0x0  }
0x13a: {  	s17 =	simm.s32 $0x7EA0;
	[sflag:s10] =	ssyncadd.s32 $0xFFFFD800  }
0x13b: {  	s18 =	simm.s32 $0x2EA0;
	v1 =	vld [tilespmem:s17+$0x80]  }
0x13c: {  	v2 =	vld [tilespmem:s18+$0x80]  }
0x13d: {  	v3 =	vld [tilespmem:s18+$0xFFFFFF00]  }
0x13e: {  	v4 =	vld [tilespmem:s17+$0xFFFFFF80]  }
0x13f: {  	v5 =	vld [tilespmem:s18+$0xFFFFFF80]  }
0x140: {  	v6 =	vld [tilespmem:s18+$0x0]  }
0x141: {  	v1 =	vadd.f32 v2, v1;
	v2 =	vld [tilespmem:s17+$0x0]  }
0x142: {  	v7 =	vld [tilespmem:s17+$0xFFFFFF00]  }
0x143: {  	v1 =	vmax.f32 v1, $0.0e+00  }
0x144: {  	v4 =	vadd.f32 v5, v4;
	[tilespmem:s17+$0x80] =	vst v1;
	v1 =	vld [tilespmem:s17+$0x90]  }
0x145: {  	v8 =	vld [tilespmem:s18+$0x90]  }
0x146: {  	v9 =	vld [tilespmem:s17+$0xFFFFFF90];
	v4 =	vmax.f32 v4, $0.0e+00;
	v2 =	vadd.f32 v6, v2  }
0x147: {  	v5 =	vld [tilespmem:s17+$0xFFFFFF10];
	v3 =	vadd.f32 v3, v7;
	[tilespmem:s17+$0xFFFFFF80] =	vst v4  }
0x148: {  	v6 =	vld [tilespmem:s18+$0xFFFFFF90];
	v2 =	vmax.f32 v2, $0.0e+00  }
0x149: {  	v3 =	vmax.f32 v3, $0.0e+00;
	v4 =	vld [tilespmem:s17+$0x10];
	[tilespmem:s17+$0x0] =	vst v2  }
0x14a: {  	[tilespmem:s17+$0xFFFFFF00] =	vst v3;
	v1 =	vadd.f32 v8, v1;
	v2 =	vld [tilespmem:s18+$0x10]  }
0x14b: {  	v3 =	vld [tilespmem:s18+$0xFFFFFF10]  }
0x14c: {  	v1 =	vmax.f32 v1, $0.0e+00  }
0x14d: {  	v6 =	vadd.f32 v6, v9;
	[tilespmem:s17+$0x90] =	vst v1;
	v1 =	vld [tilespmem:s17+$0xA0]  }
0x14e: {  	v8 =	vld [tilespmem:s18+$0xA0]  }
0x14f: {  	v7 =	vld [tilespmem:s17+$0xFFFFFF20];
	v6 =	vmax.f32 v6, $0.0e+00;
	v2 =	vadd.f32 v2, v4  }
0x150: {  	v3 =	vadd.f32 v3, v5;
	v9 =	vld [tilespmem:s17+$0xFFFFFFA0];
	[tilespmem:s17+$0xFFFFFF90] =	vst v6  }
0x151: {  	v5 =	vld [tilespmem:s18+$0xFFFFFFA0];
	v2 =	vmax.f32 v2, $0.0e+00  }
0x152: {  	v3 =	vmax.f32 v3, $0.0e+00;
	v4 =	vld [tilespmem:s17+$0x20];
	[tilespmem:s17+$0x10] =	vst v2  }
0x153: {  	[tilespmem:s17+$0xFFFFFF10] =	vst v3;
	v1 =	vadd.f32 v8, v1;
	v2 =	vld [tilespmem:s18+$0x20]  }
0x154: {  	v3 =	vld [tilespmem:s18+$0xFFFFFF20]  }
0x155: {  	v1 =	vmax.f32 v1, $0.0e+00  }
0x156: {  	v5 =	vadd.f32 v5, v9;
	[tilespmem:s17+$0xA0] =	vst v1;
	v1 =	vld [tilespmem:s17+$0xB0]  }
0x157: {  	v8 =	vld [tilespmem:s18+$0xB0]  }
0x158: {  	v10 =	vld [tilespmem:s17+$0x30];
	v5 =	vmax.f32 v5, $0.0e+00;
	v2 =	vadd.f32 v2, v4  }
0x159: {  	v3 =	vadd.f32 v3, v7;
	v9 =	vld [tilespmem:s17+$0xFFFFFFB0];
	[tilespmem:s17+$0xFFFFFFA0] =	vst v5  }
0x15a: {  	v4 =	vld [tilespmem:s18+$0xFFFFFFB0];
	v2 =	vmax.f32 v2, $0.0e+00  }
0x15b: {  	v6 =	vld [tilespmem:s17+$0xFFFFFF30];
	[tilespmem:s17+$0x20] =	vst v2;
	v2 =	vmax.f32 v3, $0.0e+00  }
0x15c: {  	v1 =	vadd.f32 v8, v1;
	[tilespmem:s17+$0xFFFFFF20] =	vst v2;
	v2 =	vld [tilespmem:s18+$0x30]  }
0x15d: {  	v7 =	vld [tilespmem:s18+$0xFFFFFF30]  }
0x15e: {  	v11 =	vld [tilespmem:s17+$0xFFFFFF40];
	v1 =	vmax.f32 v1, $0.0e+00  }
0x15f: {  	v4 =	vadd.f32 v4, v9;
	[tilespmem:s17+$0xB0] =	vst v1;
	v1 =	vld [tilespmem:s17+$0xC0]  }
0x160: {  	v8 =	vld [tilespmem:s18+$0xC0]  }
0x161: {  	v12 =	vld [tilespmem:s17+$0xFFFFFFD0];
	v4 =	vmax.f32 v4, $0.0e+00;
	v2 =	vadd.f32 v2, v10  }
0x162: {  	v5 =	vld [tilespmem:s17+$0xFFFFFFC0];
	[tilespmem:s17+$0xFFFFFFB0] =	vst v4;
	v6 =	vadd.f32 v7, v6  }
0x163: {  	v7 =	vld [tilespmem:s18+$0xFFFFFFC0];
	v2 =	vmax.f32 v2, $0.0e+00  }
0x164: {  	v3 =	vld [tilespmem:s17+$0x40];
	[tilespmem:s17+$0x30] =	vst v2;
	v2 =	vmax.f32 v6, $0.0e+00  }
0x165: {  	v1 =	vadd.f32 v8, v1;
	v6 =	vld [tilespmem:s18+$0x40];
	[tilespmem:s17+$0xFFFFFF30] =	vst v2  }
0x166: {  	v2 =	vld [tilespmem:s18+$0xFFFFFF40]  }
0x167: {  	v9 =	vld [tilespmem:s17+$0xFFFFFF50];
	v1 =	vmax.f32 v1, $0.0e+00  }
0x168: {  	[tilespmem:s17+$0xC0] =	vst v1;
	v1 =	vadd.f32 v7, v5;
	v7 =	vld [tilespmem:s17+$0xD0]  }
0x169: {  	v8 =	vld [tilespmem:s18+$0xD0]  }
0x16a: {  	v4 =	vld [tilespmem:s17+$0xFFFFFF60];
	v1 =	vmax.f32 v1, $0.0e+00;
	v3 =	vadd.f32 v6, v3  }
0x16b: {  	v10 =	vld [tilespmem:s17+$0x50];
	[tilespmem:s17+$0xFFFFFFC0] =	vst v1;
	v1 =	vadd.f32 v2, v11  }
0x16c: {  	v2 =	vld [tilespmem:s18+$0xFFFFFFD0];
	v3 =	vmax.f32 v3, $0.0e+00  }
0x16d: {  	v5 =	vld [tilespmem:s17+$0xFFFFFFE0];
	[tilespmem:s17+$0x40] =	vst v3;
	v1 =	vmax.f32 v1, $0.0e+00  }
0x16e: {  	v3 =	vld [tilespmem:s18+$0x50];
	v7 =	vadd.f32 v8, v7;
	[tilespmem:s17+$0xFFFFFF40] =	vst v1  }
0x16f: {  	v1 =	vld [tilespmem:s18+$0xFFFFFF50]  }
0x170: {  	v6 =	vld [tilespmem:s17+$0x60];
	v7 =	vmax.f32 v7, $0.0e+00  }
0x171: {  	v2 =	vadd.f32 v2, v12;
	[tilespmem:s17+$0xD0] =	vst v7;
	v7 =	vld [tilespmem:s17+$0xE0]  }
0x172: {  	v11 =	vld [tilespmem:s18+$0xE0]  }
0x173: {  	v2 =	vmax.f32 v2, $0.0e+00;
	v8 =	vadd.f32 v3, v10;
	v3 =	vld [tilespmem:s17+$0xFFFFFF70]  }
0x174: {  	[tilespmem:s17+$0xFFFFFFD0] =	vst v2;
	v1 =	vadd.f32 v1, v9;
	v2 =	vld [tilespmem:s17+$0xFFFFFFF0]  }
0x175: {  	v9 =	vmax.f32 v8, $0.0e+00;
	v8 =	vld [tilespmem:s18+$0xFFFFFFE0]  }
0x176: {  	[tilespmem:s17+$0x50] =	vst v9;
	v9 =	vmax.f32 v1, $0.0e+00;
	v1 =	vld [tilespmem:s17+$0x70]  }
0x177: {  	[tilespmem:s17+$0xFFFFFF50] =	vst v9;
	v9 =	vld [tilespmem:s18+$0x60];
	v7 =	vadd.f32 v11, v7  }
0x178: {  	v10 =	vld [tilespmem:s18+$0xFFFFFF60]  }
0x179: {  	s23 =	simm.s32 $0x0;
	s24 =	simm.s32 $0x80A0;
	s0 =	simm.s32 $0x2EA0;
	v11 =	vmax.f32 v7, $0.0e+00;
	v7 =	vld [tilespmem:s17+$0xF0]  }
.LBB2_7:
0x17a: {  	v12 =	vld [tilespmem:s24+$0x80];
	v5 =	vadd.f32 v8, v5;
	[tilespmem:s17+$0xE0] =	vst v11  }
0x17b: {  	s0 =	sadd.s32 $0x200, s0;
	v8 =	vld [tilespmem:s18+$0xF0]  }
0x17c: {  	s23 =	sadd.s32 $0x4, s23;
	v11 =	vld [tilespmem:s0+$0x80];
	v5 =	vmax.f32 v5, $0.0e+00;
	v6 =	vadd.f32 v9, v6  }
0x17d: {  	p1 =	slt.u32 s23, $0x4C;
	v9 =	vld [tilespmem:s0+$0xFFFFFF00];
	v4 =	vadd.f32 v10, v4;
	[tilespmem:s17+$0xFFFFFFE0] =	vst v5  }
0x17e: {  	v5 =	vld [tilespmem:s24+$0xFFFFFF80];
	v6 =	vmax.f32 v6, $0.0e+00  }
0x17f: {  	v10 =	vld [tilespmem:s0+$0xFFFFFF80];
	v4 =	vmax.f32 v4, $0.0e+00;
	[tilespmem:s17+$0x60] =	vst v6  }
0x180: {  	v6 =	vld [tilespmem:s24+$0x0];
	[tilespmem:s17+$0xFFFFFF60] =	vst v4;
	v4 =	vadd.f32 v8, v7  }
0x181: {  	v7 =	vld [tilespmem:s0+$0x0];
	v8 =	vadd.f32 v11, v12  }
0x182: {  	v11 =	vld [tilespmem:s24+$0xFFFFFF00];
	v4 =	vmax.f32 v4, $0.0e+00  }
0x183: {  	v12 =	vld [tilespmem:s24+$0xFFFFFF10];
	v8 =	vmax.f32 v8, $0.0e+00;
	[tilespmem:s17+$0xF0] =	vst v4  }
0x184: {  	v4 =	vadd.f32 v10, v5;
	[tilespmem:s24+$0x80] =	vst v8;
	v5 =	vld [tilespmem:s24+$0x90]  }
0x185: {  	v8 =	vld [tilespmem:s0+$0x90]  }
0x186: {  	v4 =	vmax.f32 v4, $0.0e+00;
	v10 =	vld [tilespmem:s24+$0xFFFFFF90];
	v6 =	vadd.f32 v7, v6  }
0x187: {  	v7 =	vadd.f32 v9, v11;
	[tilespmem:s24+$0xFFFFFF80] =	vst v4;
	v4 =	vld [tilespmem:s24+$0x10]  }
0x188: {  	v9 =	vld [tilespmem:s0+$0xFFFFFF90];
	v6 =	vmax.f32 v6, $0.0e+00  }
0x189: {  	v7 =	vmax.f32 v7, $0.0e+00;
	v11 =	vld [tilespmem:s24+$0xFFFFFF20];
	[tilespmem:s24+$0x0] =	vst v6  }
0x18a: {  	[tilespmem:s24+$0xFFFFFF00] =	vst v7;
	v6 =	vld [tilespmem:s0+$0x10];
	v5 =	vadd.f32 v8, v5  }
0x18b: {  	v7 =	vld [tilespmem:s0+$0xFFFFFF10]  }
0x18c: {  	v8 =	vld [tilespmem:s24+$0xFFFFFFA0];
	v5 =	vmax.f32 v5, $0.0e+00  }
0x18d: {  	v9 =	vadd.f32 v9, v10;
	[tilespmem:s24+$0x90] =	vst v5;
	v5 =	vld [tilespmem:s24+$0xA0]  }
0x18e: {  	v10 =	vld [tilespmem:s0+$0xA0]  }
0x18f: {  	v9 =	vmax.f32 v9, $0.0e+00;
	v4 =	vadd.f32 v6, v4;
	v6 =	vld [tilespmem:s24+$0x20]  }
0x190: {  	v7 =	vadd.f32 v7, v12;
	v12 =	vld [tilespmem:s24+$0xFFFFFF30];
	[tilespmem:s24+$0xFFFFFF90] =	vst v9  }
0x191: {  	v9 =	vld [tilespmem:s0+$0xFFFFFFA0];
	v4 =	vmax.f32 v4, $0.0e+00  }
0x192: {  	v7 =	vmax.f32 v7, $0.0e+00;
	v13 =	vld [tilespmem:s24+$0xFFFFFFB0];
	[tilespmem:s24+$0x10] =	vst v4  }
0x193: {  	[tilespmem:s24+$0xFFFFFF10] =	vst v7;
	v4 =	vld [tilespmem:s0+$0x20];
	v5 =	vadd.f32 v10, v5  }
0x194: {  	v7 =	vld [tilespmem:s0+$0xFFFFFF20]  }
0x195: {  	v10 =	vld [tilespmem:s24+$0x30];
	v5 =	vmax.f32 v5, $0.0e+00  }
0x196: {  	v8 =	vadd.f32 v9, v8;
	[tilespmem:s24+$0xA0] =	vst v5;
	v5 =	vld [tilespmem:s24+$0xB0]  }
0x197: {  	v9 =	vld [tilespmem:s0+$0xB0]  }
0x198: {  	v14 =	vld [tilespmem:s24+$0xFFFFFF40];
	v8 =	vmax.f32 v8, $0.0e+00;
	v4 =	vadd.f32 v4, v6  }
0x199: {  	v6 =	vadd.f32 v7, v11;
	[tilespmem:s24+$0xFFFFFFA0] =	vst v8;
	v7 =	vld [tilespmem:s24+$0xFFFFFFC0]  }
0x19a: {  	v8 =	vld [tilespmem:s0+$0xFFFFFFB0];
	v4 =	vmax.f32 v4, $0.0e+00  }
0x19b: {  	v6 =	vmax.f32 v6, $0.0e+00;
	[tilespmem:s24+$0x20] =	vst v4;
	v11 =	vld [tilespmem:s24+$0x40]  }
0x19c: {  	[tilespmem:s24+$0xFFFFFF20] =	vst v6;
	v4 =	vld [tilespmem:s0+$0x30];
	v5 =	vadd.f32 v9, v5  }
0x19d: {  	v6 =	vld [tilespmem:s0+$0xFFFFFF30]  }
0x19e: {  	v9 =	vld [tilespmem:s24+$0xFFFFFF50];
	v5 =	vmax.f32 v5, $0.0e+00  }
0x19f: {  	v8 =	vadd.f32 v8, v13;
	[tilespmem:s24+$0xB0] =	vst v5;
	v5 =	vld [tilespmem:s24+$0xC0]  }
0x1a0: {  	v13 =	vld [tilespmem:s0+$0xC0]  }
0x1a1: {  	v8 =	vmax.f32 v8, $0.0e+00;
	v15 =	vld [tilespmem:s24+$0xFFFFFFD0];
	v4 =	vadd.f32 v4, v10  }
0x1a2: {  	v6 =	vadd.f32 v6, v12;
	[tilespmem:s24+$0xFFFFFFB0] =	vst v8;
	v8 =	vld [tilespmem:s24+$0x50]  }
0x1a3: {  	v10 =	vld [tilespmem:s0+$0xFFFFFFC0];
	v12 =	vmax.f32 v4, $0.0e+00  }
0x1a4: {  	v6 =	vmax.f32 v6, $0.0e+00;
	v4 =	vld [tilespmem:s24+$0xFFFFFF60];
	[tilespmem:s24+$0x30] =	vst v12  }
0x1a5: {  	[tilespmem:s24+$0xFFFFFF30] =	vst v6;
	v6 =	vld [tilespmem:s0+$0x40];
	v12 =	vadd.f32 v13, v5  }
0x1a6: {  	v13 =	vld [tilespmem:s0+$0xFFFFFF40]  }
0x1a7: {  	v5 =	vld [tilespmem:s24+$0xFFFFFFE0];
	v12 =	vmax.f32 v12, $0.0e+00  }
0x1a8: {  	v7 =	vadd.f32 v10, v7;
	[tilespmem:s24+$0xC0] =	vst v12;
	v10 =	vld [tilespmem:s24+$0xD0]  }
0x1a9: {  	v12 =	vld [tilespmem:s0+$0xD0]  }
0x1aa: {  	v7 =	vmax.f32 v7, $0.0e+00;
	v11 =	vadd.f32 v6, v11;
	v6 =	vld [tilespmem:s24+$0x60]  }
0x1ab: {  	v13 =	vadd.f32 v13, v14;
	[tilespmem:s24+$0xFFFFFFC0] =	vst v7;
	v7 =	vld [tilespmem:s18+$0xFFFFFF70]  }
0x1ac: {  	v14 =	vld [tilespmem:s0+$0xFFFFFFD0];
	v11 =	vmax.f32 v11, $0.0e+00  }
0x1ad: {  	v13 =	vmax.f32 v13, $0.0e+00;
	[tilespmem:s24+$0x40] =	vst v11;
	v11 =	vld [tilespmem:s18+$0xFFFFFFF0]  }
0x1ae: {  	[tilespmem:s24+$0xFFFFFF40] =	vst v13;
	v13 =	vld [tilespmem:s0+$0x50];
	v10 =	vadd.f32 v12, v10  }
0x1af: {  	v12 =	vld [tilespmem:s0+$0xFFFFFF50]  }
0x1b0: {  	v10 =	vmax.f32 v10, $0.0e+00;
	v3 =	vadd.f32 v7, v3;
	v7 =	vld [tilespmem:s18+$0x70];
	s18 =	smov.u32 s0  }
0x1b1: {  	v14 =	vadd.f32 v14, v15;
	[tilespmem:s24+$0xD0] =	vst v10;
	v10 =	vld [tilespmem:s24+$0xE0]  }
0x1b2: {  	v15 =	vld [tilespmem:s0+$0xE0];
	v16 =	vmax.f32 v3, $0.0e+00;
	v11 =	vadd.f32 v11, v2  }
0x1b3: {  	v3 =	vld [tilespmem:s24+$0xFFFFFF70];
	v2 =	vmax.f32 v14, $0.0e+00;
	v13 =	vadd.f32 v13, v8;
	[tilespmem:s17+$0xFFFFFF70] =	vst v16  }
0x1b4: {  	v9 =	vadd.f32 v12, v9;
	[tilespmem:s24+$0xFFFFFFD0] =	vst v2;
	v2 =	vld [tilespmem:s24+$0xFFFFFFF0];
	v11 =	vmax.f32 v11, $0.0e+00  }
.Ltmp2:
0x1b5: {  	v8 =	vld [tilespmem:s0+$0xFFFFFFE0];
	v12 =	vmax.f32 v13, $0.0e+00;
	[tilespmem:s17+$0xFFFFFFF0] =	vst v11;
	v7 =	vadd.f32 v7, v1;
	(pc) =	sbr.rel @p1 .LBB2_7-.Ltmp2, $4  }
0x1b6: {  	v9 =	vmax.f32 v9, $0.0e+00;
	[tilespmem:s24+$0x50] =	vst v12;
	v1 =	vld [tilespmem:s24+$0x70]  }
0x1b7: {  	[tilespmem:s24+$0xFFFFFF50] =	vst v9;
	v9 =	vld [tilespmem:s0+$0x60];
	v11 =	vadd.f32 v15, v10;
	v7 =	vmax.f32 v7, $0.0e+00  }
0x1b8: {  	v10 =	vld [tilespmem:s0+$0xFFFFFF60];
	[tilespmem:s17+$0x70] =	vst v7;
	s17 =	smov.u32 s24  }
0x1b9: {  	s24 =	sadd.s32 $0x200, s24;
	v11 =	vmax.f32 v11, $0.0e+00;
	v7 =	vld [tilespmem:s17+$0xF0]  }
0x1ba: {  	_ =	sdelay $0x2  }
0x1bb: {  	v4 =	vadd.f32 v10, v4  }
0x1bc: {  	v5 =	vadd.f32 v8, v5  }
0x1bd: {  	[tilespmem:s17+$0xE0] =	vst v11;
	v6 =	vadd.f32 v9, v6;
	v4 =	vmax.f32 v4, $0.0e+00  }
0x1be: {  	v8 =	vld [tilespmem:s18+$0xF0];
	v5 =	vmax.f32 v5, $0.0e+00;
	[tilespmem:s17+$0xFFFFFF60] =	vst v4  }
0x1bf: {  	[tilespmem:s17+$0xFFFFFFE0] =	vst v5;
	v4 =	vmax.f32 v6, $0.0e+00;
	v5 =	vld [tilespmem:s18+$0xFFFFFF70]  }
0x1c0: {  	[tilespmem:s17+$0x60] =	vst v4;
	v4 =	vld [tilespmem:s18+$0xFFFFFFF0]  }
0x1c1: {  	v6 =	vld [tilespmem:s18+$0x70];
	_ =	sdelay $0x1  }
0x1c2: {  	v7 =	vadd.f32 v8, v7  }
0x1c3: {  	v3 =	vadd.f32 v5, v3  }
0x1c4: {  	v5 =	vmax.f32 v7, $0.0e+00;
	v2 =	vadd.f32 v4, v2  }
0x1c5: {  	[tilespmem:s17+$0xF0] =	vst v5;
	v1 =	vadd.f32 v6, v1;
	v3 =	vmax.f32 v3, $0.0e+00  }
0x1c6: {  	v2 =	vmax.f32 v2, $0.0e+00;
	[tilespmem:s17+$0xFFFFFF70] =	vst v3  }
0x1c7: {  	p1 =	sne.s32 s15, $0x0;
	[tilespmem:s17+$0xFFFFFFF0] =	vst v2;
	v1 =	vmax.f32 v1, $0.0e+00  }
0x1c8: {  	s0 =	simm.s32 @!p1 $0x50;
	s4 =	simm.s32 @!p1 $0x1E0;
	[tilespmem:s17+$0x70] =	vst v1;
	s17 =	simm.s32 @!p1 $0x7DA0  }
0x1c9: {  	[spmem:s3] =	stream.indirect.scatter.add.f32 @!p1 [tilespmem:s17], [sflag:$0x9], $0x80, s4, s0, $0xb8;
	[tilespmem:$0x1E1A0] =	vst v63  }
0x1ca: {  	s23 =	simm.s32 @p0 $0x7DA0;
	s18 =	simm.s32 @p0 $0x460;
	s4 =	simm.s32 @p0 $0x50  }
0x1cb: {  	[spmem:s3] =	stream.indirect.scatter.add.f32 @p0 [tilespmem:s23], [sflag:$0x9], $0x80, s18, s4, $0xb8;
	[tilespmem:$0x1E1A0] =	vst v63  }
0x1cc: {  	_ =	swait.ge [sflag:s11], $0x2800  }
0x1cd: {  	s24 =	simm.s32 @!p1 $0x140;
	[sflag:s11] =	ssyncset.done $0x0  }
0x1ce: {  	s7 =	simm.s32 @!p1 $0x2DA0;
	s18 =	smul.u32 @!p1 $0x140, s14;
	[sflag:s11] =	ssyncadd.s32 $0xFFFFD800  }
0x1cf: {  	[tilespmem:s7], [sflag:$0x7] =	stream.indirect.gather @!p1 [hbm4b:s1+s0], $0x80, s24, s0, $0xb8;
	[tilespmem:$0x1E1A0] =	vst v63  }
0x1d0: {  	s0 =	sadd.s32 @!p1 s18, s20  }
0x1d1: {  	s0 =	sshll.u32 @!p1 s0, $0x4  }
0x1d2: {  	s0 =	sand.u32 @!p1 $0x1FFFFF00, s0  }
0x1d3: {  	s7 =	simm.s32 @!p1 $0x0;
	s0 =	sadd.s32 @!p1 s2, s0  }
0x1d4: {  	[tilespmem:s17], [sflag:$0x5] =	stream.linear.gather @!p1 [hbm4b:s0+s7], $0x2800, $0x38;
	[tilespmem:$0x1E1A0] =	vst v63  }
0x1d5: {  	s0 =	simm.s32 @p0 $0x3C0;
	s7 =	simm.s32 @p0 $0x2DA0  }
0x1d6: {  	[tilespmem:s7], [sflag:$0x7] =	stream.indirect.gather @p0 [hbm4b:s1+s4], $0x80, s0, s4, $0xb8;
	[tilespmem:$0x1E1A0] =	vst v63  }
0x1d7: {  	s0 =	sadd.s32 @p0 s16, s20  }
0x1d8: {  	s0 =	sshll.u32 @p0 s0, $0x4  }
0x1d9: {  	s0 =	sand.u32 @p0 $0x1FFFFF00, s0  }
0x1da: {  	s4 =	simm.s32 @p0 $0x0;
	s0 =	sadd.s32 @p0 s2, s0  }
0x1db: {  	[tilespmem:s23], [sflag:$0x5] =	stream.linear.gather @p0 [hbm4b:s0+s4], $0x2800, $0x38;
	[tilespmem:$0x1E1A0] =	vst v63  }
0x1dc: {  	_ =	swait.ge [sflag:s29], $0x2800  }
0x1dd: {  	[sflag:s29] =	ssyncset.done $0x0  }
0x1de: {  	[sflag:s29] =	ssyncadd.s32 $0xFFFFD800  }
0x1df: {  	_ =	swait.ge [sflag:s31], $0x2800  }
0x1e0: {  	[sflag:s31] =	ssyncset.done $0x0  }
0x1e1: {  	s17 =	simm.s32 $0x56A0;
	[sflag:s31] =	ssyncadd.s32 $0xFFFFD800  }
0x1e2: {  	s23 =	simm.s32 $0x6A0;
	v1 =	vld [tilespmem:s17+$0x80]  }
0x1e3: {  	v2 =	vld [tilespmem:s23+$0x80]  }
0x1e4: {  	v3 =	vld [tilespmem:s23+$0xFFFFFF00]  }
0x1e5: {  	v4 =	vld [tilespmem:s17+$0xFFFFFF80]  }
0x1e6: {  	v5 =	vld [tilespmem:s23+$0xFFFFFF80]  }
0x1e7: {  	v6 =	vld [tilespmem:s23+$0x0]  }
0x1e8: {  	v1 =	vadd.f32 v2, v1;
	v2 =	vld [tilespmem:s17+$0x0]  }
0x1e9: {  	v7 =	vld [tilespmem:s17+$0xFFFFFF00]  }
0x1ea: {  	v1 =	vmax.f32 v1, $0.0e+00  }
0x1eb: {  	v4 =	vadd.f32 v5, v4;
	[tilespmem:s17+$0x80] =	vst v1;
	v1 =	vld [tilespmem:s17+$0x90]  }
0x1ec: {  	v8 =	vld [tilespmem:s23+$0x90]  }
0x1ed: {  	v9 =	vld [tilespmem:s17+$0xFFFFFF90];
	v4 =	vmax.f32 v4, $0.0e+00;
	v2 =	vadd.f32 v6, v2  }
0x1ee: {  	v5 =	vld [tilespmem:s17+$0xFFFFFF10];
	v3 =	vadd.f32 v3, v7;
	[tilespmem:s17+$0xFFFFFF80] =	vst v4  }
0x1ef: {  	v6 =	vld [tilespmem:s23+$0xFFFFFF90];
	v2 =	vmax.f32 v2, $0.0e+00  }
0x1f0: {  	v3 =	vmax.f32 v3, $0.0e+00;
	v4 =	vld [tilespmem:s17+$0x10];
	[tilespmem:s17+$0x0] =	vst v2  }
0x1f1: {  	[tilespmem:s17+$0xFFFFFF00] =	vst v3;
	v1 =	vadd.f32 v8, v1;
	v2 =	vld [tilespmem:s23+$0x10]  }
0x1f2: {  	v3 =	vld [tilespmem:s23+$0xFFFFFF10]  }
0x1f3: {  	v1 =	vmax.f32 v1, $0.0e+00  }
0x1f4: {  	v6 =	vadd.f32 v6, v9;
	[tilespmem:s17+$0x90] =	vst v1;
	v1 =	vld [tilespmem:s17+$0xA0]  }
0x1f5: {  	v8 =	vld [tilespmem:s23+$0xA0]  }
0x1f6: {  	v7 =	vld [tilespmem:s17+$0xFFFFFF20];
	v6 =	vmax.f32 v6, $0.0e+00;
	v2 =	vadd.f32 v2, v4  }
0x1f7: {  	v3 =	vadd.f32 v3, v5;
	v9 =	vld [tilespmem:s17+$0xFFFFFFA0];
	[tilespmem:s17+$0xFFFFFF90] =	vst v6  }
0x1f8: {  	v5 =	vld [tilespmem:s23+$0xFFFFFFA0];
	v2 =	vmax.f32 v2, $0.0e+00  }
0x1f9: {  	v3 =	vmax.f32 v3, $0.0e+00;
	v4 =	vld [tilespmem:s17+$0x20];
	[tilespmem:s17+$0x10] =	vst v2  }
0x1fa: {  	[tilespmem:s17+$0xFFFFFF10] =	vst v3;
	v1 =	vadd.f32 v8, v1;
	v2 =	vld [tilespmem:s23+$0x20]  }
0x1fb: {  	v3 =	vld [tilespmem:s23+$0xFFFFFF20]  }
0x1fc: {  	v1 =	vmax.f32 v1, $0.0e+00  }
0x1fd: {  	v5 =	vadd.f32 v5, v9;
	[tilespmem:s17+$0xA0] =	vst v1;
	v1 =	vld [tilespmem:s17+$0xB0]  }
0x1fe: {  	v8 =	vld [tilespmem:s23+$0xB0]  }
0x1ff: {  	v10 =	vld [tilespmem:s17+$0x30];
	v5 =	vmax.f32 v5, $0.0e+00;
	v2 =	vadd.f32 v2, v4  }
0x200: {  	v3 =	vadd.f32 v3, v7;
	v9 =	vld [tilespmem:s17+$0xFFFFFFB0];
	[tilespmem:s17+$0xFFFFFFA0] =	vst v5  }
0x201: {  	v4 =	vld [tilespmem:s23+$0xFFFFFFB0];
	v2 =	vmax.f32 v2, $0.0e+00  }
0x202: {  	v6 =	vld [tilespmem:s17+$0xFFFFFF30];
	[tilespmem:s17+$0x20] =	vst v2;
	v2 =	vmax.f32 v3, $0.0e+00  }
0x203: {  	v1 =	vadd.f32 v8, v1;
	[tilespmem:s17+$0xFFFFFF20] =	vst v2;
	v2 =	vld [tilespmem:s23+$0x30]  }
0x204: {  	v7 =	vld [tilespmem:s23+$0xFFFFFF30]  }
0x205: {  	v11 =	vld [tilespmem:s17+$0xFFFFFF40];
	v1 =	vmax.f32 v1, $0.0e+00  }
0x206: {  	v4 =	vadd.f32 v4, v9;
	[tilespmem:s17+$0xB0] =	vst v1;
	v1 =	vld [tilespmem:s17+$0xC0]  }
0x207: {  	v8 =	vld [tilespmem:s23+$0xC0]  }
0x208: {  	v12 =	vld [tilespmem:s17+$0xFFFFFFD0];
	v4 =	vmax.f32 v4, $0.0e+00;
	v2 =	vadd.f32 v2, v10  }
0x209: {  	v5 =	vld [tilespmem:s17+$0xFFFFFFC0];
	[tilespmem:s17+$0xFFFFFFB0] =	vst v4;
	v6 =	vadd.f32 v7, v6  }
0x20a: {  	v7 =	vld [tilespmem:s23+$0xFFFFFFC0];
	v2 =	vmax.f32 v2, $0.0e+00  }
0x20b: {  	v3 =	vld [tilespmem:s17+$0x40];
	[tilespmem:s17+$0x30] =	vst v2;
	v2 =	vmax.f32 v6, $0.0e+00  }
0x20c: {  	v1 =	vadd.f32 v8, v1;
	v6 =	vld [tilespmem:s23+$0x40];
	[tilespmem:s17+$0xFFFFFF30] =	vst v2  }
0x20d: {  	v2 =	vld [tilespmem:s23+$0xFFFFFF40]  }
0x20e: {  	v9 =	vld [tilespmem:s17+$0xFFFFFF50];
	v1 =	vmax.f32 v1, $0.0e+00  }
0x20f: {  	[tilespmem:s17+$0xC0] =	vst v1;
	v1 =	vadd.f32 v7, v5;
	v7 =	vld [tilespmem:s17+$0xD0]  }
0x210: {  	v8 =	vld [tilespmem:s23+$0xD0]  }
0x211: {  	v4 =	vld [tilespmem:s17+$0xFFFFFF60];
	v1 =	vmax.f32 v1, $0.0e+00;
	v3 =	vadd.f32 v6, v3  }
0x212: {  	v10 =	vld [tilespmem:s17+$0x50];
	[tilespmem:s17+$0xFFFFFFC0] =	vst v1;
	v1 =	vadd.f32 v2, v11  }
0x213: {  	v2 =	vld [tilespmem:s23+$0xFFFFFFD0];
	v3 =	vmax.f32 v3, $0.0e+00  }
0x214: {  	v5 =	vld [tilespmem:s17+$0xFFFFFFE0];
	[tilespmem:s17+$0x40] =	vst v3;
	v1 =	vmax.f32 v1, $0.0e+00  }
0x215: {  	v3 =	vld [tilespmem:s23+$0x50];
	v7 =	vadd.f32 v8, v7;
	[tilespmem:s17+$0xFFFFFF40] =	vst v1  }
0x216: {  	v1 =	vld [tilespmem:s23+$0xFFFFFF50]  }
0x217: {  	v6 =	vld [tilespmem:s17+$0x60];
	v7 =	vmax.f32 v7, $0.0e+00  }
0x218: {  	v2 =	vadd.f32 v2, v12;
	[tilespmem:s17+$0xD0] =	vst v7;
	v7 =	vld [tilespmem:s17+$0xE0]  }
0x219: {  	v11 =	vld [tilespmem:s23+$0xE0]  }
0x21a: {  	v2 =	vmax.f32 v2, $0.0e+00;
	v8 =	vadd.f32 v3, v10;
	v3 =	vld [tilespmem:s17+$0xFFFFFF70]  }
0x21b: {  	[tilespmem:s17+$0xFFFFFFD0] =	vst v2;
	v1 =	vadd.f32 v1, v9;
	v2 =	vld [tilespmem:s17+$0xFFFFFFF0]  }
0x21c: {  	v9 =	vmax.f32 v8, $0.0e+00;
	v8 =	vld [tilespmem:s23+$0xFFFFFFE0]  }
0x21d: {  	[tilespmem:s17+$0x50] =	vst v9;
	v9 =	vmax.f32 v1, $0.0e+00;
	v1 =	vld [tilespmem:s17+$0x70]  }
0x21e: {  	[tilespmem:s17+$0xFFFFFF50] =	vst v9;
	v9 =	vld [tilespmem:s23+$0x60];
	v7 =	vadd.f32 v11, v7  }
0x21f: {  	v10 =	vld [tilespmem:s23+$0xFFFFFF60]  }
0x220: {  	s24 =	simm.s32 $0x0;
	s0 =	simm.s32 $0x58A0;
	s4 =	simm.s32 $0x6A0;
	v11 =	vmax.f32 v7, $0.0e+00;
	v7 =	vld [tilespmem:s17+$0xF0]  }
.LBB2_9:
0x221: {  	v12 =	vld [tilespmem:s0+$0x80];
	v5 =	vadd.f32 v8, v5;
	[tilespmem:s17+$0xE0] =	vst v11  }
0x222: {  	s4 =	sadd.s32 $0x200, s4;
	v8 =	vld [tilespmem:s23+$0xF0]  }
0x223: {  	s24 =	sadd.s32 $0x4, s24;
	v11 =	vld [tilespmem:s4+$0x80];
	v5 =	vmax.f32 v5, $0.0e+00;
	v6 =	vadd.f32 v9, v6  }
0x224: {  	p2 =	slt.u32 s24, $0x4C;
	v9 =	vld [tilespmem:s4+$0xFFFFFF00];
	v4 =	vadd.f32 v10, v4;
	[tilespmem:s17+$0xFFFFFFE0] =	vst v5  }
0x225: {  	v5 =	vld [tilespmem:s0+$0xFFFFFF80];
	v6 =	vmax.f32 v6, $0.0e+00  }
0x226: {  	v10 =	vld [tilespmem:s4+$0xFFFFFF80];
	v4 =	vmax.f32 v4, $0.0e+00;
	[tilespmem:s17+$0x60] =	vst v6  }
0x227: {  	v6 =	vld [tilespmem:s0+$0x0];
	[tilespmem:s17+$0xFFFFFF60] =	vst v4;
	v4 =	vadd.f32 v8, v7  }
0x228: {  	v7 =	vld [tilespmem:s4+$0x0];
	v8 =	vadd.f32 v11, v12  }
0x229: {  	v11 =	vld [tilespmem:s0+$0xFFFFFF00];
	v4 =	vmax.f32 v4, $0.0e+00  }
0x22a: {  	v12 =	vld [tilespmem:s0+$0xFFFFFF10];
	v8 =	vmax.f32 v8, $0.0e+00;
	[tilespmem:s17+$0xF0] =	vst v4  }
0x22b: {  	v4 =	vadd.f32 v10, v5;
	[tilespmem:s0+$0x80] =	vst v8;
	v5 =	vld [tilespmem:s0+$0x90]  }
0x22c: {  	v8 =	vld [tilespmem:s4+$0x90]  }
0x22d: {  	v4 =	vmax.f32 v4, $0.0e+00;
	v10 =	vld [tilespmem:s0+$0xFFFFFF90];
	v6 =	vadd.f32 v7, v6  }
0x22e: {  	v7 =	vadd.f32 v9, v11;
	[tilespmem:s0+$0xFFFFFF80] =	vst v4;
	v4 =	vld [tilespmem:s0+$0x10]  }
0x22f: {  	v9 =	vld [tilespmem:s4+$0xFFFFFF90];
	v6 =	vmax.f32 v6, $0.0e+00  }
0x230: {  	v7 =	vmax.f32 v7, $0.0e+00;
	v11 =	vld [tilespmem:s0+$0xFFFFFF20];
	[tilespmem:s0+$0x0] =	vst v6  }
0x231: {  	[tilespmem:s0+$0xFFFFFF00] =	vst v7;
	v6 =	vld [tilespmem:s4+$0x10];
	v5 =	vadd.f32 v8, v5  }
0x232: {  	v7 =	vld [tilespmem:s4+$0xFFFFFF10]  }
0x233: {  	v8 =	vld [tilespmem:s0+$0xFFFFFFA0];
	v5 =	vmax.f32 v5, $0.0e+00  }
0x234: {  	v9 =	vadd.f32 v9, v10;
	[tilespmem:s0+$0x90] =	vst v5;
	v5 =	vld [tilespmem:s0+$0xA0]  }
0x235: {  	v10 =	vld [tilespmem:s4+$0xA0]  }
0x236: {  	v9 =	vmax.f32 v9, $0.0e+00;
	v4 =	vadd.f32 v6, v4;
	v6 =	vld [tilespmem:s0+$0x20]  }
0x237: {  	v7 =	vadd.f32 v7, v12;
	v12 =	vld [tilespmem:s0+$0xFFFFFF30];
	[tilespmem:s0+$0xFFFFFF90] =	vst v9  }
0x238: {  	v9 =	vld [tilespmem:s4+$0xFFFFFFA0];
	v4 =	vmax.f32 v4, $0.0e+00  }
0x239: {  	v7 =	vmax.f32 v7, $0.0e+00;
	v13 =	vld [tilespmem:s0+$0xFFFFFFB0];
	[tilespmem:s0+$0x10] =	vst v4  }
0x23a: {  	[tilespmem:s0+$0xFFFFFF10] =	vst v7;
	v4 =	vld [tilespmem:s4+$0x20];
	v5 =	vadd.f32 v10, v5  }
0x23b: {  	v7 =	vld [tilespmem:s4+$0xFFFFFF20]  }
0x23c: {  	v10 =	vld [tilespmem:s0+$0x30];
	v5 =	vmax.f32 v5, $0.0e+00  }
0x23d: {  	v8 =	vadd.f32 v9, v8;
	[tilespmem:s0+$0xA0] =	vst v5;
	v5 =	vld [tilespmem:s0+$0xB0]  }
0x23e: {  	v9 =	vld [tilespmem:s4+$0xB0]  }
0x23f: {  	v14 =	vld [tilespmem:s0+$0xFFFFFF40];
	v8 =	vmax.f32 v8, $0.0e+00;
	v4 =	vadd.f32 v4, v6  }
0x240: {  	v6 =	vadd.f32 v7, v11;
	[tilespmem:s0+$0xFFFFFFA0] =	vst v8;
	v7 =	vld [tilespmem:s0+$0xFFFFFFC0]  }
0x241: {  	v8 =	vld [tilespmem:s4+$0xFFFFFFB0];
	v4 =	vmax.f32 v4, $0.0e+00  }
0x242: {  	v6 =	vmax.f32 v6, $0.0e+00;
	[tilespmem:s0+$0x20] =	vst v4;
	v11 =	vld [tilespmem:s0+$0x40]  }
0x243: {  	[tilespmem:s0+$0xFFFFFF20] =	vst v6;
	v4 =	vld [tilespmem:s4+$0x30];
	v5 =	vadd.f32 v9, v5  }
0x244: {  	v6 =	vld [tilespmem:s4+$0xFFFFFF30]  }
0x245: {  	v9 =	vld [tilespmem:s0+$0xFFFFFF50];
	v5 =	vmax.f32 v5, $0.0e+00  }
0x246: {  	v8 =	vadd.f32 v8, v13;
	[tilespmem:s0+$0xB0] =	vst v5;
	v5 =	vld [tilespmem:s0+$0xC0]  }
0x247: {  	v13 =	vld [tilespmem:s4+$0xC0]  }
0x248: {  	v8 =	vmax.f32 v8, $0.0e+00;
	v15 =	vld [tilespmem:s0+$0xFFFFFFD0];
	v4 =	vadd.f32 v4, v10  }
0x249: {  	v6 =	vadd.f32 v6, v12;
	[tilespmem:s0+$0xFFFFFFB0] =	vst v8;
	v8 =	vld [tilespmem:s0+$0x50]  }
0x24a: {  	v10 =	vld [tilespmem:s4+$0xFFFFFFC0];
	v12 =	vmax.f32 v4, $0.0e+00  }
0x24b: {  	v6 =	vmax.f32 v6, $0.0e+00;
	v4 =	vld [tilespmem:s0+$0xFFFFFF60];
	[tilespmem:s0+$0x30] =	vst v12  }
0x24c: {  	[tilespmem:s0+$0xFFFFFF30] =	vst v6;
	v6 =	vld [tilespmem:s4+$0x40];
	v12 =	vadd.f32 v13, v5  }
0x24d: {  	v13 =	vld [tilespmem:s4+$0xFFFFFF40]  }
0x24e: {  	v5 =	vld [tilespmem:s0+$0xFFFFFFE0];
	v12 =	vmax.f32 v12, $0.0e+00  }
0x24f: {  	v7 =	vadd.f32 v10, v7;
	[tilespmem:s0+$0xC0] =	vst v12;
	v10 =	vld [tilespmem:s0+$0xD0]  }
0x250: {  	v12 =	vld [tilespmem:s4+$0xD0]  }
0x251: {  	v7 =	vmax.f32 v7, $0.0e+00;
	v11 =	vadd.f32 v6, v11;
	v6 =	vld [tilespmem:s0+$0x60]  }
0x252: {  	v13 =	vadd.f32 v13, v14;
	[tilespmem:s0+$0xFFFFFFC0] =	vst v7;
	v7 =	vld [tilespmem:s23+$0xFFFFFF70]  }
0x253: {  	v14 =	vld [tilespmem:s4+$0xFFFFFFD0];
	v11 =	vmax.f32 v11, $0.0e+00  }
0x254: {  	v13 =	vmax.f32 v13, $0.0e+00;
	[tilespmem:s0+$0x40] =	vst v11;
	v11 =	vld [tilespmem:s23+$0xFFFFFFF0]  }
0x255: {  	[tilespmem:s0+$0xFFFFFF40] =	vst v13;
	v13 =	vld [tilespmem:s4+$0x50];
	v10 =	vadd.f32 v12, v10  }
0x256: {  	v12 =	vld [tilespmem:s4+$0xFFFFFF50]  }
0x257: {  	v10 =	vmax.f32 v10, $0.0e+00;
	v3 =	vadd.f32 v7, v3;
	v7 =	vld [tilespmem:s23+$0x70];
	s23 =	smov.u32 s4  }
0x258: {  	v14 =	vadd.f32 v14, v15;
	[tilespmem:s0+$0xD0] =	vst v10;
	v10 =	vld [tilespmem:s0+$0xE0]  }
0x259: {  	v15 =	vld [tilespmem:s4+$0xE0];
	v16 =	vmax.f32 v3, $0.0e+00;
	v11 =	vadd.f32 v11, v2  }
0x25a: {  	v3 =	vld [tilespmem:s0+$0xFFFFFF70];
	v2 =	vmax.f32 v14, $0.0e+00;
	v13 =	vadd.f32 v13, v8;
	[tilespmem:s17+$0xFFFFFF70] =	vst v16  }
0x25b: {  	v9 =	vadd.f32 v12, v9;
	[tilespmem:s0+$0xFFFFFFD0] =	vst v2;
	v2 =	vld [tilespmem:s0+$0xFFFFFFF0];
	v11 =	vmax.f32 v11, $0.0e+00  }
.Ltmp3:
0x25c: {  	v8 =	vld [tilespmem:s4+$0xFFFFFFE0];
	v12 =	vmax.f32 v13, $0.0e+00;
	[tilespmem:s17+$0xFFFFFFF0] =	vst v11;
	v7 =	vadd.f32 v7, v1;
	(pc) =	sbr.rel @p2 .LBB2_9-.Ltmp3, $4  }
0x25d: {  	v9 =	vmax.f32 v9, $0.0e+00;
	[tilespmem:s0+$0x50] =	vst v12;
	v1 =	vld [tilespmem:s0+$0x70]  }
0x25e: {  	[tilespmem:s0+$0xFFFFFF50] =	vst v9;
	v9 =	vld [tilespmem:s4+$0x60];
	v11 =	vadd.f32 v15, v10;
	v7 =	vmax.f32 v7, $0.0e+00  }
0x25f: {  	v10 =	vld [tilespmem:s4+$0xFFFFFF60];
	[tilespmem:s17+$0x70] =	vst v7;
	s17 =	smov.u32 s0  }
0x260: {  	s0 =	sadd.s32 $0x200, s0;
	v11 =	vmax.f32 v11, $0.0e+00;
	v7 =	vld [tilespmem:s17+$0xF0]  }
0x261: {  	_ = 	snop  }
0x262: {  	v5 =	vadd.f32 v8, v5  }
0x263: {  	v6 =	vadd.f32 v9, v6  }
0x264: {  	[tilespmem:s17+$0xE0] =	vst v11;
	v5 =	vmax.f32 v5, $0.0e+00;
	v4 =	vadd.f32 v10, v4  }
0x265: {  	v58 =	vld [tilespmem:s23+$0xF0];
	[tilespmem:s17+$0xFFFFFFE0] =	vst v5;
	v59 =	vmax.f32 v6, $0.0e+00  }
0x266: {  	v61 =	vld [tilespmem:s23+$0xFFFFFFF0];
	v4 =	vmax.f32 v4, $0.0e+00;
	[tilespmem:s17+$0x60] =	vst v59  }
0x267: {  	[tilespmem:s17+$0xFFFFFF60] =	vst v4;
	v62 =	vld [tilespmem:s23+$0x70]  }
0x268: {  	v60 =	vld [tilespmem:s23+$0xFFFFFF70];
	_ =	sdelay $0x1  }
0x269: {  	v7 =	vadd.f32 v58, v7  }
0x26a: {  	v2 =	vadd.f32 v61, v2  }
0x26b: {  	v63 =	vmax.f32 v7, $0.0e+00;
	v1 =	vadd.f32 v62, v1  }
0x26c: {  	[tilespmem:s17+$0xF0] =	vst v63;
	v2 =	vmax.f32 v2, $0.0e+00;
	v3 =	vadd.f32 v60, v3  }
0x26d: {  	p2 =	sne.s32 s14, $0x1E;
	[tilespmem:s17+$0xFFFFFFF0] =	vst v2;
	v1 =	vmax.f32 v1, $0.0e+00  }
.Ltmp4:
0x26e: {  	s0 =	simm.s32 @!p1 $0x50;
	v3 =	vmax.f32 v3, $0.0e+00;
	[tilespmem:s17+$0x70] =	vst v1;
	(pc) =	sbr.rel @!p2 .LBB2_11-.Ltmp4, $4  }
0x26f: {  	s4 =	simm.s32 @!p1 $0x230;
	s7 =	simm.s32 @!p1 $0x55A0;
	[tilespmem:s17+$0xFFFFFF70] =	vst v3;
	s17 =	sadd.s32 @p0 s16, s21  }
0x270: {  	[spmem:s3] =	stream.indirect.scatter.add.f32 @!p1 [tilespmem:s7], [sflag:$0x8], $0x80, s4, s0, $0xb8;
	[tilespmem:$0x1E1A0] =	vst v63  }
0x271: {  	s0 =	simm.s32 @p0 $0x50;
	s4 =	simm.s32 @p0 $0x4B0;
	s7 =	simm.s32 @p0 $0x55A0  }
0x272: {  	[spmem:s3] =	stream.indirect.scatter.add.f32 @p0 [tilespmem:s7], [sflag:$0x8], $0x80, s4, s0, $0xb8;
	[tilespmem:$0x1E1A0] =	vst v63  }
0x273: {  	s0 =	sadd.s32 @!p1 s18, s21  }
0x274: {  	s4 =	simm.s32 @!p1 $0x140;
	s0 =	sshrl.u32 @!p1 s0, $0x3  }
0x275: {  	s7 =	simm.s32 @!p1 $0x4E200;
	s18 =	simm.s32 @!p1 $0x320;
	s0 =	sadd.s32 @!p1 s6, s0  }
0x276: {  	[tilespmem:s18], [sflag:$0x3] =	stream.strided.gather @!p1 [hbm4b:s0+s4], $0x280, s7, s4, $0x38;
	[tilespmem:$0x1E1A0] =	vst v63  }
0x277: {  	s0 =	sshrl.u32 @p0 s17, $0x3;
	s4 =	simm.s32 @p0 $0x140  }
0x278: {  	s7 =	simm.s32 @p0 $0x4E200;
	s18 =	simm.s32 @p0 $0xA0;
	s0 =	sadd.s32 @p0 s6, s0  }
0x279: {  	[tilespmem:s18], [sflag:$0x2] =	stream.strided.gather @p0 [hbm4b:s0+s4], $0x280, s7, s4, $0x38;
	[tilespmem:$0x1E1A0] =	vst v63  }
.Ltmp5:
0x27a: {  	_ = 	snop;
	(pc) =	sbr.rel @p1 .LBB2_14-.Ltmp5, $4  }
.Ltmp6:
0x27b: {  	_ = 	snop;
	(pc) =	sbr.rel @!p1 .LBB2_13-.Ltmp6, $4  }
0x27c: {  	_ =	swait.ge [sflag:s8], $0x2800  }
0x27d: {  	[sflag:s8] =	ssyncset.done $0x0  }
0x27e: {  	[sflag:s8] =	ssyncadd.s32 $0xFFFFD800  }
0x27f: {  	_ = 	snop  }
.LBB2_11:
0x280: {  	_ =	swait.ge [sflag:s8], $0x2800  }
0x281: {  	[sflag:s8] =	ssyncset.done $0x0  }
0x282: {  	[sflag:s8] =	ssyncadd.s32 $0xFFFFD800  }
.LBB2_13:
0x283: {  	s0 =	smul.u32 $0x140, s14  }
0x284: {  	[tilespmem:s30], [sflag:$0x6] =	stream.indirect.gather [hbm4b:s1+s28], $0x80, s12, s28, $0xb8;
	[tilespmem:$0x1E1A0] =	vst v63  }
0x285: {  	s0 =	sadd.s32 s0, s22  }
0x286: {  	s0 =	sshll.u32 s0, $0x4  }
0x287: {  	s0 =	sand.u32 $0x1FFFFF00, s0  }
0x288: {  	s0 =	sadd.s32 s2, s0  }
0x289: {  	[tilespmem:s25], [sflag:$0x4] =	stream.linear.gather [hbm4b:s0+s5], $0x2800, $0x38;
	[tilespmem:$0x1E1A0] =	vst v63  }
.LBB2_14:
0x28a: {  	s0 =	simm.s32 @p0 $0x50;
	s4 =	simm.s32 @p0 $0x410;
	s7 =	simm.s32 @p0 $0x5A0  }
0x28b: {  	[tilespmem:s7], [sflag:$0x6] =	stream.indirect.gather @p0 [hbm4b:s1+s0], $0x80, s4, s0, $0xb8;
	[tilespmem:$0x1E1A0] =	vst v63  }
0x28c: {  	s0 =	sadd.s32 @p0 s16, s22  }
0x28d: {  	s0 =	sshll.u32 @p0 s0, $0x4  }
0x28e: {  	s0 =	sand.u32 @p0 $0x1FFFFF00, s0  }
0x28f: {  	s4 =	simm.s32 @p0 $0x0;
	s7 =	simm.s32 @p0 $0x55A0;
	s0 =	sadd.s32 @p0 s2, s0  }
0x290: {  	[tilespmem:s7], [sflag:$0x4] =	stream.linear.gather @p0 [hbm4b:s0+s4], $0x2800, $0x38;
	[tilespmem:$0x1E1A0] =	vst v63  }
0x291: {  	_ =	swait.ge [sflag:s9], $0x2800  }
0x292: {  	[sflag:s9] =	ssyncset.done $0x0  }
0x293: {  	[sflag:s9] =	ssyncadd.s32 $0xFFFFD800  }
0x294: {  	_ =	swait.ge [sflag:s10], $0x2800  }
0x295: {  	[sflag:s10] =	ssyncset.done $0x0  }
0x296: {  	s16 =	simm.s32 $0x7EA0;
	[sflag:s10] =	ssyncadd.s32 $0xFFFFD800  }
0x297: {  	s18 =	simm.s32 $0x2EA0;
	v1 =	vld [tilespmem:s16+$0x80]  }
0x298: {  	v2 =	vld [tilespmem:s18+$0x80]  }
0x299: {  	v3 =	vld [tilespmem:s18+$0xFFFFFF00]  }
0x29a: {  	v4 =	vld [tilespmem:s16+$0xFFFFFF80]  }
0x29b: {  	v5 =	vld [tilespmem:s18+$0xFFFFFF80]  }
0x29c: {  	v6 =	vld [tilespmem:s18+$0x0]  }
0x29d: {  	v1 =	vadd.f32 v2, v1;
	v2 =	vld [tilespmem:s16+$0x0]  }
0x29e: {  	v7 =	vld [tilespmem:s16+$0xFFFFFF00]  }
0x29f: {  	v1 =	vmax.f32 v1, $0.0e+00  }
0x2a0: {  	v4 =	vadd.f32 v5, v4;
	[tilespmem:s16+$0x80] =	vst v1;
	v1 =	vld [tilespmem:s16+$0x90]  }
0x2a1: {  	v8 =	vld [tilespmem:s18+$0x90]  }
0x2a2: {  	v9 =	vld [tilespmem:s16+$0xFFFFFF90];
	v4 =	vmax.f32 v4, $0.0e+00;
	v2 =	vadd.f32 v6, v2  }
0x2a3: {  	v5 =	vld [tilespmem:s16+$0xFFFFFF10];
	v3 =	vadd.f32 v3, v7;
	[tilespmem:s16+$0xFFFFFF80] =	vst v4  }
0x2a4: {  	v6 =	vld [tilespmem:s18+$0xFFFFFF90];
	v2 =	vmax.f32 v2, $0.0e+00  }
0x2a5: {  	v3 =	vmax.f32 v3, $0.0e+00;
	v4 =	vld [tilespmem:s16+$0x10];
	[tilespmem:s16+$0x0] =	vst v2  }
0x2a6: {  	[tilespmem:s16+$0xFFFFFF00] =	vst v3;
	v1 =	vadd.f32 v8, v1;
	v2 =	vld [tilespmem:s18+$0x10]  }
0x2a7: {  	v3 =	vld [tilespmem:s18+$0xFFFFFF10]  }
0x2a8: {  	v1 =	vmax.f32 v1, $0.0e+00  }
0x2a9: {  	v6 =	vadd.f32 v6, v9;
	[tilespmem:s16+$0x90] =	vst v1;
	v1 =	vld [tilespmem:s16+$0xA0]  }
0x2aa: {  	v8 =	vld [tilespmem:s18+$0xA0]  }
0x2ab: {  	v7 =	vld [tilespmem:s16+$0xFFFFFF20];
	v6 =	vmax.f32 v6, $0.0e+00;
	v2 =	vadd.f32 v2, v4  }
0x2ac: {  	v3 =	vadd.f32 v3, v5;
	v9 =	vld [tilespmem:s16+$0xFFFFFFA0];
	[tilespmem:s16+$0xFFFFFF90] =	vst v6  }
0x2ad: {  	v5 =	vld [tilespmem:s18+$0xFFFFFFA0];
	v2 =	vmax.f32 v2, $0.0e+00  }
0x2ae: {  	v3 =	vmax.f32 v3, $0.0e+00;
	v4 =	vld [tilespmem:s16+$0x20];
	[tilespmem:s16+$0x10] =	vst v2  }
0x2af: {  	[tilespmem:s16+$0xFFFFFF10] =	vst v3;
	v1 =	vadd.f32 v8, v1;
	v2 =	vld [tilespmem:s18+$0x20]  }
0x2b0: {  	v3 =	vld [tilespmem:s18+$0xFFFFFF20]  }
0x2b1: {  	v1 =	vmax.f32 v1, $0.0e+00  }
0x2b2: {  	v5 =	vadd.f32 v5, v9;
	[tilespmem:s16+$0xA0] =	vst v1;
	v1 =	vld [tilespmem:s16+$0xB0]  }
0x2b3: {  	v8 =	vld [tilespmem:s18+$0xB0]  }
0x2b4: {  	v10 =	vld [tilespmem:s16+$0x30];
	v5 =	vmax.f32 v5, $0.0e+00;
	v2 =	vadd.f32 v2, v4  }
0x2b5: {  	v3 =	vadd.f32 v3, v7;
	v9 =	vld [tilespmem:s16+$0xFFFFFFB0];
	[tilespmem:s16+$0xFFFFFFA0] =	vst v5  }
0x2b6: {  	v4 =	vld [tilespmem:s18+$0xFFFFFFB0];
	v2 =	vmax.f32 v2, $0.0e+00  }
0x2b7: {  	v6 =	vld [tilespmem:s16+$0xFFFFFF30];
	[tilespmem:s16+$0x20] =	vst v2;
	v2 =	vmax.f32 v3, $0.0e+00  }
0x2b8: {  	v1 =	vadd.f32 v8, v1;
	[tilespmem:s16+$0xFFFFFF20] =	vst v2;
	v2 =	vld [tilespmem:s18+$0x30]  }
0x2b9: {  	v7 =	vld [tilespmem:s18+$0xFFFFFF30]  }
0x2ba: {  	v11 =	vld [tilespmem:s16+$0xFFFFFF40];
	v1 =	vmax.f32 v1, $0.0e+00  }
0x2bb: {  	v4 =	vadd.f32 v4, v9;
	[tilespmem:s16+$0xB0] =	vst v1;
	v1 =	vld [tilespmem:s16+$0xC0]  }
0x2bc: {  	v8 =	vld [tilespmem:s18+$0xC0]  }
0x2bd: {  	v12 =	vld [tilespmem:s16+$0xFFFFFFD0];
	v4 =	vmax.f32 v4, $0.0e+00;
	v2 =	vadd.f32 v2, v10  }
0x2be: {  	v5 =	vld [tilespmem:s16+$0xFFFFFFC0];
	[tilespmem:s16+$0xFFFFFFB0] =	vst v4;
	v6 =	vadd.f32 v7, v6  }
0x2bf: {  	v7 =	vld [tilespmem:s18+$0xFFFFFFC0];
	v2 =	vmax.f32 v2, $0.0e+00  }
0x2c0: {  	v3 =	vld [tilespmem:s16+$0x40];
	[tilespmem:s16+$0x30] =	vst v2;
	v2 =	vmax.f32 v6, $0.0e+00  }
0x2c1: {  	v1 =	vadd.f32 v8, v1;
	v6 =	vld [tilespmem:s18+$0x40];
	[tilespmem:s16+$0xFFFFFF30] =	vst v2  }
0x2c2: {  	v2 =	vld [tilespmem:s18+$0xFFFFFF40]  }
0x2c3: {  	v9 =	vld [tilespmem:s16+$0xFFFFFF50];
	v1 =	vmax.f32 v1, $0.0e+00  }
0x2c4: {  	[tilespmem:s16+$0xC0] =	vst v1;
	v1 =	vadd.f32 v7, v5;
	v7 =	vld [tilespmem:s16+$0xD0]  }
0x2c5: {  	v8 =	vld [tilespmem:s18+$0xD0]  }
0x2c6: {  	v4 =	vld [tilespmem:s16+$0xFFFFFF60];
	v1 =	vmax.f32 v1, $0.0e+00;
	v3 =	vadd.f32 v6, v3  }
0x2c7: {  	v10 =	vld [tilespmem:s16+$0x50];
	[tilespmem:s16+$0xFFFFFFC0] =	vst v1;
	v1 =	vadd.f32 v2, v11  }
0x2c8: {  	v2 =	vld [tilespmem:s18+$0xFFFFFFD0];
	v3 =	vmax.f32 v3, $0.0e+00  }
0x2c9: {  	v5 =	vld [tilespmem:s16+$0xFFFFFFE0];
	[tilespmem:s16+$0x40] =	vst v3;
	v1 =	vmax.f32 v1, $0.0e+00  }
0x2ca: {  	v3 =	vld [tilespmem:s18+$0x50];
	v7 =	vadd.f32 v8, v7;
	[tilespmem:s16+$0xFFFFFF40] =	vst v1  }
0x2cb: {  	v1 =	vld [tilespmem:s18+$0xFFFFFF50]  }
0x2cc: {  	v6 =	vld [tilespmem:s16+$0x60];
	v7 =	vmax.f32 v7, $0.0e+00  }
0x2cd: {  	v2 =	vadd.f32 v2, v12;
	[tilespmem:s16+$0xD0] =	vst v7;
	v7 =	vld [tilespmem:s16+$0xE0]  }
0x2ce: {  	v11 =	vld [tilespmem:s18+$0xE0]  }
0x2cf: {  	v2 =	vmax.f32 v2, $0.0e+00;
	v8 =	vadd.f32 v3, v10;
	v3 =	vld [tilespmem:s16+$0xFFFFFF70]  }
0x2d0: {  	[tilespmem:s16+$0xFFFFFFD0] =	vst v2;
	v1 =	vadd.f32 v1, v9;
	v2 =	vld [tilespmem:s16+$0xFFFFFFF0]  }
0x2d1: {  	v9 =	vmax.f32 v8, $0.0e+00;
	v8 =	vld [tilespmem:s18+$0xFFFFFFE0]  }
0x2d2: {  	[tilespmem:s16+$0x50] =	vst v9;
	v9 =	vmax.f32 v1, $0.0e+00;
	v1 =	vld [tilespmem:s16+$0x70]  }
0x2d3: {  	[tilespmem:s16+$0xFFFFFF50] =	vst v9;
	v9 =	vld [tilespmem:s18+$0x60];
	v7 =	vadd.f32 v11, v7  }
0x2d4: {  	v10 =	vld [tilespmem:s18+$0xFFFFFF60]  }
0x2d5: {  	s23 =	simm.s32 $0x0;
	s0 =	simm.s32 $0x80A0;
	s4 =	simm.s32 $0x2EA0;
	v11 =	vmax.f32 v7, $0.0e+00;
	v7 =	vld [tilespmem:s16+$0xF0]  }
.LBB2_15:
0x2d6: {  	v12 =	vld [tilespmem:s0+$0x80];
	v5 =	vadd.f32 v8, v5;
	[tilespmem:s16+$0xE0] =	vst v11  }
0x2d7: {  	s4 =	sadd.s32 $0x200, s4;
	v8 =	vld [tilespmem:s18+$0xF0]  }
0x2d8: {  	s23 =	sadd.s32 $0x4, s23;
	v11 =	vld [tilespmem:s4+$0x80];
	v5 =	vmax.f32 v5, $0.0e+00;
	v6 =	vadd.f32 v9, v6  }
0x2d9: {  	p2 =	slt.u32 s23, $0x4C;
	v9 =	vld [tilespmem:s4+$0xFFFFFF00];
	v4 =	vadd.f32 v10, v4;
	[tilespmem:s16+$0xFFFFFFE0] =	vst v5  }
0x2da: {  	v5 =	vld [tilespmem:s0+$0xFFFFFF80];
	v6 =	vmax.f32 v6, $0.0e+00  }
0x2db: {  	v10 =	vld [tilespmem:s4+$0xFFFFFF80];
	v4 =	vmax.f32 v4, $0.0e+00;
	[tilespmem:s16+$0x60] =	vst v6  }
0x2dc: {  	v6 =	vld [tilespmem:s0+$0x0];
	[tilespmem:s16+$0xFFFFFF60] =	vst v4;
	v4 =	vadd.f32 v8, v7  }
0x2dd: {  	v7 =	vld [tilespmem:s4+$0x0];
	v8 =	vadd.f32 v11, v12  }
0x2de: {  	v11 =	vld [tilespmem:s0+$0xFFFFFF00];
	v4 =	vmax.f32 v4, $0.0e+00  }
0x2df: {  	v12 =	vld [tilespmem:s0+$0xFFFFFF10];
	v8 =	vmax.f32 v8, $0.0e+00;
	[tilespmem:s16+$0xF0] =	vst v4  }
0x2e0: {  	v4 =	vadd.f32 v10, v5;
	[tilespmem:s0+$0x80] =	vst v8;
	v5 =	vld [tilespmem:s0+$0x90]  }
0x2e1: {  	v8 =	vld [tilespmem:s4+$0x90]  }
0x2e2: {  	v4 =	vmax.f32 v4, $0.0e+00;
	v10 =	vld [tilespmem:s0+$0xFFFFFF90];
	v6 =	vadd.f32 v7, v6  }
0x2e3: {  	v7 =	vadd.f32 v9, v11;
	[tilespmem:s0+$0xFFFFFF80] =	vst v4;
	v4 =	vld [tilespmem:s0+$0x10]  }
0x2e4: {  	v9 =	vld [tilespmem:s4+$0xFFFFFF90];
	v6 =	vmax.f32 v6, $0.0e+00  }
0x2e5: {  	v7 =	vmax.f32 v7, $0.0e+00;
	v11 =	vld [tilespmem:s0+$0xFFFFFF20];
	[tilespmem:s0+$0x0] =	vst v6  }
0x2e6: {  	[tilespmem:s0+$0xFFFFFF00] =	vst v7;
	v6 =	vld [tilespmem:s4+$0x10];
	v5 =	vadd.f32 v8, v5  }
0x2e7: {  	v7 =	vld [tilespmem:s4+$0xFFFFFF10]  }
0x2e8: {  	v8 =	vld [tilespmem:s0+$0xFFFFFFA0];
	v5 =	vmax.f32 v5, $0.0e+00  }
0x2e9: {  	v9 =	vadd.f32 v9, v10;
	[tilespmem:s0+$0x90] =	vst v5;
	v5 =	vld [tilespmem:s0+$0xA0]  }
0x2ea: {  	v10 =	vld [tilespmem:s4+$0xA0]  }
0x2eb: {  	v9 =	vmax.f32 v9, $0.0e+00;
	v4 =	vadd.f32 v6, v4;
	v6 =	vld [tilespmem:s0+$0x20]  }
0x2ec: {  	v7 =	vadd.f32 v7, v12;
	v12 =	vld [tilespmem:s0+$0xFFFFFF30];
	[tilespmem:s0+$0xFFFFFF90] =	vst v9  }
0x2ed: {  	v9 =	vld [tilespmem:s4+$0xFFFFFFA0];
	v4 =	vmax.f32 v4, $0.0e+00  }
0x2ee: {  	v7 =	vmax.f32 v7, $0.0e+00;
	v13 =	vld [tilespmem:s0+$0xFFFFFFB0];
	[tilespmem:s0+$0x10] =	vst v4  }
0x2ef: {  	[tilespmem:s0+$0xFFFFFF10] =	vst v7;
	v4 =	vld [tilespmem:s4+$0x20];
	v5 =	vadd.f32 v10, v5  }
0x2f0: {  	v7 =	vld [tilespmem:s4+$0xFFFFFF20]  }
0x2f1: {  	v10 =	vld [tilespmem:s0+$0x30];
	v5 =	vmax.f32 v5, $0.0e+00  }
0x2f2: {  	v8 =	vadd.f32 v9, v8;
	[tilespmem:s0+$0xA0] =	vst v5;
	v5 =	vld [tilespmem:s0+$0xB0]  }
0x2f3: {  	v9 =	vld [tilespmem:s4+$0xB0]  }
0x2f4: {  	v14 =	vld [tilespmem:s0+$0xFFFFFF40];
	v8 =	vmax.f32 v8, $0.0e+00;
	v4 =	vadd.f32 v4, v6  }
0x2f5: {  	v6 =	vadd.f32 v7, v11;
	[tilespmem:s0+$0xFFFFFFA0] =	vst v8;
	v7 =	vld [tilespmem:s0+$0xFFFFFFC0]  }
0x2f6: {  	v8 =	vld [tilespmem:s4+$0xFFFFFFB0];
	v4 =	vmax.f32 v4, $0.0e+00  }
0x2f7: {  	v6 =	vmax.f32 v6, $0.0e+00;
	[tilespmem:s0+$0x20] =	vst v4;
	v11 =	vld [tilespmem:s0+$0x40]  }
0x2f8: {  	[tilespmem:s0+$0xFFFFFF20] =	vst v6;
	v4 =	vld [tilespmem:s4+$0x30];
	v5 =	vadd.f32 v9, v5  }
0x2f9: {  	v6 =	vld [tilespmem:s4+$0xFFFFFF30]  }
0x2fa: {  	v9 =	vld [tilespmem:s0+$0xFFFFFF50];
	v5 =	vmax.f32 v5, $0.0e+00  }
0x2fb: {  	v8 =	vadd.f32 v8, v13;
	[tilespmem:s0+$0xB0] =	vst v5;
	v5 =	vld [tilespmem:s0+$0xC0]  }
0x2fc: {  	v13 =	vld [tilespmem:s4+$0xC0]  }
0x2fd: {  	v8 =	vmax.f32 v8, $0.0e+00;
	v15 =	vld [tilespmem:s0+$0xFFFFFFD0];
	v4 =	vadd.f32 v4, v10  }
0x2fe: {  	v6 =	vadd.f32 v6, v12;
	[tilespmem:s0+$0xFFFFFFB0] =	vst v8;
	v8 =	vld [tilespmem:s0+$0x50]  }
0x2ff: {  	v10 =	vld [tilespmem:s4+$0xFFFFFFC0];
	v12 =	vmax.f32 v4, $0.0e+00  }
0x300: {  	v6 =	vmax.f32 v6, $0.0e+00;
	v4 =	vld [tilespmem:s0+$0xFFFFFF60];
	[tilespmem:s0+$0x30] =	vst v12  }
0x301: {  	[tilespmem:s0+$0xFFFFFF30] =	vst v6;
	v6 =	vld [tilespmem:s4+$0x40];
	v12 =	vadd.f32 v13, v5  }
0x302: {  	v13 =	vld [tilespmem:s4+$0xFFFFFF40]  }
0x303: {  	v5 =	vld [tilespmem:s0+$0xFFFFFFE0];
	v12 =	vmax.f32 v12, $0.0e+00  }
0x304: {  	v7 =	vadd.f32 v10, v7;
	[tilespmem:s0+$0xC0] =	vst v12;
	v10 =	vld [tilespmem:s0+$0xD0]  }
0x305: {  	v12 =	vld [tilespmem:s4+$0xD0]  }
0x306: {  	v7 =	vmax.f32 v7, $0.0e+00;
	v11 =	vadd.f32 v6, v11;
	v6 =	vld [tilespmem:s0+$0x60]  }
0x307: {  	v13 =	vadd.f32 v13, v14;
	[tilespmem:s0+$0xFFFFFFC0] =	vst v7;
	v7 =	vld [tilespmem:s18+$0xFFFFFF70]  }
0x308: {  	v14 =	vld [tilespmem:s4+$0xFFFFFFD0];
	v11 =	vmax.f32 v11, $0.0e+00  }
0x309: {  	v13 =	vmax.f32 v13, $0.0e+00;
	[tilespmem:s0+$0x40] =	vst v11;
	v11 =	vld [tilespmem:s18+$0xFFFFFFF0]  }
0x30a: {  	[tilespmem:s0+$0xFFFFFF40] =	vst v13;
	v13 =	vld [tilespmem:s4+$0x50];
	v10 =	vadd.f32 v12, v10  }
0x30b: {  	v12 =	vld [tilespmem:s4+$0xFFFFFF50]  }
0x30c: {  	v10 =	vmax.f32 v10, $0.0e+00;
	v3 =	vadd.f32 v7, v3;
	v7 =	vld [tilespmem:s18+$0x70];
	s18 =	smov.u32 s4  }
0x30d: {  	v14 =	vadd.f32 v14, v15;
	[tilespmem:s0+$0xD0] =	vst v10;
	v10 =	vld [tilespmem:s0+$0xE0]  }
0x30e: {  	v15 =	vld [tilespmem:s4+$0xE0];
	v16 =	vmax.f32 v3, $0.0e+00;
	v11 =	vadd.f32 v11, v2  }
0x30f: {  	v3 =	vld [tilespmem:s0+$0xFFFFFF70];
	v2 =	vmax.f32 v14, $0.0e+00;
	v13 =	vadd.f32 v13, v8;
	[tilespmem:s16+$0xFFFFFF70] =	vst v16  }
0x310: {  	v9 =	vadd.f32 v12, v9;
	[tilespmem:s0+$0xFFFFFFD0] =	vst v2;
	v2 =	vld [tilespmem:s0+$0xFFFFFFF0];
	v11 =	vmax.f32 v11, $0.0e+00  }
.Ltmp7:
0x311: {  	v8 =	vld [tilespmem:s4+$0xFFFFFFE0];
	v12 =	vmax.f32 v13, $0.0e+00;
	[tilespmem:s16+$0xFFFFFFF0] =	vst v11;
	v7 =	vadd.f32 v7, v1;
	(pc) =	sbr.rel @p2 .LBB2_15-.Ltmp7, $4  }
0x312: {  	v9 =	vmax.f32 v9, $0.0e+00;
	[tilespmem:s0+$0x50] =	vst v12;
	v1 =	vld [tilespmem:s0+$0x70]  }
0x313: {  	[tilespmem:s0+$0xFFFFFF50] =	vst v9;
	v9 =	vld [tilespmem:s4+$0x60];
	v11 =	vadd.f32 v15, v10;
	v7 =	vmax.f32 v7, $0.0e+00  }
0x314: {  	v10 =	vld [tilespmem:s4+$0xFFFFFF60];
	[tilespmem:s16+$0x70] =	vst v7;
	s16 =	smov.u32 s0  }
0x315: {  	s0 =	sadd.s32 $0x200, s0;
	v11 =	vmax.f32 v11, $0.0e+00;
	v7 =	vld [tilespmem:s16+$0xF0]  }
0x316: {  	_ =	sdelay $0x2  }
0x317: {  	v4 =	vadd.f32 v10, v4  }
0x318: {  	v5 =	vadd.f32 v8, v5  }
0x319: {  	[tilespmem:s16+$0xE0] =	vst v11;
	v6 =	vadd.f32 v9, v6;
	v4 =	vmax.f32 v4, $0.0e+00  }
0x31a: {  	v8 =	vld [tilespmem:s18+$0xF0];
	v5 =	vmax.f32 v5, $0.0e+00;
	[tilespmem:s16+$0xFFFFFF60] =	vst v4  }
0x31b: {  	[tilespmem:s16+$0xFFFFFFE0] =	vst v5;
	v4 =	vmax.f32 v6, $0.0e+00;
	v5 =	vld [tilespmem:s18+$0xFFFFFF70]  }
0x31c: {  	[tilespmem:s16+$0x60] =	vst v4;
	v4 =	vld [tilespmem:s18+$0xFFFFFFF0]  }
0x31d: {  	v6 =	vld [tilespmem:s18+$0x70];
	_ =	sdelay $0x1  }
0x31e: {  	v7 =	vadd.f32 v8, v7  }
0x31f: {  	v3 =	vadd.f32 v5, v3  }
0x320: {  	v5 =	vmax.f32 v7, $0.0e+00;
	v2 =	vadd.f32 v4, v2  }
0x321: {  	[tilespmem:s16+$0xF0] =	vst v5;
	v1 =	vadd.f32 v6, v1;
	v3 =	vmax.f32 v3, $0.0e+00  }
0x322: {  	v2 =	vmax.f32 v2, $0.0e+00;
	[tilespmem:s16+$0xFFFFFF70] =	vst v3  }
0x323: {  	s0 =	simm.s32 @!p1 $0x50;
	[tilespmem:s16+$0xFFFFFFF0] =	vst v2;
	v1 =	vmax.f32 v1, $0.0e+00  }
0x324: {  	s4 =	simm.s32 @!p1 $0x280;
	s7 =	simm.s32 @!p1 $0x7DA0;
	p2 =	seq.s32 s14, $0x1E;
	[tilespmem:s16+$0x70] =	vst v1  }
0x325: {  	[spmem:s3] =	stream.indirect.scatter.add.f32 @!p1 [tilespmem:s7], [sflag:$0x9], $0x80, s4, s0, $0xb8;
	[tilespmem:$0x1E1A0] =	vst v63  }
0x326: {  	s0 =	simm.s32 @p0 $0x50;
	s4 =	simm.s32 @p0 $0x500;
	s7 =	simm.s32 @p0 $0x7DA0  }
0x327: {  	[spmem:s3] =	stream.indirect.scatter.add.f32 @p0 [tilespmem:s7], [sflag:$0x9], $0x80, s4, s0, $0xb8;
	[tilespmem:$0x1E1A0] =	vst v63  }
0x328: {  	p3 =	sne.s32 @!p2 s15, $0x0;
	_ =	swait.ge [sflag:s11], $0x2800  }
0x329: {  	p2 =	por p3, p2;
	[sflag:s11] =	ssyncset.done $0x0  }
0x32a: {  	s4 =	simm.s32 @!p2 $0x3;
	[sflag:s11] =	ssyncadd.s32 $0xFFFFD800  }
0x32b: {  	_ =	swait.ge @!p2 [sflag:s4], $0x280  }
0x32c: {  	s15 =	simm.s32 @!p2 $0x320;
	s18 =	smul.u32 @!p2 $0x140, s14;
	[sflag:s4] =	ssyncset.done @!p2 $0x0  }
0x32d: {  	s16 =	simm.s32 @!p2 $0x2DA0;
	[sflag:s4] =	ssyncadd.s32 @!p2 $0xFFFFFD80;
	s4 =	simm.s32 @!p2 $0x50  }
0x32e: {  	[tilespmem:s16], [sflag:$0x7] =	stream.indirect.gather @!p2 [hbm4b:s1+s4], $0x80, s15, s4, $0xb8;
	[tilespmem:$0x1E1A0] =	vst v63  }
0x32f: {  	s4 =	sadd.s32 @!p2 s18, s21  }
0x330: {  	s4 =	sshll.u32 @!p2 s4, $0x4  }
0x331: {  	s4 =	sand.u32 @!p2 $0x1FFFFF00, s4  }
0x332: {  	s15 =	simm.s32 @!p2 $0x0;
	s16 =	simm.s32 @!p2 $0x7DA0;
	s4 =	sadd.s32 @!p2 s2, s4  }
0x333: {  	[tilespmem:s16], [sflag:$0x5] =	stream.linear.gather @!p2 [hbm4b:s4+s15], $0x2800, $0x38;
	[tilespmem:$0x1E1A0] =	vst v63  }
0x334: {  	s4 =	simm.s32 @p0 $0x2  }
0x335: {  	_ =	swait.ge @p0 [sflag:s4], $0x280  }
0x336: {  	[sflag:s4] =	ssyncset.done @p0 $0x0  }
0x337: {  	s15 =	simm.s32 @p0 $0x2DA0;
	[sflag:s4] =	ssyncadd.s32 @p0 $0xFFFFFD80;
	s4 =	simm.s32 @p0 $0xA0  }
0x338: {  	[tilespmem:s15], [sflag:$0x7] =	stream.indirect.gather @p0 [hbm4b:s1+s0], $0x80, s4, s0, $0xb8;
	[tilespmem:$0x1E1A0] =	vst v63  }
0x339: {  	s0 =	sshll.u32 @p0 s17, $0x4  }
0x33a: {  	s0 =	sand.u32 @p0 $0x1FFFFF00, s0  }
0x33b: {  	s4 =	simm.s32 @p0 $0x0;
	s0 =	sadd.s32 @p0 s2, s0  }
0x33c: {  	[tilespmem:s7], [sflag:$0x5] =	stream.linear.gather @p0 [hbm4b:s0+s4], $0x2800, $0x38;
	[tilespmem:$0x1E1A0] =	vst v63  }
0x33d: {  	_ =	swait.ge [sflag:s29], $0x2800  }
0x33e: {  	[sflag:s29] =	ssyncset.done $0x0  }
0x33f: {  	[sflag:s29] =	ssyncadd.s32 $0xFFFFD800  }
0x340: {  	_ =	swait.ge [sflag:s31], $0x2800  }
0x341: {  	[sflag:s31] =	ssyncset.done $0x0  }
0x342: {  	s15 =	simm.s32 $0x56A0;
	[sflag:s31] =	ssyncadd.s32 $0xFFFFD800  }
0x343: {  	s16 =	simm.s32 $0x6A0;
	v1 =	vld [tilespmem:s15+$0x80]  }
0x344: {  	v2 =	vld [tilespmem:s16+$0x80]  }
0x345: {  	v3 =	vld [tilespmem:s16+$0xFFFFFF00]  }
0x346: {  	v4 =	vld [tilespmem:s15+$0xFFFFFF80]  }
0x347: {  	v5 =	vld [tilespmem:s16+$0xFFFFFF80]  }
0x348: {  	v6 =	vld [tilespmem:s16+$0x0]  }
0x349: {  	v1 =	vadd.f32 v2, v1;
	v2 =	vld [tilespmem:s15+$0x0]  }
0x34a: {  	v7 =	vld [tilespmem:s15+$0xFFFFFF00]  }
0x34b: {  	v1 =	vmax.f32 v1, $0.0e+00  }
0x34c: {  	v4 =	vadd.f32 v5, v4;
	[tilespmem:s15+$0x80] =	vst v1;
	v1 =	vld [tilespmem:s15+$0x90]  }
0x34d: {  	v8 =	vld [tilespmem:s16+$0x90]  }
0x34e: {  	v9 =	vld [tilespmem:s15+$0xFFFFFF90];
	v4 =	vmax.f32 v4, $0.0e+00;
	v2 =	vadd.f32 v6, v2  }
0x34f: {  	v5 =	vld [tilespmem:s15+$0xFFFFFF10];
	v3 =	vadd.f32 v3, v7;
	[tilespmem:s15+$0xFFFFFF80] =	vst v4  }
0x350: {  	v6 =	vld [tilespmem:s16+$0xFFFFFF90];
	v2 =	vmax.f32 v2, $0.0e+00  }
0x351: {  	v3 =	vmax.f32 v3, $0.0e+00;
	v4 =	vld [tilespmem:s15+$0x10];
	[tilespmem:s15+$0x0] =	vst v2  }
0x352: {  	[tilespmem:s15+$0xFFFFFF00] =	vst v3;
	v1 =	vadd.f32 v8, v1;
	v2 =	vld [tilespmem:s16+$0x10]  }
0x353: {  	v3 =	vld [tilespmem:s16+$0xFFFFFF10]  }
0x354: {  	v1 =	vmax.f32 v1, $0.0e+00  }
0x355: {  	v6 =	vadd.f32 v6, v9;
	[tilespmem:s15+$0x90] =	vst v1;
	v1 =	vld [tilespmem:s15+$0xA0]  }
0x356: {  	v8 =	vld [tilespmem:s16+$0xA0]  }
0x357: {  	v7 =	vld [tilespmem:s15+$0xFFFFFF20];
	v6 =	vmax.f32 v6, $0.0e+00;
	v2 =	vadd.f32 v2, v4  }
0x358: {  	v3 =	vadd.f32 v3, v5;
	v9 =	vld [tilespmem:s15+$0xFFFFFFA0];
	[tilespmem:s15+$0xFFFFFF90] =	vst v6  }
0x359: {  	v5 =	vld [tilespmem:s16+$0xFFFFFFA0];
	v2 =	vmax.f32 v2, $0.0e+00  }
0x35a: {  	v3 =	vmax.f32 v3, $0.0e+00;
	v4 =	vld [tilespmem:s15+$0x20];
	[tilespmem:s15+$0x10] =	vst v2  }
0x35b: {  	[tilespmem:s15+$0xFFFFFF10] =	vst v3;
	v1 =	vadd.f32 v8, v1;
	v2 =	vld [tilespmem:s16+$0x20]  }
0x35c: {  	v3 =	vld [tilespmem:s16+$0xFFFFFF20]  }
0x35d: {  	v1 =	vmax.f32 v1, $0.0e+00  }
0x35e: {  	v5 =	vadd.f32 v5, v9;
	[tilespmem:s15+$0xA0] =	vst v1;
	v1 =	vld [tilespmem:s15+$0xB0]  }
0x35f: {  	v8 =	vld [tilespmem:s16+$0xB0]  }
0x360: {  	v10 =	vld [tilespmem:s15+$0x30];
	v5 =	vmax.f32 v5, $0.0e+00;
	v2 =	vadd.f32 v2, v4  }
0x361: {  	v3 =	vadd.f32 v3, v7;
	v9 =	vld [tilespmem:s15+$0xFFFFFFB0];
	[tilespmem:s15+$0xFFFFFFA0] =	vst v5  }
0x362: {  	v4 =	vld [tilespmem:s16+$0xFFFFFFB0];
	v2 =	vmax.f32 v2, $0.0e+00  }
0x363: {  	v6 =	vld [tilespmem:s15+$0xFFFFFF30];
	[tilespmem:s15+$0x20] =	vst v2;
	v2 =	vmax.f32 v3, $0.0e+00  }
0x364: {  	v1 =	vadd.f32 v8, v1;
	[tilespmem:s15+$0xFFFFFF20] =	vst v2;
	v2 =	vld [tilespmem:s16+$0x30]  }
0x365: {  	v7 =	vld [tilespmem:s16+$0xFFFFFF30]  }
0x366: {  	v11 =	vld [tilespmem:s15+$0xFFFFFF40];
	v1 =	vmax.f32 v1, $0.0e+00  }
0x367: {  	v4 =	vadd.f32 v4, v9;
	[tilespmem:s15+$0xB0] =	vst v1;
	v1 =	vld [tilespmem:s15+$0xC0]  }
0x368: {  	v8 =	vld [tilespmem:s16+$0xC0]  }
0x369: {  	v12 =	vld [tilespmem:s15+$0xFFFFFFD0];
	v4 =	vmax.f32 v4, $0.0e+00;
	v2 =	vadd.f32 v2, v10  }
0x36a: {  	v5 =	vld [tilespmem:s15+$0xFFFFFFC0];
	[tilespmem:s15+$0xFFFFFFB0] =	vst v4;
	v6 =	vadd.f32 v7, v6  }
0x36b: {  	v7 =	vld [tilespmem:s16+$0xFFFFFFC0];
	v2 =	vmax.f32 v2, $0.0e+00  }
0x36c: {  	v3 =	vld [tilespmem:s15+$0x40];
	[tilespmem:s15+$0x30] =	vst v2;
	v2 =	vmax.f32 v6, $0.0e+00  }
0x36d: {  	v1 =	vadd.f32 v8, v1;
	v6 =	vld [tilespmem:s16+$0x40];
	[tilespmem:s15+$0xFFFFFF30] =	vst v2  }
0x36e: {  	v2 =	vld [tilespmem:s16+$0xFFFFFF40]  }
0x36f: {  	v9 =	vld [tilespmem:s15+$0xFFFFFF50];
	v1 =	vmax.f32 v1, $0.0e+00  }
0x370: {  	[tilespmem:s15+$0xC0] =	vst v1;
	v1 =	vadd.f32 v7, v5;
	v7 =	vld [tilespmem:s15+$0xD0]  }
0x371: {  	v8 =	vld [tilespmem:s16+$0xD0]  }
0x372: {  	v4 =	vld [tilespmem:s15+$0xFFFFFF60];
	v1 =	vmax.f32 v1, $0.0e+00;
	v3 =	vadd.f32 v6, v3  }
0x373: {  	v10 =	vld [tilespmem:s15+$0x50];
	[tilespmem:s15+$0xFFFFFFC0] =	vst v1;
	v1 =	vadd.f32 v2, v11  }
0x374: {  	v2 =	vld [tilespmem:s16+$0xFFFFFFD0];
	v3 =	vmax.f32 v3, $0.0e+00  }
0x375: {  	v5 =	vld [tilespmem:s15+$0xFFFFFFE0];
	[tilespmem:s15+$0x40] =	vst v3;
	v1 =	vmax.f32 v1, $0.0e+00  }
0x376: {  	v3 =	vld [tilespmem:s16+$0x50];
	v7 =	vadd.f32 v8, v7;
	[tilespmem:s15+$0xFFFFFF40] =	vst v1  }
0x377: {  	v1 =	vld [tilespmem:s16+$0xFFFFFF50]  }
0x378: {  	v6 =	vld [tilespmem:s15+$0x60];
	v7 =	vmax.f32 v7, $0.0e+00  }
0x379: {  	v2 =	vadd.f32 v2, v12;
	[tilespmem:s15+$0xD0] =	vst v7;
	v7 =	vld [tilespmem:s15+$0xE0]  }
0x37a: {  	v11 =	vld [tilespmem:s16+$0xE0]  }
0x37b: {  	v2 =	vmax.f32 v2, $0.0e+00;
	v8 =	vadd.f32 v3, v10;
	v3 =	vld [tilespmem:s15+$0xFFFFFF70]  }
0x37c: {  	[tilespmem:s15+$0xFFFFFFD0] =	vst v2;
	v1 =	vadd.f32 v1, v9;
	v2 =	vld [tilespmem:s15+$0xFFFFFFF0]  }
0x37d: {  	v9 =	vmax.f32 v8, $0.0e+00;
	v8 =	vld [tilespmem:s16+$0xFFFFFFE0]  }
0x37e: {  	[tilespmem:s15+$0x50] =	vst v9;
	v9 =	vmax.f32 v1, $0.0e+00;
	v1 =	vld [tilespmem:s15+$0x70]  }
0x37f: {  	[tilespmem:s15+$0xFFFFFF50] =	vst v9;
	v9 =	vld [tilespmem:s16+$0x60];
	v7 =	vadd.f32 v11, v7  }
0x380: {  	v10 =	vld [tilespmem:s16+$0xFFFFFF60]  }
0x381: {  	s17 =	simm.s32 $0x0;
	s0 =	simm.s32 $0x58A0;
	s4 =	simm.s32 $0x6A0;
	v11 =	vmax.f32 v7, $0.0e+00;
	v7 =	vld [tilespmem:s15+$0xF0]  }
.LBB2_17:
0x382: {  	v12 =	vld [tilespmem:s0+$0x80];
	v5 =	vadd.f32 v8, v5;
	[tilespmem:s15+$0xE0] =	vst v11  }
0x383: {  	s4 =	sadd.s32 $0x200, s4;
	v8 =	vld [tilespmem:s16+$0xF0]  }
0x384: {  	s17 =	sadd.s32 $0x4, s17;
	v11 =	vld [tilespmem:s4+$0x80];
	v5 =	vmax.f32 v5, $0.0e+00;
	v6 =	vadd.f32 v9, v6  }
0x385: {  	p2 =	slt.u32 s17, $0x4C;
	v9 =	vld [tilespmem:s4+$0xFFFFFF00];
	v4 =	vadd.f32 v10, v4;
	[tilespmem:s15+$0xFFFFFFE0] =	vst v5  }
0x386: {  	v5 =	vld [tilespmem:s0+$0xFFFFFF80];
	v6 =	vmax.f32 v6, $0.0e+00  }
0x387: {  	v10 =	vld [tilespmem:s4+$0xFFFFFF80];
	v4 =	vmax.f32 v4, $0.0e+00;
	[tilespmem:s15+$0x60] =	vst v6  }
0x388: {  	v6 =	vld [tilespmem:s0+$0x0];
	[tilespmem:s15+$0xFFFFFF60] =	vst v4;
	v4 =	vadd.f32 v8, v7  }
0x389: {  	v7 =	vld [tilespmem:s4+$0x0];
	v8 =	vadd.f32 v11, v12  }
0x38a: {  	v11 =	vld [tilespmem:s0+$0xFFFFFF00];
	v4 =	vmax.f32 v4, $0.0e+00  }
0x38b: {  	v12 =	vld [tilespmem:s0+$0xFFFFFF10];
	v8 =	vmax.f32 v8, $0.0e+00;
	[tilespmem:s15+$0xF0] =	vst v4  }
0x38c: {  	v4 =	vadd.f32 v10, v5;
	[tilespmem:s0+$0x80] =	vst v8;
	v5 =	vld [tilespmem:s0+$0x90]  }
0x38d: {  	v8 =	vld [tilespmem:s4+$0x90]  }
0x38e: {  	v4 =	vmax.f32 v4, $0.0e+00;
	v10 =	vld [tilespmem:s0+$0xFFFFFF90];
	v6 =	vadd.f32 v7, v6  }
0x38f: {  	v7 =	vadd.f32 v9, v11;
	[tilespmem:s0+$0xFFFFFF80] =	vst v4;
	v4 =	vld [tilespmem:s0+$0x10]  }
0x390: {  	v9 =	vld [tilespmem:s4+$0xFFFFFF90];
	v6 =	vmax.f32 v6, $0.0e+00  }
0x391: {  	v7 =	vmax.f32 v7, $0.0e+00;
	v11 =	vld [tilespmem:s0+$0xFFFFFF20];
	[tilespmem:s0+$0x0] =	vst v6  }
0x392: {  	[tilespmem:s0+$0xFFFFFF00] =	vst v7;
	v6 =	vld [tilespmem:s4+$0x10];
	v5 =	vadd.f32 v8, v5  }
0x393: {  	v7 =	vld [tilespmem:s4+$0xFFFFFF10]  }
0x394: {  	v8 =	vld [tilespmem:s0+$0xFFFFFFA0];
	v5 =	vmax.f32 v5, $0.0e+00  }
0x395: {  	v9 =	vadd.f32 v9, v10;
	[tilespmem:s0+$0x90] =	vst v5;
	v5 =	vld [tilespmem:s0+$0xA0]  }
0x396: {  	v10 =	vld [tilespmem:s4+$0xA0]  }
0x397: {  	v9 =	vmax.f32 v9, $0.0e+00;
	v4 =	vadd.f32 v6, v4;
	v6 =	vld [tilespmem:s0+$0x20]  }
0x398: {  	v7 =	vadd.f32 v7, v12;
	v12 =	vld [tilespmem:s0+$0xFFFFFF30];
	[tilespmem:s0+$0xFFFFFF90] =	vst v9  }
0x399: {  	v9 =	vld [tilespmem:s4+$0xFFFFFFA0];
	v4 =	vmax.f32 v4, $0.0e+00  }
0x39a: {  	v7 =	vmax.f32 v7, $0.0e+00;
	v13 =	vld [tilespmem:s0+$0xFFFFFFB0];
	[tilespmem:s0+$0x10] =	vst v4  }
0x39b: {  	[tilespmem:s0+$0xFFFFFF10] =	vst v7;
	v4 =	vld [tilespmem:s4+$0x20];
	v5 =	vadd.f32 v10, v5  }
0x39c: {  	v7 =	vld [tilespmem:s4+$0xFFFFFF20]  }
0x39d: {  	v10 =	vld [tilespmem:s0+$0x30];
	v5 =	vmax.f32 v5, $0.0e+00  }
0x39e: {  	v8 =	vadd.f32 v9, v8;
	[tilespmem:s0+$0xA0] =	vst v5;
	v5 =	vld [tilespmem:s0+$0xB0]  }
0x39f: {  	v9 =	vld [tilespmem:s4+$0xB0]  }
0x3a0: {  	v14 =	vld [tilespmem:s0+$0xFFFFFF40];
	v8 =	vmax.f32 v8, $0.0e+00;
	v4 =	vadd.f32 v4, v6  }
0x3a1: {  	v6 =	vadd.f32 v7, v11;
	[tilespmem:s0+$0xFFFFFFA0] =	vst v8;
	v7 =	vld [tilespmem:s0+$0xFFFFFFC0]  }
0x3a2: {  	v8 =	vld [tilespmem:s4+$0xFFFFFFB0];
	v4 =	vmax.f32 v4, $0.0e+00  }
0x3a3: {  	v6 =	vmax.f32 v6, $0.0e+00;
	[tilespmem:s0+$0x20] =	vst v4;
	v11 =	vld [tilespmem:s0+$0x40]  }
0x3a4: {  	[tilespmem:s0+$0xFFFFFF20] =	vst v6;
	v4 =	vld [tilespmem:s4+$0x30];
	v5 =	vadd.f32 v9, v5  }
0x3a5: {  	v6 =	vld [tilespmem:s4+$0xFFFFFF30]  }
0x3a6: {  	v9 =	vld [tilespmem:s0+$0xFFFFFF50];
	v5 =	vmax.f32 v5, $0.0e+00  }
0x3a7: {  	v8 =	vadd.f32 v8, v13;
	[tilespmem:s0+$0xB0] =	vst v5;
	v5 =	vld [tilespmem:s0+$0xC0]  }
0x3a8: {  	v13 =	vld [tilespmem:s4+$0xC0]  }
0x3a9: {  	v8 =	vmax.f32 v8, $0.0e+00;
	v15 =	vld [tilespmem:s0+$0xFFFFFFD0];
	v4 =	vadd.f32 v4, v10  }
0x3aa: {  	v6 =	vadd.f32 v6, v12;
	[tilespmem:s0+$0xFFFFFFB0] =	vst v8;
	v8 =	vld [tilespmem:s0+$0x50]  }
0x3ab: {  	v10 =	vld [tilespmem:s4+$0xFFFFFFC0];
	v12 =	vmax.f32 v4, $0.0e+00  }
0x3ac: {  	v6 =	vmax.f32 v6, $0.0e+00;
	v4 =	vld [tilespmem:s0+$0xFFFFFF60];
	[tilespmem:s0+$0x30] =	vst v12  }
0x3ad: {  	[tilespmem:s0+$0xFFFFFF30] =	vst v6;
	v6 =	vld [tilespmem:s4+$0x40];
	v12 =	vadd.f32 v13, v5  }
0x3ae: {  	v13 =	vld [tilespmem:s4+$0xFFFFFF40]  }
0x3af: {  	v5 =	vld [tilespmem:s0+$0xFFFFFFE0];
	v12 =	vmax.f32 v12, $0.0e+00  }
0x3b0: {  	v7 =	vadd.f32 v10, v7;
	[tilespmem:s0+$0xC0] =	vst v12;
	v10 =	vld [tilespmem:s0+$0xD0]  }
0x3b1: {  	v12 =	vld [tilespmem:s4+$0xD0]  }
0x3b2: {  	v7 =	vmax.f32 v7, $0.0e+00;
	v11 =	vadd.f32 v6, v11;
	v6 =	vld [tilespmem:s0+$0x60]  }
0x3b3: {  	v13 =	vadd.f32 v13, v14;
	[tilespmem:s0+$0xFFFFFFC0] =	vst v7;
	v7 =	vld [tilespmem:s16+$0xFFFFFF70]  }
0x3b4: {  	v14 =	vld [tilespmem:s4+$0xFFFFFFD0];
	v11 =	vmax.f32 v11, $0.0e+00  }
0x3b5: {  	v13 =	vmax.f32 v13, $0.0e+00;
	[tilespmem:s0+$0x40] =	vst v11;
	v11 =	vld [tilespmem:s16+$0xFFFFFFF0]  }
0x3b6: {  	[tilespmem:s0+$0xFFFFFF40] =	vst v13;
	v13 =	vld [tilespmem:s4+$0x50];
	v10 =	vadd.f32 v12, v10  }
0x3b7: {  	v12 =	vld [tilespmem:s4+$0xFFFFFF50]  }
0x3b8: {  	v10 =	vmax.f32 v10, $0.0e+00;
	v3 =	vadd.f32 v7, v3;
	v7 =	vld [tilespmem:s16+$0x70];
	s16 =	smov.u32 s4  }
0x3b9: {  	v14 =	vadd.f32 v14, v15;
	[tilespmem:s0+$0xD0] =	vst v10;
	v10 =	vld [tilespmem:s0+$0xE0]  }
0x3ba: {  	v15 =	vld [tilespmem:s4+$0xE0];
	v16 =	vmax.f32 v3, $0.0e+00;
	v11 =	vadd.f32 v11, v2  }
0x3bb: {  	v3 =	vld [tilespmem:s0+$0xFFFFFF70];
	v2 =	vmax.f32 v14, $0.0e+00;
	v13 =	vadd.f32 v13, v8;
	[tilespmem:s15+$0xFFFFFF70] =	vst v16  }
0x3bc: {  	v9 =	vadd.f32 v12, v9;
	[tilespmem:s0+$0xFFFFFFD0] =	vst v2;
	v2 =	vld [tilespmem:s0+$0xFFFFFFF0];
	v11 =	vmax.f32 v11, $0.0e+00  }
.Ltmp8:
0x3bd: {  	v8 =	vld [tilespmem:s4+$0xFFFFFFE0];
	v12 =	vmax.f32 v13, $0.0e+00;
	[tilespmem:s15+$0xFFFFFFF0] =	vst v11;
	v7 =	vadd.f32 v7, v1;
	(pc) =	sbr.rel @p2 .LBB2_17-.Ltmp8, $4  }
0x3be: {  	v9 =	vmax.f32 v9, $0.0e+00;
	[tilespmem:s0+$0x50] =	vst v12;
	v1 =	vld [tilespmem:s0+$0x70]  }
0x3bf: {  	[tilespmem:s0+$0xFFFFFF50] =	vst v9;
	v9 =	vld [tilespmem:s4+$0x60];
	v11 =	vadd.f32 v15, v10;
	v7 =	vmax.f32 v7, $0.0e+00  }
0x3c0: {  	v10 =	vld [tilespmem:s4+$0xFFFFFF60];
	[tilespmem:s15+$0x70] =	vst v7;
	s15 =	smov.u32 s0  }
0x3c1: {  	s0 =	sadd.s32 $0x200, s0;
	v11 =	vmax.f32 v11, $0.0e+00;
	v7 =	vld [tilespmem:s15+$0xF0]  }
0x3c2: {  	_ = 	snop  }
0x3c3: {  	v5 =	vadd.f32 v8, v5  }
0x3c4: {  	v6 =	vadd.f32 v9, v6  }
0x3c5: {  	[tilespmem:s15+$0xE0] =	vst v11;
	v5 =	vmax.f32 v5, $0.0e+00;
	v4 =	vadd.f32 v10, v4  }
0x3c6: {  	v58 =	vld [tilespmem:s16+$0xF0];
	[tilespmem:s15+$0xFFFFFFE0] =	vst v5;
	v59 =	vmax.f32 v6, $0.0e+00  }
0x3c7: {  	v61 =	vld [tilespmem:s16+$0xFFFFFFF0];
	v4 =	vmax.f32 v4, $0.0e+00;
	[tilespmem:s15+$0x60] =	vst v59  }
0x3c8: {  	[tilespmem:s15+$0xFFFFFF60] =	vst v4;
	v62 =	vld [tilespmem:s16+$0x70]  }
0x3c9: {  	v60 =	vld [tilespmem:s16+$0xFFFFFF70];
	_ =	sdelay $0x1  }
0x3ca: {  	v7 =	vadd.f32 v58, v7  }
0x3cb: {  	v2 =	vadd.f32 v61, v2  }
0x3cc: {  	v63 =	vmax.f32 v7, $0.0e+00;
	v1 =	vadd.f32 v62, v1  }
0x3cd: {  	[tilespmem:s15+$0xF0] =	vst v63;
	v2 =	vmax.f32 v2, $0.0e+00;
	v3 =	vadd.f32 v60, v3  }
0x3ce: {  	[tilespmem:s15+$0xFFFFFFF0] =	vst v2;
	v1 =	vmax.f32 v1, $0.0e+00  }
0x3cf: {  	s0 =	simm.s32 @!p1 $0x50;
	v3 =	vmax.f32 v3, $0.0e+00;
	[tilespmem:s15+$0x70] =	vst v1  }
0x3d0: {  	s4 =	simm.s32 @!p1 $0x2D0;
	s7 =	simm.s32 @!p1 $0x55A0;
	s14 =	sadd.s32 $0x1, s14;
	[tilespmem:s15+$0xFFFFFF70] =	vst v3  }
0x3d1: {  	[spmem:s3] =	stream.indirect.scatter.add.f32 @!p1 [tilespmem:s7], [sflag:$0x8], $0x80, s4, s0, $0xb8;
	[tilespmem:$0x1E1A0] =	vst v63  }
0x3d2: {  	s0 =	simm.s32 @p0 $0x50;
	s4 =	simm.s32 @p0 $0x550;
	s7 =	simm.s32 @p0 $0x55A0  }
0x3d3: {  	[spmem:s3] =	stream.indirect.scatter.add.f32 @p0 [tilespmem:s7], [sflag:$0x8], $0x80, s4, s0, $0xb8;
	[tilespmem:$0x1E1A0] =	vst v63  }
0x3d4: {  	p0 =	sne.s32 s14, $0x1F  }
.Ltmp9:
0x3d5: {  	_ = 	snop;
	(pc) =	sbr.rel @p0 .LBB2_6-.Ltmp9, $1  }
0x3d6: {  	_ =	sdelay $0x3  }
0x3d7: {  	_ =	swait.ge [sflag:s8], $0x2800  }
0x3d8: {  	[sflag:s8] =	ssyncset.done $0x0  }
0x3d9: {  	[sflag:s8] =	ssyncadd.s32 $0xFFFFD800  }
0x3da: {  	s0 =	stileid.u32;
	[bflag:$0x0] =	sbarrier.arrive $0xFFFF  }
0x3db: {  	s0 =	sshll.u32 s0, $0x6;
	s7 =	rddreg [dreg:$0x6]  }
0x3dc: {  	s0 =	sor.u32 $0x1C0A, s0;
	s14 =	rddreg [dreg:$0x12];
	s4 =	sshrl.u32 s7, $0x3  }
0x3dd: {  	[hbm:s14], [sflag:s0] =	dma.local [spmem:s4], $0x2780  }
0x3de: {  	_ =	swait.ge [sflag:s26], $0x2780  }
0x3df: {  	s13 =	sadd.s32 $0x1, s13;
	s24 =	rddreg [dreg:$0x13]  }
0x3e0: {  	p0 =	sne.s32 s13, s24  }
.Ltmp10:
0x3e1: {  	_ = 	snop;
	(pc) =	sbr.rel @p0 .LBB2_1-.Ltmp10, $3  }
0x3e2: {  	_ =	sdelay $0x1  }
0x3e3: {  	[sflag:s26] =	ssyncset.done $0x0  }
0x3e4: {  	[sflag:s26] =	ssyncadd.s32 $0xFFFFD880  }
0x3e5: {  	_ =	sfence.sel $0x180000  }
0x3e6: {  	[bflag:$0x0] =	sbarrier.arrive $0xFFFF  }
0x3e7: {  	_ =	strace $0x90000047  }
0x3e8: {  	s0 =	stileid.u32;
	[bflag:$0x2] =	sbarrier.arrive $0xFFFF  }
0x3e9: {  	p0 =	sne.s32 s0, $0x0;
	s0 =	rddreg [dreg:$0x5]  }
0x3ea: {  	s0 =	sadd.s32 @!p0 $0x100000, s0  }
0x3eb: {  	[sflag:s0] =	ssyncadd.tile.s32 @!p0 $0x1;
	_ =	shalt  }
.Lfunc_end2:
_tile_overlayer_lowered:
.L_overlay_start_2:
0x3ec: {  	(tag) =	ssettag $0x2  }
0x3ed: {  	s0 =	rddreg [dreg:$0x0];
	s2 =	stileid.u32  }
0x3ee: {  	s1 =	rddreg [dreg:$0x1];
	p0 =	sne.s32 s2, $0x0  }
0x3ef: {  	s3 =	rddreg [dreg:$0x2];
	[bflag:$0x3] =	sbarrier.arrive $0xFFFF;
	s2 =	simm.s32 @!p0 $0x1C0A  }
0x3f0: {  	[timem:s3], [sflag:s2] =	dma.local @!p0 [hbm:s0], s1  }
0x3f1: {  	s0 =	simm.s32 @!p0 $0xA  }
0x3f2: {  	_ =	swait.ge @!p0 [sflag:s0], s1  }
0x3f3: {  	s1 =	ssub.s32 @!p0 $0x0, s1;
	[sflag:s0] =	ssyncset.done @!p0 $0x0  }
0x3f4: {  	[sflag:s0] =	ssyncadd.s32 @!p0 s1  }
0x3f5: {  	[bflag:$0x3] =	sbarrier.arrive $0xFFFF  }
0x3f6: {  	_ =	shalt  }

</sc_bundles>
